<compile_context>
chip_gen: v7x
topology: tpu7x:2x2x1
jax: 0.10.2.dev20260603
libtpu: 0.0.44.dev20260713+nightly
codegen_flags: <defaults>
</compile_context>

<pallas_src>
import functools
import jax
import jax.numpy as jnp
from jax import lax
from jax.experimental import pallas as pl
from jax.experimental.pallas import tpu as pltpu, tpu_sc as plsc

NC = 2
NS = 16
NW = NC * NS
CH = 128



def _sc_deg(n_pad, ce):
    rows_per_tile = n_pad // NS
    mesh = plsc.VectorSubcoreMesh(core_axis_name="c", subcore_axis_name="s")

    @functools.partial(
        pl.kernel,
        out_type=jax.ShapeDtypeStruct((NC * n_pad,), jnp.float32),
        mesh=mesh,
        scratch_types=[
            pltpu.VMEM((ce,), jnp.int32),
            pltpu.VMEM((n_pad,), jnp.float32),
            pltpu.VMEM((rows_per_tile,), jnp.float32),
            pltpu.VMEM((rows_per_tile,), jnp.float32),
            pltpu.VMEM_SHARED((NS, n_pad), jnp.float32),
        ],
        compiler_params=pltpu.CompilerParams(needs_layout_passes=False),
    )
    def deg_kernel(dst_hbm, out_hbm, idx_v, hist, accum, tmp, shared):
        c = lax.axis_index("c")
        s = lax.axis_index("s")
        wid = s * NC + c
        zeros16 = jnp.zeros((16,), jnp.float32)
        ones16 = jnp.ones((16,), jnp.float32)

        @pl.loop(0, n_pad // 16)
        def _(i):
            hist[pl.ds(i * 16, 16)] = zeros16

        pltpu.sync_copy(dst_hbm.at[wid], idx_v)

        @pl.loop(0, ce // 16)
        def _(i):
            plsc.addupdate_scatter(hist, [idx_v[pl.ds(i * 16, 16)]], ones16)

        pltpu.sync_copy(hist, shared.at[s])
        plsc.subcore_barrier()

        @pl.loop(0, rows_per_tile // 16)
        def _(i):
            accum[pl.ds(i * 16, 16)] = zeros16

        for t in range(NS):
            pltpu.sync_copy(shared.at[t, pl.ds(s * rows_per_tile,
                                               rows_per_tile)], tmp)

            @pl.loop(0, rows_per_tile // 16)
            def _(i):
                sl = pl.ds(i * 16, 16)
                accum[sl] = accum[sl] + tmp[sl]

        pltpu.sync_copy(accum,
                        out_hbm.at[pl.ds(c * n_pad + s * rows_per_tile,
                                         rows_per_tile)])

    return deg_kernel


def _sc_agg(n_pad, nch, d, k0=None, k1=None):
    if k0 is None:
        k0 = k1 = nch
    kmax = max(k0, k1)
    rows_per_tile = n_pad // NS
    mesh = plsc.VectorSubcoreMesh(core_axis_name="c", subcore_axis_name="s")

    @functools.partial(
        pl.kernel,
        out_type=jax.ShapeDtypeStruct((NC * n_pad, d), jnp.float32),
        mesh=mesh,
        scratch_types=[
            pltpu.VMEM((2, CH), jnp.int32),
            pltpu.VMEM((kmax, CH), jnp.int32),
            pltpu.VMEM((2, CH, d), jnp.float32),
            pltpu.VMEM_SHARED((n_pad, d), jnp.float32),
            pltpu.SemaphoreType.DMA((2,)),
        ],
    )
    def agg_kernel(hs_hbm, src_hbm, dst_hbm, zeros_hbm, out_hbm,
                   idx_s, idx_d, rows_v, acc, sems):
        c = lax.axis_index("c")
        s = lax.axis_index("s")
        wid = s * NC + c
        pltpu.sync_copy(zeros_hbm.at[pl.ds(s * rows_per_tile, rows_per_tile)],
                        acc.at[pl.ds(s * rows_per_tile, rows_per_tile)])
        pltpu.sync_copy(dst_hbm.at[wid], idx_d)
        plsc.subcore_barrier()

        pltpu.sync_copy(src_hbm.at[wid, 0], idx_s.at[0])
        pltpu.async_copy(hs_hbm.at[idx_s.at[0]], rows_v.at[0], sems.at[0])
        pltpu.sync_copy(src_hbm.at[wid, 1], idx_s.at[1])

        @pl.loop(0, nch - 1)
        def _(j):
            slot = lax.rem(j, 2)
            nslot = lax.rem(j + 1, 2)
            pltpu.make_async_copy(hs_hbm.at[idx_s.at[slot]], rows_v.at[slot],
                                  sems.at[slot]).wait()
            pltpu.async_copy(hs_hbm.at[idx_s.at[nslot]], rows_v.at[nslot],
                             sems.at[nslot])
            pltpu.sync_copy(rows_v.at[slot], acc.at[idx_d.at[j]], add=True)
            pltpu.sync_copy(src_hbm.at[wid, j + 2], idx_s.at[slot])

        last = lax.rem(nch - 1, 2)
        pltpu.make_async_copy(hs_hbm.at[idx_s.at[last]], rows_v.at[last],
                              sems.at[last]).wait()
        pltpu.sync_copy(rows_v.at[last], acc.at[idx_d.at[nch - 1]], add=True)

        plsc.subcore_barrier()
        pltpu.sync_copy(acc.at[pl.ds(s * rows_per_tile, rows_per_tile)],
                        out_hbm.at[pl.ds(c * n_pad + s * rows_per_tile,
                                         rows_per_tile)])

    return agg_kernel



def _tc_matmul(n_pad, f, k, bm):
    def body(x_ref, w_ref, b_ref, out_ref):
        out_ref[...] = jnp.dot(x_ref[...], w_ref[...],
                               preferred_element_type=jnp.float32) + b_ref[...]

    grid = (n_pad // bm,)
    return pl.pallas_call(
        body,
        grid=grid,
        in_specs=[
            pl.BlockSpec((bm, f), lambda i: (i, 0)),
            pl.BlockSpec((f, k), lambda i: (0, 0)),
            pl.BlockSpec((1, k), lambda i: (0, 0)),
        ],
        out_specs=pl.BlockSpec((bm, k), lambda i: (i, 0)),
        out_shape=jax.ShapeDtypeStruct((n_pad, k), jnp.float32),
    )


def _tc_scale(n_pad, h, bm):
    def body(h1_ref, p0_ref, p1_ref, hs_ref, dis_ref):
        deg = p0_ref[:, 0:1] + p1_ref[:, 0:1] + 1.0
        dis = lax.rsqrt(jnp.maximum(deg, 1.0))
        hs_ref[...] = h1_ref[...] * dis
        dis_ref[...] = jnp.broadcast_to(dis, (bm, 8))

    grid = (n_pad // bm,)
    return pl.pallas_call(
        body,
        grid=grid,
        in_specs=[
            pl.BlockSpec((bm, h), lambda i: (i, 0)),
            pl.BlockSpec((bm, 8), lambda i: (i, 0)),
            pl.BlockSpec((bm, 8), lambda i: (i, 0)),
        ],
        out_specs=[
            pl.BlockSpec((bm, h), lambda i: (i, 0)),
            pl.BlockSpec((bm, 8), lambda i: (i, 0)),
        ],
        out_shape=[
            jax.ShapeDtypeStruct((n_pad, h), jnp.float32),
            jax.ShapeDtypeStruct((n_pad, 8), jnp.float32),
        ],
    )


def _tc_layer2(n_pad, h, bm):
    def body(hs_ref, p0_ref, p1_ref, dis_ref, b1_ref, w_ref, out_ref):
        dis = dis_ref[:, 0:1]
        agg = (p0_ref[...] + p1_ref[...] + hs_ref[...]) * dis + b1_ref[...]
        z1 = jnp.maximum(agg, 0.0)
        out_ref[...] = jnp.dot(z1, w_ref[...],
                               preferred_element_type=jnp.float32) * dis

    grid = (n_pad // bm,)
    return pl.pallas_call(
        body,
        grid=grid,
        in_specs=[
            pl.BlockSpec((bm, h), lambda i: (i, 0)),
            pl.BlockSpec((bm, h), lambda i: (i, 0)),
            pl.BlockSpec((bm, h), lambda i: (i, 0)),
            pl.BlockSpec((bm, 8), lambda i: (i, 0)),
            pl.BlockSpec((1, h), lambda i: (0, 0)),
            pl.BlockSpec((h, h), lambda i: (0, 0)),
        ],
        out_specs=pl.BlockSpec((bm, h), lambda i: (i, 0)),
        out_shape=jax.ShapeDtypeStruct((n_pad, h), jnp.float32),
    )


def _tc_gru_head(n_pad, h, bm):
    def body(hs_ref, p0_ref, p1_ref, dis_ref, bvec_ref, h0_ref,
             wih_ref, gh_ref, bih_ref, whd_ref, bhd_ref,
             hn_ref, th_ref):
        dis = dis_ref[:, 0:1]
        z = (p0_ref[...] + p1_ref[...] + hs_ref[...]) * dis + bvec_ref[...]
        h0 = h0_ref[...]
        gi = jnp.dot(z, wih_ref[...],
                     preferred_element_type=jnp.float32) + bih_ref[...]
        gh = gh_ref[...]
        r = jax.nn.sigmoid(gi[:, :h] + gh[:, :h])
        zz = jax.nn.sigmoid(gi[:, h:2 * h] + gh[:, h:2 * h])
        nn_ = jnp.tanh(gi[:, 2 * h:] + r * gh[:, 2 * h:])
        h_next = (1.0 - zz) * nn_ + zz * h0
        hn_ref[...] = h_next
        th_ref[...] = jnp.dot(h_next, whd_ref[...],
                              preferred_element_type=jnp.float32) + bhd_ref[...]

    grid = (n_pad // bm,)
    return pl.pallas_call(
        body,
        grid=grid,
        in_specs=[
            pl.BlockSpec((bm, h), lambda i: (i, 0)),
            pl.BlockSpec((bm, h), lambda i: (i, 0)),
            pl.BlockSpec((bm, h), lambda i: (i, 0)),
            pl.BlockSpec((bm, 8), lambda i: (i, 0)),
            pl.BlockSpec((1, h), lambda i: (0, 0)),
            pl.BlockSpec((bm, h), lambda i: (i, 0)),
            pl.BlockSpec((h, 3 * h), lambda i: (0, 0)),
            pl.BlockSpec((bm, 3 * h), lambda i: (i, 0)),
            pl.BlockSpec((1, 3 * h), lambda i: (0, 0)),
            pl.BlockSpec((h, 8), lambda i: (0, 0)),
            pl.BlockSpec((1, 8), lambda i: (0, 0)),
        ],
        out_specs=[
            pl.BlockSpec((bm, h), lambda i: (i, 0)),
            pl.BlockSpec((bm, 8), lambda i: (i, 0)),
        ],
        out_shape=[
            jax.ShapeDtypeStruct((n_pad, h), jnp.float32),
            jax.ShapeDtypeStruct((n_pad, 8), jnp.float32),
        ],
    )



@jax.jit
def _run(g, x, t_over_t, h_prev, W1, b1, W2, b2, Wt, bt,
         W_ih, W_hh, b_ih, b_hh, W_head, b_head):
    n, f = x.shape
    h = W1.shape[1]
    e = g.shape[1]

    n_pad = ((n + 1 + 1023) // 1024) * 1024
    ce = ((e + NW - 1) // NW + CH - 1) // CH * CH
    nch = ce // CH
    e_pad = ce * NW

    src = g[0].astype(jnp.int32)
    dst = g[1].astype(jnp.int32)
    fill = jnp.full((e_pad - e,), n, dtype=jnp.int32)
    src_p = jnp.concatenate([src, fill])
    dst_p = jnp.concatenate([dst, fill])
    dst_even = dst_p.reshape(NW, ce)
    k0 = k1 = nch

    src_r = src_p.reshape(NW, nch, CH)
    src_r = jnp.concatenate(
        [src_r, jnp.full((NW, 1, CH), n, dtype=jnp.int32)], axis=1)
    dst_r = dst_p.reshape(NW, nch, CH)

    x_pad = jnp.zeros((n_pad, f), x.dtype).at[:n].set(x)
    h0_pad = jnp.zeros((n_pad, h), x.dtype).at[:n].set(h_prev[0])
    zeros_big = jnp.zeros((n_pad, h), jnp.float32)

    deg_parts = _sc_deg(n_pad, ce)(dst_even)
    dp0 = jnp.broadcast_to(deg_parts[:n_pad, None], (n_pad, 8))
    dp1 = jnp.broadcast_to(deg_parts[n_pad:, None], (n_pad, 8))

    zero_h = jnp.zeros((1, h), jnp.float32)
    h1 = _tc_matmul(n_pad, f, h, 1024)(x_pad, W1, zero_h)
    hs1, dis = _tc_scale(n_pad, h, 1024)(h1, dp0, dp1)

    agg = _sc_agg(n_pad, nch, h, k0, k1)
    parts1 = agg(hs1, src_r, dst_r, zeros_big)
    hs2 = _tc_layer2(n_pad, h, 1024)(
        hs1, parts1[:n_pad], parts1[n_pad:], dis, b1.reshape(1, h), W2)

    parts2 = agg(hs2, src_r, dst_r, zeros_big)

    gh = _tc_matmul(n_pad, h, 3 * h, 1024)(h0_pad, W_hh.T,
                                           b_hh.reshape(1, 3 * h))

    bvec = (b2 + bt + t_over_t[0] * Wt[:, 0]).reshape(1, h)
    whd = jnp.zeros((h, 8), jnp.float32).at[:, :3].set(W_head.T)
    bhd = jnp.zeros((1, 8), jnp.float32).at[0, :3].set(b_head)
    h_next_pad, theta_pad = _tc_gru_head(n_pad, h, 1024)(
        hs2, parts2[:n_pad], parts2[n_pad:], dis, bvec, h0_pad,
        W_ih.T, gh, b_ih.reshape(1, 3 * h),
        whd, bhd)

    return theta_pad[:n, :3], h_next_pad[:n]


def kernel(g, x, t_over_t, h_prev, W1, b1, W2, b2, Wt, bt,
           W_ih, W_hh, b_ih, b_hh, W_head, b_head):
    return _run(g, x, t_over_t, h_prev, W1, b1, W2, b2, Wt, bt,
                W_ih, W_hh, b_ih, b_hh, W_head, b_head)

# --- scband reference (transcript-rebuilt; emitter-appended) ---
"""Pipeline reference for scband-gnntemporal-policy-53437983097503 (READ-ONLY COPY).

The authoritative reference and input builder live on the scoring server;
editing this copy changes nothing except your own understanding.
"""

import jax, jax.numpy as jnp
import numpy as np

N = 10000
E = 320000
F = 128
H = 128


def setup_inputs(seed: int = 0) -> dict:
    key = jax.random.key(seed)
    ks = jax.random.split(key, 12)
    g = jax.random.randint(ks[0], (2, E), 0, N)
    x = jax.random.normal(ks[1], (N, F), dtype=jnp.float32)
    t_over_t = jax.random.uniform(ks[2], (1,), dtype=jnp.float32)
    h_prev = jax.random.normal(ks[3], (1, N, H), dtype=jnp.float32) * 0.1
    # TwoLayerGCN params
    W1 = jax.random.normal(ks[4], (F, H), dtype=jnp.float32) * (1.0 / np.sqrt(F))
    b1 = jnp.zeros((H,), dtype=jnp.float32)
    W2 = jax.random.normal(ks[5], (H, H), dtype=jnp.float32) * (1.0 / np.sqrt(H))
    b2 = jnp.zeros((H,), dtype=jnp.float32)
    # time_proj is zero-initialized in the torch module
    Wt = jnp.zeros((H, 1), dtype=jnp.float32)
    bt = jnp.zeros((H,), dtype=jnp.float32)
    # GRU params (single layer, unidirectional, torch layout)
    W_ih = jax.random.normal(ks[6], (3 * H, H), dtype=jnp.float32) * (1.0 / np.sqrt(H))
    W_hh = jax.random.normal(ks[7], (3 * H, H), dtype=jnp.float32) * (1.0 / np.sqrt(H))
    b_ih = jnp.zeros((3 * H,), dtype=jnp.float32)
    b_hh = jnp.zeros((3 * H,), dtype=jnp.float32)
    # CoinEulerHead (unbounded): Linear(H, 3)
    W_head = jax.random.normal(ks[8], (3, H), dtype=jnp.float32) * (1.0 / np.sqrt(H))
    b_head = jnp.zeros((3,), dtype=jnp.float32)
    return {
        "g": g, "x": x, "t_over_t": t_over_t, "h_prev": h_prev,
        "W1": W1, "b1": b1, "W2": W2, "b2": b2,
        "Wt": Wt, "bt": bt,
        "W_ih": W_ih, "W_hh": W_hh, "b_ih": b_ih, "b_hh": b_hh,
        "W_head": W_head, "b_head": b_head,
    }


def _gcn_layer(x, src, dst, W, b, n):
    # GCN with added self-loops and symmetric normalization
    loop = jnp.arange(n, dtype=src.dtype)
    s = jnp.concatenate([src, loop])
    d = jnp.concatenate([dst, loop])
    deg = jnp.zeros((n,), dtype=jnp.float32).at[d].add(1.0)
    dis = jax.lax.rsqrt(jnp.maximum(deg, 1.0))
    h = x @ W
    norm = dis[s] * dis[d]
    msg = h[s] * norm[:, None]
    agg = jnp.zeros((n, W.shape[1]), dtype=jnp.float32).at[d].add(msg)
    return agg + b


def reference(g, x, t_over_t, h_prev, W1, b1, W2, b2, Wt, bt, W_ih, W_hh, b_ih, b_hh, W_head, b_head):
    src, dst = g[0], g[1]
    n = x.shape[0]
    # TwoLayerGCN: layer1 -> ReLU -> layer2
    z = jax.nn.relu(_gcn_layer(x, src, dst, W1, b1, n))
    z = _gcn_layer(z, src, dst, W2, b2, n)
    # time embedding (zero-init projection in torch, kept faithful)
    bias = (t_over_t.reshape(1, 1) @ Wt.T + bt).reshape(-1)
    z = z + bias[None, :]
    # GRU: one step, nodes as batch, torch gate equations
    h0 = h_prev[0]
    Hc = h0.shape[1]
    gi = z @ W_ih.T + b_ih
    gh = h0 @ W_hh.T + b_hh
    i_r, i_z, i_n = gi[:, :Hc], gi[:, Hc:2 * Hc], gi[:, 2 * Hc:]
    h_r, h_z, h_n = gh[:, :Hc], gh[:, Hc:2 * Hc], gh[:, 2 * Hc:]
    r = jax.nn.sigmoid(i_r + h_r)
    zz = jax.nn.sigmoid(i_z + h_z)
    nn_ = jnp.tanh(i_n + r * h_n)
    h_next = (1.0 - zz) * nn_ + zz * h0
    # CoinEulerHead, angle_range='unbounded' -> plain linear
    theta_vt = h_next @ W_head.T + b_head
    return theta_vt, h_next

if __name__ == "__main__":
    import jax
    _d = setup_inputs()
    print(jax.jit(kernel)(*tuple(_d.values())))

</pallas_src>

<mosaic_0001>
#map = affine_map<(d0, d1) -> (0, 0)>
#map1 = affine_map<(d0, d1) -> (0)>
module attributes {stable_mosaic.version = 14 : i64} {
  func.func @deg_kernel(%arg0: i32, %arg1: i32, %arg2: memref<32x10112xi32, #tpu.memory_space<hbm>>, %arg3: memref<20480xf32, #tpu.memory_space<hbm>>, %arg4: memref<10112xi32, #tpu.memory_space<vmem>>, %arg5: memref<10240xf32, #tpu.memory_space<vmem>>, %arg6: memref<640xf32, #tpu.memory_space<vmem>>, %arg7: memref<640xf32, #tpu.memory_space<vmem>>, %arg8: memref<16x10240xf32, #tpu.memory_space<vmem_shared>>) attributes {dimension_semantics = [#tpu.dimension_semantics<core_parallel>, #tpu.dimension_semantics<subcore_parallel>], iteration_bounds = array<i64: 2, 16>, scalar_prefetch = 0 : i64, scratch_operands = 5 : i64, tpu.core_type = #tpu.core_type<sc_vector_subcore>, window_params = [{transform_indices = #map}, {transform_indices = #map1}]} {
    %mul3A = arith.constant 2 : i32
    %mul3A_0 = arith.muli %arg1, %mul3A : i32
    %add3A = arith.addi %mul3A_0, %arg0 : i32
    %broadcast_in_dim3A = arith.constant 0.000000e+00 : f32
    %broadcast_in_dim3A_1 = vector.broadcast %broadcast_in_dim3A : f32 to vector<16xf32>
    %broadcast_in_dim3A_2 = arith.constant 1.000000e+00 : f32
    %broadcast_in_dim3A_3 = vector.broadcast %broadcast_in_dim3A_2 : f32 to vector<16xf32>
    %scan3A = arith.constant 0 : i32
    %scan3A_4 = arith.constant 640 : i32
    %scan3A_5 = arith.addi %scan3A, %scan3A_4 : i32
    %scan3A_6 = arith.constant 1 : i32
    scf.for %scan3A_150 = %scan3A to %scan3A_5 step %scan3A_6  : i32 {
      %mul3A_151 = arith.constant 1 : i32
      %mul3A_152 = arith.muli %scan3A_150, %mul3A_151 : i32
      %add3A_153 = arith.constant 0 : i32
      %add3A_154 = arith.addi %add3A_153, %mul3A_152 : i32
      %mul3A_155 = arith.constant 16 : i32
      %mul3A_156 = arith.muli %add3A_154, %mul3A_155 : i32
      %swap3A = arith.index_cast %mul3A_156 : i32 to index
      %swap3A_157 = tpu.vector_load %arg5[%swap3A] {strides = array<i32>} : memref<10240xf32, #tpu.memory_space<vmem>>, vector<16xf32>,
      tpu.vector_store %arg5[%swap3A], %broadcast_in_dim3A_1 {strides = array<i32>} : memref<10240xf32, #tpu.memory_space<vmem>>, vector<16xf32>,
    }
    %scan3A_7 = arith.constant 640 : i32
    "tpu.region"() ({
      %run_scoped3A_150 = tpu.sem_alloc : memref<!tpu.dma_semaphore, #tpu.memory_space<semaphore_mem>>
      %dma_start3A = arith.constant 0 : i32
      %dma_start3A_151 = tpu.memref_slice %arg2[%add3A, %dma_start3A] : memref<32x10112xi32, #tpu.memory_space<hbm>> -> memref<1x10112xi32, #tpu.memory_space<hbm>>
      %dma_start3A_152 = tpu.memref_squeeze %dma_start3A_151 : memref<1x10112xi32, #tpu.memory_space<hbm>> -> memref<10112xi32, #tpu.memory_space<hbm>>
      %dma_start3A_153 = arith.constant 0 : i32
      %dma_start3A_154 = tpu.memref_slice %arg2[%add3A, %dma_start3A_153] : memref<32x10112xi32, #tpu.memory_space<hbm>> -> memref<1x10112xi32, #tpu.memory_space<hbm>>
      %dma_start3A_155 = tpu.memref_squeeze %dma_start3A_154 : memref<1x10112xi32, #tpu.memory_space<hbm>> -> memref<10112xi32, #tpu.memory_space<hbm>>
      tpu.enqueue_dma source(%dma_start3A_155 : memref<10112xi32, #tpu.memory_space<hbm>>) target(%arg4 : memref<10112xi32, #tpu.memory_space<vmem>>) target_semaphore(%run_scoped3A_150 : memref<!tpu.dma_semaphore, #tpu.memory_space<semaphore_mem>>)
      %dma_wait3A = arith.constant 0 : i32
      %dma_wait3A_156 = tpu.memref_slice %arg2[%add3A, %dma_wait3A] : memref<32x10112xi32, #tpu.memory_space<hbm>> -> memref<1x10112xi32, #tpu.memory_space<hbm>>
      %dma_wait3A_157 = tpu.memref_squeeze %dma_wait3A_156 : memref<1x10112xi32, #tpu.memory_space<hbm>> -> memref<10112xi32, #tpu.memory_space<hbm>>
      %dma_wait3A_158 = arith.constant 0 : i32
      %dma_wait3A_159 = tpu.memref_slice %arg2[%add3A, %dma_wait3A_158] : memref<32x10112xi32, #tpu.memory_space<hbm>> -> memref<1x10112xi32, #tpu.memory_space<hbm>>
      %dma_wait3A_160 = tpu.memref_squeeze %dma_wait3A_159 : memref<1x10112xi32, #tpu.memory_space<hbm>> -> memref<10112xi32, #tpu.memory_space<hbm>>
      tpu.wait_dma2 semaphore(%run_scoped3A_150 : memref<!tpu.dma_semaphore, #tpu.memory_space<semaphore_mem>>) src(%dma_wait3A_160 : memref<10112xi32, #tpu.memory_space<hbm>>) dst(%arg4 : memref<10112xi32, #tpu.memory_space<vmem>>)
      tpu.yield
    }) : () -> ()
    %scan3A_8 = arith.constant 0 : i32
    %scan3A_9 = arith.constant 632 : i32
    %scan3A_10 = arith.addi %scan3A_8, %scan3A_9 : i32
    %scan3A_11 = arith.constant 1 : i32
    scf.for %scan3A_150 = %scan3A_8 to %scan3A_10 step %scan3A_11  : i32 {
      %mul3A_151 = arith.constant 1 : i32
      %mul3A_152 = arith.muli %scan3A_150, %mul3A_151 : i32
      %add3A_153 = arith.constant 0 : i32
      %add3A_154 = arith.addi %add3A_153, %mul3A_152 : i32
      %mul3A_155 = arith.constant 16 : i32
      %mul3A_156 = arith.muli %add3A_154, %mul3A_155 : i32
      %get3A = arith.index_cast %mul3A_156 : i32 to index
      %get3A_157 = tpu.vector_load %arg4[%get3A] {strides = array<i32>} : memref<10112xi32, #tpu.memory_space<vmem>>, vector<16xi32>,
      tpu.vector_store_idx %arg5[%get3A_157], %broadcast_in_dim3A_3 {add = true} : memref<10240xf32, #tpu.memory_space<vmem>>[vector<16xi32>], vector<16xf32>,
    }
    %scan3A_12 = arith.constant 632 : i32
    "tpu.region"() ({
      %run_scoped3A_150 = tpu.sem_alloc : memref<!tpu.dma_semaphore, #tpu.memory_space<semaphore_mem>>
      %dma_start3A = arith.constant 0 : i32
      %dma_start3A_151 = tpu.memref_slice %arg8[%arg1, %dma_start3A] : memref<16x10240xf32, #tpu.memory_space<vmem_shared>> -> memref<1x10240xf32, #tpu.memory_space<vmem_shared>>
      %dma_start3A_152 = tpu.memref_squeeze %dma_start3A_151 : memref<1x10240xf32, #tpu.memory_space<vmem_shared>> -> memref<10240xf32, #tpu.memory_space<vmem_shared>>
      %dma_start3A_153 = arith.constant 0 : i32
      %dma_start3A_154 = tpu.memref_slice %arg8[%arg1, %dma_start3A_153] : memref<16x10240xf32, #tpu.memory_space<vmem_shared>> -> memref<1x10240xf32, #tpu.memory_space<vmem_shared>>
      %dma_start3A_155 = tpu.memref_squeeze %dma_start3A_154 : memref<1x10240xf32, #tpu.memory_space<vmem_shared>> -> memref<10240xf32, #tpu.memory_space<vmem_shared>>
      tpu.enqueue_dma source(%arg5 : memref<10240xf32, #tpu.memory_space<vmem>>) target(%dma_start3A_155 : memref<10240xf32, #tpu.memory_space<vmem_shared>>) target_semaphore(%run_scoped3A_150 : memref<!tpu.dma_semaphore, #tpu.memory_space<semaphore_mem>>)
      %dma_wait3A = arith.constant 0 : i32
      %dma_wait3A_156 = tpu.memref_slice %arg8[%arg1, %dma_wait3A] : memref<16x10240xf32, #tpu.memory_space<vmem_shared>> -> memref<1x10240xf32, #tpu.memory_space<vmem_shared>>
      %dma_wait3A_157 = tpu.memref_squeeze %dma_wait3A_156 : memref<1x10240xf32, #tpu.memory_space<vmem_shared>> -> memref<10240xf32, #tpu.memory_space<vmem_shared>>
      %dma_wait3A_158 = arith.constant 0 : i32
      %dma_wait3A_159 = tpu.memref_slice %arg8[%arg1, %dma_wait3A_158] : memref<16x10240xf32, #tpu.memory_space<vmem_shared>> -> memref<1x10240xf32, #tpu.memory_space<vmem_shared>>
      %dma_wait3A_160 = tpu.memref_squeeze %dma_wait3A_159 : memref<1x10240xf32, #tpu.memory_space<vmem_shared>> -> memref<10240xf32, #tpu.memory_space<vmem_shared>>
      tpu.wait_dma2 semaphore(%run_scoped3A_150 : memref<!tpu.dma_semaphore, #tpu.memory_space<semaphore_mem>>) src(%arg5 : memref<10240xf32, #tpu.memory_space<vmem>>) dst(%dma_wait3A_160 : memref<10240xf32, #tpu.memory_space<vmem_shared>>)
      tpu.yield
    }) : () -> ()
    %barrier3A = arith.constant 0 : index
    tpu.barrier barrier_id(%barrier3A)
    %scan3A_13 = arith.constant 0 : i32
    %scan3A_14 = arith.constant 40 : i32
    %scan3A_15 = arith.addi %scan3A_13, %scan3A_14 : i32
    %scan3A_16 = arith.constant 1 : i32
    scf.for %scan3A_150 = %scan3A_13 to %scan3A_15 step %scan3A_16  : i32 {
      %mul3A_151 = arith.constant 1 : i32
      %mul3A_152 = arith.muli %scan3A_150, %mul3A_151 : i32
      %add3A_153 = arith.constant 0 : i32
      %add3A_154 = arith.addi %add3A_153, %mul3A_152 : i32
      %mul3A_155 = arith.constant 16 : i32
      %mul3A_156 = arith.muli %add3A_154, %mul3A_155 : i32
      %swap3A = arith.index_cast %mul3A_156 : i32 to index
      %swap3A_157 = tpu.vector_load %arg6[%swap3A] {strides = array<i32>} : memref<640xf32, #tpu.memory_space<vmem>>, vector<16xf32>,
      tpu.vector_store %arg6[%swap3A], %broadcast_in_dim3A_1 {strides = array<i32>} : memref<640xf32, #tpu.memory_space<vmem>>, vector<16xf32>,
    }
    %scan3A_17 = arith.constant 40 : i32
    %mul3A_18 = arith.constant 640 : i32
    %mul3A_19 = arith.muli %arg1, %mul3A_18 : i32
    %run_scoped3A = arith.constant 0 : i32
    "tpu.region"() ({
      %run_scoped3A_150 = tpu.sem_alloc : memref<!tpu.dma_semaphore, #tpu.memory_space<semaphore_mem>>
      %dma_start3A = tpu.memref_slice %arg8[%run_scoped3A, %mul3A_19] : memref<16x10240xf32, #tpu.memory_space<vmem_shared>> -> memref<1x640xf32, #tpu.memory_space<vmem_shared>>
      %dma_start3A_151 = tpu.memref_squeeze %dma_start3A : memref<1x640xf32, #tpu.memory_space<vmem_shared>> -> memref<640xf32, #tpu.memory_space<vmem_shared>>
      %dma_start3A_152 = tpu.memref_slice %arg8[%run_scoped3A, %mul3A_19] : memref<16x10240xf32, #tpu.memory_space<vmem_shared>> -> memref<1x640xf32, #tpu.memory_space<vmem_shared>>
      %dma_start3A_153 = tpu.memref_squeeze %dma_start3A_152 : memref<1x640xf32, #tpu.memory_space<vmem_shared>> -> memref<640xf32, #tpu.memory_space<vmem_shared>>
      tpu.enqueue_dma source(%dma_start3A_153 : memref<640xf32, #tpu.memory_space<vmem_shared>>) target(%arg7 : memref<640xf32, #tpu.memory_space<vmem>>) target_semaphore(%run_scoped3A_150 : memref<!tpu.dma_semaphore, #tpu.memory_space<semaphore_mem>>)
      %dma_wait3A = tpu.memref_slice %arg8[%run_scoped3A, %mul3A_19] : memref<16x10240xf32, #tpu.memory_space<vmem_shared>> -> memref<1x640xf32, #tpu.memory_space<vmem_shared>>
      %dma_wait3A_154 = tpu.memref_squeeze %dma_wait3A : memref<1x640xf32, #tpu.memory_space<vmem_shared>> -> memref<640xf32, #tpu.memory_space<vmem_shared>>
      %dma_wait3A_155 = tpu.memref_slice %arg8[%run_scoped3A, %mul3A_19] : memref<16x10240xf32, #tpu.memory_space<vmem_shared>> -> memref<1x640xf32, #tpu.memory_space<vmem_shared>>
      %dma_wait3A_156 = tpu.memref_squeeze %dma_wait3A_155 : memref<1x640xf32, #tpu.memory_space<vmem_shared>> -> memref<640xf32, #tpu.memory_space<vmem_shared>>
      tpu.wait_dma2 semaphore(%run_scoped3A_150 : memref<!tpu.dma_semaphore, #tpu.memory_space<semaphore_mem>>) src(%dma_wait3A_156 : memref<640xf32, #tpu.memory_space<vmem_shared>>) dst(%arg7 : memref<640xf32, #tpu.memory_space<vmem>>)
      tpu.yield
    }) : () -> ()
    %scan3A_20 = arith.constant 0 : i32
    %scan3A_21 = arith.constant 40 : i32
    %scan3A_22 = arith.addi %scan3A_20, %scan3A_21 : i32
    %scan3A_23 = arith.constant 1 : i32
    scf.for %scan3A_150 = %scan3A_20 to %scan3A_22 step %scan3A_23  : i32 {
      %mul3A_151 = arith.constant 1 : i32
      %mul3A_152 = arith.muli %scan3A_150, %mul3A_151 : i32
      %add3A_153 = arith.constant 0 : i32
      %add3A_154 = arith.addi %add3A_153, %mul3A_152 : i32
      %mul3A_155 = arith.constant 16 : i32
      %mul3A_156 = arith.muli %add3A_154, %mul3A_155 : i32
      %get3A = arith.index_cast %mul3A_156 : i32 to index
      %get3A_157 = tpu.vector_load %arg6[%get3A] {strides = array<i32>} : memref<640xf32, #tpu.memory_space<vmem>>, vector<16xf32>,
      %get3A_158 = arith.index_cast %mul3A_156 : i32 to index
      %get3A_159 = tpu.vector_load %arg7[%get3A_158] {strides = array<i32>} : memref<640xf32, #tpu.memory_space<vmem>>, vector<16xf32>,
      %add3A_160 = arith.addf %get3A_157, %get3A_159 : vector<16xf32>
      %swap3A = arith.index_cast %mul3A_156 : i32 to index
      %swap3A_161 = tpu.vector_load %arg6[%swap3A] {strides = array<i32>} : memref<640xf32, #tpu.memory_space<vmem>>, vector<16xf32>,
      tpu.vector_store %arg6[%swap3A], %add3A_160 {strides = array<i32>} : memref<640xf32, #tpu.memory_space<vmem>>, vector<16xf32>,
    }
    %scan3A_24 = arith.constant 40 : i32
    %mul3A_25 = arith.constant 640 : i32
    %mul3A_26 = arith.muli %arg1, %mul3A_25 : i32
    %run_scoped3A_27 = arith.constant 1 : i32
    "tpu.region"() ({
      %run_scoped3A_150 = tpu.sem_alloc : memref<!tpu.dma_semaphore, #tpu.memory_space<semaphore_mem>>
      %dma_start3A = tpu.memref_slice %arg8[%run_scoped3A_27, %mul3A_26] : memref<16x10240xf32, #tpu.memory_space<vmem_shared>> -> memref<1x640xf32, #tpu.memory_space<vmem_shared>>
      %dma_start3A_151 = tpu.memref_squeeze %dma_start3A : memref<1x640xf32, #tpu.memory_space<vmem_shared>> -> memref<640xf32, #tpu.memory_space<vmem_shared>>
      %dma_start3A_152 = tpu.memref_slice %arg8[%run_scoped3A_27, %mul3A_26] : memref<16x10240xf32, #tpu.memory_space<vmem_shared>> -> memref<1x640xf32, #tpu.memory_space<vmem_shared>>
      %dma_start3A_153 = tpu.memref_squeeze %dma_start3A_152 : memref<1x640xf32, #tpu.memory_space<vmem_shared>> -> memref<640xf32, #tpu.memory_space<vmem_shared>>
      tpu.enqueue_dma source(%dma_start3A_153 : memref<640xf32, #tpu.memory_space<vmem_shared>>) target(%arg7 : memref<640xf32, #tpu.memory_space<vmem>>) target_semaphore(%run_scoped3A_150 : memref<!tpu.dma_semaphore, #tpu.memory_space<semaphore_mem>>)
      %dma_wait3A = tpu.memref_slice %arg8[%run_scoped3A_27, %mul3A_26] : memref<16x10240xf32, #tpu.memory_space<vmem_shared>> -> memref<1x640xf32, #tpu.memory_space<vmem_shared>>
      %dma_wait3A_154 = tpu.memref_squeeze %dma_wait3A : memref<1x640xf32, #tpu.memory_space<vmem_shared>> -> memref<640xf32, #tpu.memory_space<vmem_shared>>
      %dma_wait3A_155 = tpu.memref_slice %arg8[%run_scoped3A_27, %mul3A_26] : memref<16x10240xf32, #tpu.memory_space<vmem_shared>> -> memref<1x640xf32, #tpu.memory_space<vmem_shared>>
      %dma_wait3A_156 = tpu.memref_squeeze %dma_wait3A_155 : memref<1x640xf32, #tpu.memory_space<vmem_shared>> -> memref<640xf32, #tpu.memory_space<vmem_shared>>
      tpu.wait_dma2 semaphore(%run_scoped3A_150 : memref<!tpu.dma_semaphore, #tpu.memory_space<semaphore_mem>>) src(%dma_wait3A_156 : memref<640xf32, #tpu.memory_space<vmem_shared>>) dst(%arg7 : memref<640xf32, #tpu.memory_space<vmem>>)
      tpu.yield
    }) : () -> ()
    %scan3A_28 = arith.constant 0 : i32
    %scan3A_29 = arith.constant 40 : i32
    %scan3A_30 = arith.addi %scan3A_28, %scan3A_29 : i32
    %scan3A_31 = arith.constant 1 : i32
    scf.for %scan3A_150 = %scan3A_28 to %scan3A_30 step %scan3A_31  : i32 {
      %mul3A_151 = arith.constant 1 : i32
      %mul3A_152 = arith.muli %scan3A_150, %mul3A_151 : i32
      %add3A_153 = arith.constant 0 : i32
      %add3A_154 = arith.addi %add3A_153, %mul3A_152 : i32
      %mul3A_155 = arith.constant 16 : i32
      %mul3A_156 = arith.muli %add3A_154, %mul3A_155 : i32
      %get3A = arith.index_cast %mul3A_156 : i32 to index
      %get3A_157 = tpu.vector_load %arg6[%get3A] {strides = array<i32>} : memref<640xf32, #tpu.memory_space<vmem>>, vector<16xf32>,
      %get3A_158 = arith.index_cast %mul3A_156 : i32 to index
      %get3A_159 = tpu.vector_load %arg7[%get3A_158] {strides = array<i32>} : memref<640xf32, #tpu.memory_space<vmem>>, vector<16xf32>,
      %add3A_160 = arith.addf %get3A_157, %get3A_159 : vector<16xf32>
      %swap3A = arith.index_cast %mul3A_156 : i32 to index
      %swap3A_161 = tpu.vector_load %arg6[%swap3A] {strides = array<i32>} : memref<640xf32, #tpu.memory_space<vmem>>, vector<16xf32>,
      tpu.vector_store %arg6[%swap3A], %add3A_160 {strides = array<i32>} : memref<640xf32, #tpu.memory_space<vmem>>, vector<16xf32>,
    }
    %scan3A_32 = arith.constant 40 : i32
    %mul3A_33 = arith.constant 640 : i32
    %mul3A_34 = arith.muli %arg1, %mul3A_33 : i32
    %run_scoped3A_35 = arith.constant 2 : i32
    "tpu.region"() ({
      %run_scoped3A_150 = tpu.sem_alloc : memref<!tpu.dma_semaphore, #tpu.memory_space<semaphore_mem>>
      %dma_start3A = tpu.memref_slice %arg8[%run_scoped3A_35, %mul3A_34] : memref<16x10240xf32, #tpu.memory_space<vmem_shared>> -> memref<1x640xf32, #tpu.memory_space<vmem_shared>>
      %dma_start3A_151 = tpu.memref_squeeze %dma_start3A : memref<1x640xf32, #tpu.memory_space<vmem_shared>> -> memref<640xf32, #tpu.memory_space<vmem_shared>>
      %dma_start3A_152 = tpu.memref_slice %arg8[%run_scoped3A_35, %mul3A_34] : memref<16x10240xf32, #tpu.memory_space<vmem_shared>> -> memref<1x640xf32, #tpu.memory_space<vmem_shared>>
      %dma_start3A_153 = tpu.memref_squeeze %dma_start3A_152 : memref<1x640xf32, #tpu.memory_space<vmem_shared>> -> memref<640xf32, #tpu.memory_space<vmem_shared>>
      tpu.enqueue_dma source(%dma_start3A_153 : memref<640xf32, #tpu.memory_space<vmem_shared>>) target(%arg7 : memref<640xf32, #tpu.memory_space<vmem>>) target_semaphore(%run_scoped3A_150 : memref<!tpu.dma_semaphore, #tpu.memory_space<semaphore_mem>>)
      %dma_wait3A = tpu.memref_slice %arg8[%run_scoped3A_35, %mul3A_34] : memref<16x10240xf32, #tpu.memory_space<vmem_shared>> -> memref<1x640xf32, #tpu.memory_space<vmem_shared>>
      %dma_wait3A_154 = tpu.memref_squeeze %dma_wait3A : memref<1x640xf32, #tpu.memory_space<vmem_shared>> -> memref<640xf32, #tpu.memory_space<vmem_shared>>
      %dma_wait3A_155 = tpu.memref_slice %arg8[%run_scoped3A_35, %mul3A_34] : memref<16x10240xf32, #tpu.memory_space<vmem_shared>> -> memref<1x640xf32, #tpu.memory_space<vmem_shared>>
      %dma_wait3A_156 = tpu.memref_squeeze %dma_wait3A_155 : memref<1x640xf32, #tpu.memory_space<vmem_shared>> -> memref<640xf32, #tpu.memory_space<vmem_shared>>
      tpu.wait_dma2 semaphore(%run_scoped3A_150 : memref<!tpu.dma_semaphore, #tpu.memory_space<semaphore_mem>>) src(%dma_wait3A_156 : memref<640xf32, #tpu.memory_space<vmem_shared>>) dst(%arg7 : memref<640xf32, #tpu.memory_space<vmem>>)
      tpu.yield
    }) : () -> ()
    %scan3A_36 = arith.constant 0 : i32
    %scan3A_37 = arith.constant 40 : i32
    %scan3A_38 = arith.addi %scan3A_36, %scan3A_37 : i32
    %scan3A_39 = arith.constant 1 : i32
    scf.for %scan3A_150 = %scan3A_36 to %scan3A_38 step %scan3A_39  : i32 {
      %mul3A_151 = arith.constant 1 : i32
      %mul3A_152 = arith.muli %scan3A_150, %mul3A_151 : i32
      %add3A_153 = arith.constant 0 : i32
      %add3A_154 = arith.addi %add3A_153, %mul3A_152 : i32
      %mul3A_155 = arith.constant 16 : i32
      %mul3A_156 = arith.muli %add3A_154, %mul3A_155 : i32
      %get3A = arith.index_cast %mul3A_156 : i32 to index
      %get3A_157 = tpu.vector_load %arg6[%get3A] {strides = array<i32>} : memref<640xf32, #tpu.memory_space<vmem>>, vector<16xf32>,
      %get3A_158 = arith.index_cast %mul3A_156 : i32 to index
      %get3A_159 = tpu.vector_load %arg7[%get3A_158] {strides = array<i32>} : memref<640xf32, #tpu.memory_space<vmem>>, vector<16xf32>,
      %add3A_160 = arith.addf %get3A_157, %get3A_159 : vector<16xf32>
      %swap3A = arith.index_cast %mul3A_156 : i32 to index
      %swap3A_161 = tpu.vector_load %arg6[%swap3A] {strides = array<i32>} : memref<640xf32, #tpu.memory_space<vmem>>, vector<16xf32>,
      tpu.vector_store %arg6[%swap3A], %add3A_160 {strides = array<i32>} : memref<640xf32, #tpu.memory_space<vmem>>, vector<16xf32>,
    }
    %scan3A_40 = arith.constant 40 : i32
    %mul3A_41 = arith.constant 640 : i32
    %mul3A_42 = arith.muli %arg1, %mul3A_41 : i32
    %run_scoped3A_43 = arith.constant 3 : i32
    "tpu.region"() ({
      %run_scoped3A_150 = tpu.sem_alloc : memref<!tpu.dma_semaphore, #tpu.memory_space<semaphore_mem>>
      %dma_start3A = tpu.memref_slice %arg8[%run_scoped3A_43, %mul3A_42] : memref<16x10240xf32, #tpu.memory_space<vmem_shared>> -> memref<1x640xf32, #tpu.memory_space<vmem_shared>>
      %dma_start3A_151 = tpu.memref_squeeze %dma_start3A : memref<1x640xf32, #tpu.memory_space<vmem_shared>> -> memref<640xf32, #tpu.memory_space<vmem_shared>>
      %dma_start3A_152 = tpu.memref_slice %arg8[%run_scoped3A_43, %mul3A_42] : memref<16x10240xf32, #tpu.memory_space<vmem_shared>> -> memref<1x640xf32, #tpu.memory_space<vmem_shared>>
      %dma_start3A_153 = tpu.memref_squeeze %dma_start3A_152 : memref<1x640xf32, #tpu.memory_space<vmem_shared>> -> memref<640xf32, #tpu.memory_space<vmem_shared>>
      tpu.enqueue_dma source(%dma_start3A_153 : memref<640xf32, #tpu.memory_space<vmem_shared>>) target(%arg7 : memref<640xf32, #tpu.memory_space<vmem>>) target_semaphore(%run_scoped3A_150 : memref<!tpu.dma_semaphore, #tpu.memory_space<semaphore_mem>>)
      %dma_wait3A = tpu.memref_slice %arg8[%run_scoped3A_43, %mul3A_42] : memref<16x10240xf32, #tpu.memory_space<vmem_shared>> -> memref<1x640xf32, #tpu.memory_space<vmem_shared>>
      %dma_wait3A_154 = tpu.memref_squeeze %dma_wait3A : memref<1x640xf32, #tpu.memory_space<vmem_shared>> -> memref<640xf32, #tpu.memory_space<vmem_shared>>
      %dma_wait3A_155 = tpu.memref_slice %arg8[%run_scoped3A_43, %mul3A_42] : memref<16x10240xf32, #tpu.memory_space<vmem_shared>> -> memref<1x640xf32, #tpu.memory_space<vmem_shared>>
      %dma_wait3A_156 = tpu.memref_squeeze %dma_wait3A_155 : memref<1x640xf32, #tpu.memory_space<vmem_shared>> -> memref<640xf32, #tpu.memory_space<vmem_shared>>
      tpu.wait_dma2 semaphore(%run_scoped3A_150 : memref<!tpu.dma_semaphore, #tpu.memory_space<semaphore_mem>>) src(%dma_wait3A_156 : memref<640xf32, #tpu.memory_space<vmem_shared>>) dst(%arg7 : memref<640xf32, #tpu.memory_space<vmem>>)
      tpu.yield
    }) : () -> ()
    %scan3A_44 = arith.constant 0 : i32
    %scan3A_45 = arith.constant 40 : i32
    %scan3A_46 = arith.addi %scan3A_44, %scan3A_45 : i32
    %scan3A_47 = arith.constant 1 : i32
    scf.for %scan3A_150 = %scan3A_44 to %scan3A_46 step %scan3A_47  : i32 {
      %mul3A_151 = arith.constant 1 : i32
      %mul3A_152 = arith.muli %scan3A_150, %mul3A_151 : i32
      %add3A_153 = arith.constant 0 : i32
      %add3A_154 = arith.addi %add3A_153, %mul3A_152 : i32
      %mul3A_155 = arith.constant 16 : i32
      %mul3A_156 = arith.muli %add3A_154, %mul3A_155 : i32
      %get3A = arith.index_cast %mul3A_156 : i32 to index
      %get3A_157 = tpu.vector_load %arg6[%get3A] {strides = array<i32>} : memref<640xf32, #tpu.memory_space<vmem>>, vector<16xf32>,
      %get3A_158 = arith.index_cast %mul3A_156 : i32 to index
      %get3A_159 = tpu.vector_load %arg7[%get3A_158] {strides = array<i32>} : memref<640xf32, #tpu.memory_space<vmem>>, vector<16xf32>,
      %add3A_160 = arith.addf %get3A_157, %get3A_159 : vector<16xf32>
      %swap3A = arith.index_cast %mul3A_156 : i32 to index
      %swap3A_161 = tpu.vector_load %arg6[%swap3A] {strides = array<i32>} : memref<640xf32, #tpu.memory_space<vmem>>, vector<16xf32>,
      tpu.vector_store %arg6[%swap3A], %add3A_160 {strides = array<i32>} : memref<640xf32, #tpu.memory_space<vmem>>, vector<16xf32>,
    }
    %scan3A_48 = arith.constant 40 : i32
    %mul3A_49 = arith.constant 640 : i32
    %mul3A_50 = arith.muli %arg1, %mul3A_49 : i32
    %run_scoped3A_51 = arith.constant 4 : i32
    "tpu.region"() ({
      %run_scoped3A_150 = tpu.sem_alloc : memref<!tpu.dma_semaphore, #tpu.memory_space<semaphore_mem>>
      %dma_start3A = tpu.memref_slice %arg8[%run_scoped3A_51, %mul3A_50] : memref<16x10240xf32, #tpu.memory_space<vmem_shared>> -> memref<1x640xf32, #tpu.memory_space<vmem_shared>>
      %dma_start3A_151 = tpu.memref_squeeze %dma_start3A : memref<1x640xf32, #tpu.memory_space<vmem_shared>> -> memref<640xf32, #tpu.memory_space<vmem_shared>>
      %dma_start3A_152 = tpu.memref_slice %arg8[%run_scoped3A_51, %mul3A_50] : memref<16x10240xf32, #tpu.memory_space<vmem_shared>> -> memref<1x640xf32, #tpu.memory_space<vmem_shared>>
      %dma_start3A_153 = tpu.memref_squeeze %dma_start3A_152 : memref<1x640xf32, #tpu.memory_space<vmem_shared>> -> memref<640xf32, #tpu.memory_space<vmem_shared>>
      tpu.enqueue_dma source(%dma_start3A_153 : memref<640xf32, #tpu.memory_space<vmem_shared>>) target(%arg7 : memref<640xf32, #tpu.memory_space<vmem>>) target_semaphore(%run_scoped3A_150 : memref<!tpu.dma_semaphore, #tpu.memory_space<semaphore_mem>>)
      %dma_wait3A = tpu.memref_slice %arg8[%run_scoped3A_51, %mul3A_50] : memref<16x10240xf32, #tpu.memory_space<vmem_shared>> -> memref<1x640xf32, #tpu.memory_space<vmem_shared>>
      %dma_wait3A_154 = tpu.memref_squeeze %dma_wait3A : memref<1x640xf32, #tpu.memory_space<vmem_shared>> -> memref<640xf32, #tpu.memory_space<vmem_shared>>
      %dma_wait3A_155 = tpu.memref_slice %arg8[%run_scoped3A_51, %mul3A_50] : memref<16x10240xf32, #tpu.memory_space<vmem_shared>> -> memref<1x640xf32, #tpu.memory_space<vmem_shared>>
      %dma_wait3A_156 = tpu.memref_squeeze %dma_wait3A_155 : memref<1x640xf32, #tpu.memory_space<vmem_shared>> -> memref<640xf32, #tpu.memory_space<vmem_shared>>
      tpu.wait_dma2 semaphore(%run_scoped3A_150 : memref<!tpu.dma_semaphore, #tpu.memory_space<semaphore_mem>>) src(%dma_wait3A_156 : memref<640xf32, #tpu.memory_space<vmem_shared>>) dst(%arg7 : memref<640xf32, #tpu.memory_space<vmem>>)
      tpu.yield
    }) : () -> ()
    %scan3A_52 = arith.constant 0 : i32
    %scan3A_53 = arith.constant 40 : i32
    %scan3A_54 = arith.addi %scan3A_52, %scan3A_53 : i32
    %scan3A_55 = arith.constant 1 : i32
    scf.for %scan3A_150 = %scan3A_52 to %scan3A_54 step %scan3A_55  : i32 {
      %mul3A_151 = arith.constant 1 : i32
      %mul3A_152 = arith.muli %scan3A_150, %mul3A_151 : i32
      %add3A_153 = arith.constant 0 : i32
      %add3A_154 = arith.addi %add3A_153, %mul3A_152 : i32
      %mul3A_155 = arith.constant 16 : i32
      %mul3A_156 = arith.muli %add3A_154, %mul3A_155 : i32
      %get3A = arith.index_cast %mul3A_156 : i32 to index
      %get3A_157 = tpu.vector_load %arg6[%get3A] {strides = array<i32>} : memref<640xf32, #tpu.memory_space<vmem>>, vector<16xf32>,
      %get3A_158 = arith.index_cast %mul3A_156 : i32 to index
      %get3A_159 = tpu.vector_load %arg7[%get3A_158] {strides = array<i32>} : memref<640xf32, #tpu.memory_space<vmem>>, vector<16xf32>,
      %add3A_160 = arith.addf %get3A_157, %get3A_159 : vector<16xf32>
      %swap3A = arith.index_cast %mul3A_156 : i32 to index
      %swap3A_161 = tpu.vector_load %arg6[%swap3A] {strides = array<i32>} : memref<640xf32, #tpu.memory_space<vmem>>, vector<16xf32>,
      tpu.vector_store %arg6[%swap3A], %add3A_160 {strides = array<i32>} : memref<640xf32, #tpu.memory_space<vmem>>, vector<16xf32>,
    }
    %scan3A_56 = arith.constant 40 : i32
    %mul3A_57 = arith.constant 640 : i32
    %mul3A_58 = arith.muli %arg1, %mul3A_57 : i32
    %run_scoped3A_59 = arith.constant 5 : i32
    "tpu.region"() ({
      %run_scoped3A_150 = tpu.sem_alloc : memref<!tpu.dma_semaphore, #tpu.memory_space<semaphore_mem>>
      %dma_start3A = tpu.memref_slice %arg8[%run_scoped3A_59, %mul3A_58] : memref<16x10240xf32, #tpu.memory_space<vmem_shared>> -> memref<1x640xf32, #tpu.memory_space<vmem_shared>>
      %dma_start3A_151 = tpu.memref_squeeze %dma_start3A : memref<1x640xf32, #tpu.memory_space<vmem_shared>> -> memref<640xf32, #tpu.memory_space<vmem_shared>>
      %dma_start3A_152 = tpu.memref_slice %arg8[%run_scoped3A_59, %mul3A_58] : memref<16x10240xf32, #tpu.memory_space<vmem_shared>> -> memref<1x640xf32, #tpu.memory_space<vmem_shared>>
      %dma_start3A_153 = tpu.memref_squeeze %dma_start3A_152 : memref<1x640xf32, #tpu.memory_space<vmem_shared>> -> memref<640xf32, #tpu.memory_space<vmem_shared>>
      tpu.enqueue_dma source(%dma_start3A_153 : memref<640xf32, #tpu.memory_space<vmem_shared>>) target(%arg7 : memref<640xf32, #tpu.memory_space<vmem>>) target_semaphore(%run_scoped3A_150 : memref<!tpu.dma_semaphore, #tpu.memory_space<semaphore_mem>>)
      %dma_wait3A = tpu.memref_slice %arg8[%run_scoped3A_59, %mul3A_58] : memref<16x10240xf32, #tpu.memory_space<vmem_shared>> -> memref<1x640xf32, #tpu.memory_space<vmem_shared>>
      %dma_wait3A_154 = tpu.memref_squeeze %dma_wait3A : memref<1x640xf32, #tpu.memory_space<vmem_shared>> -> memref<640xf32, #tpu.memory_space<vmem_shared>>
      %dma_wait3A_155 = tpu.memref_slice %arg8[%run_scoped3A_59, %mul3A_58] : memref<16x10240xf32, #tpu.memory_space<vmem_shared>> -> memref<1x640xf32, #tpu.memory_space<vmem_shared>>
      %dma_wait3A_156 = tpu.memref_squeeze %dma_wait3A_155 : memref<1x640xf32, #tpu.memory_space<vmem_shared>> -> memref<640xf32, #tpu.memory_space<vmem_shared>>
      tpu.wait_dma2 semaphore(%run_scoped3A_150 : memref<!tpu.dma_semaphore, #tpu.memory_space<semaphore_mem>>) src(%dma_wait3A_156 : memref<640xf32, #tpu.memory_space<vmem_shared>>) dst(%arg7 : memref<640xf32, #tpu.memory_space<vmem>>)
      tpu.yield
    }) : () -> ()
    %scan3A_60 = arith.constant 0 : i32
    %scan3A_61 = arith.constant 40 : i32
    %scan3A_62 = arith.addi %scan3A_60, %scan3A_61 : i32
    %scan3A_63 = arith.constant 1 : i32
    scf.for %scan3A_150 = %scan3A_60 to %scan3A_62 step %scan3A_63  : i32 {
      %mul3A_151 = arith.constant 1 : i32
      %mul3A_152 = arith.muli %scan3A_150, %mul3A_151 : i32
      %add3A_153 = arith.constant 0 : i32
      %add3A_154 = arith.addi %add3A_153, %mul3A_152 : i32
      %mul3A_155 = arith.constant 16 : i32
      %mul3A_156 = arith.muli %add3A_154, %mul3A_155 : i32
      %get3A = arith.index_cast %mul3A_156 : i32 to index
      %get3A_157 = tpu.vector_load %arg6[%get3A] {strides = array<i32>} : memref<640xf32, #tpu.memory_space<vmem>>, vector<16xf32>,
      %get3A_158 = arith.index_cast %mul3A_156 : i32 to index
      %get3A_159 = tpu.vector_load %arg7[%get3A_158] {strides = array<i32>} : memref<640xf32, #tpu.memory_space<vmem>>, vector<16xf32>,
      %add3A_160 = arith.addf %get3A_157, %get3A_159 : vector<16xf32>
      %swap3A = arith.index_cast %mul3A_156 : i32 to index
      %swap3A_161 = tpu.vector_load %arg6[%swap3A] {strides = array<i32>} : memref<640xf32, #tpu.memory_space<vmem>>, vector<16xf32>,
      tpu.vector_store %arg6[%swap3A], %add3A_160 {strides = array<i32>} : memref<640xf32, #tpu.memory_space<vmem>>, vector<16xf32>,
    }
    %scan3A_64 = arith.constant 40 : i32
    %mul3A_65 = arith.constant 640 : i32
    %mul3A_66 = arith.muli %arg1, %mul3A_65 : i32
    %run_scoped3A_67 = arith.constant 6 : i32
    "tpu.region"() ({
      %run_scoped3A_150 = tpu.sem_alloc : memref<!tpu.dma_semaphore, #tpu.memory_space<semaphore_mem>>
      %dma_start3A = tpu.memref_slice %arg8[%run_scoped3A_67, %mul3A_66] : memref<16x10240xf32, #tpu.memory_space<vmem_shared>> -> memref<1x640xf32, #tpu.memory_space<vmem_shared>>
      %dma_start3A_151 = tpu.memref_squeeze %dma_start3A : memref<1x640xf32, #tpu.memory_space<vmem_shared>> -> memref<640xf32, #tpu.memory_space<vmem_shared>>
      %dma_start3A_152 = tpu.memref_slice %arg8[%run_scoped3A_67, %mul3A_66] : memref<16x10240xf32, #tpu.memory_space<vmem_shared>> -> memref<1x640xf32, #tpu.memory_space<vmem_shared>>
      %dma_start3A_153 = tpu.memref_squeeze %dma_start3A_152 : memref<1x640xf32, #tpu.memory_space<vmem_shared>> -> memref<640xf32, #tpu.memory_space<vmem_shared>>
      tpu.enqueue_dma source(%dma_start3A_153 : memref<640xf32, #tpu.memory_space<vmem_shared>>) target(%arg7 : memref<640xf32, #tpu.memory_space<vmem>>) target_semaphore(%run_scoped3A_150 : memref<!tpu.dma_semaphore, #tpu.memory_space<semaphore_mem>>)
      %dma_wait3A = tpu.memref_slice %arg8[%run_scoped3A_67, %mul3A_66] : memref<16x10240xf32, #tpu.memory_space<vmem_shared>> -> memref<1x640xf32, #tpu.memory_space<vmem_shared>>
      %dma_wait3A_154 = tpu.memref_squeeze %dma_wait3A : memref<1x640xf32, #tpu.memory_space<vmem_shared>> -> memref<640xf32, #tpu.memory_space<vmem_shared>>
      %dma_wait3A_155 = tpu.memref_slice %arg8[%run_scoped3A_67, %mul3A_66] : memref<16x10240xf32, #tpu.memory_space<vmem_shared>> -> memref<1x640xf32, #tpu.memory_space<vmem_shared>>
      %dma_wait3A_156 = tpu.memref_squeeze %dma_wait3A_155 : memref<1x640xf32, #tpu.memory_space<vmem_shared>> -> memref<640xf32, #tpu.memory_space<vmem_shared>>
      tpu.wait_dma2 semaphore(%run_scoped3A_150 : memref<!tpu.dma_semaphore, #tpu.memory_space<semaphore_mem>>) src(%dma_wait3A_156 : memref<640xf32, #tpu.memory_space<vmem_shared>>) dst(%arg7 : memref<640xf32, #tpu.memory_space<vmem>>)
      tpu.yield
    }) : () -> ()
    %scan3A_68 = arith.constant 0 : i32
    %scan3A_69 = arith.constant 40 : i32
    %scan3A_70 = arith.addi %scan3A_68, %scan3A_69 : i32
    %scan3A_71 = arith.constant 1 : i32
    scf.for %scan3A_150 = %scan3A_68 to %scan3A_70 step %scan3A_71  : i32 {
      %mul3A_151 = arith.constant 1 : i32
      %mul3A_152 = arith.muli %scan3A_150, %mul3A_151 : i32
      %add3A_153 = arith.constant 0 : i32
      %add3A_154 = arith.addi %add3A_153, %mul3A_152 : i32
      %mul3A_155 = arith.constant 16 : i32
      %mul3A_156 = arith.muli %add3A_154, %mul3A_155 : i32
      %get3A = arith.index_cast %mul3A_156 : i32 to index
      %get3A_157 = tpu.vector_load %arg6[%get3A] {strides = array<i32>} : memref<640xf32, #tpu.memory_space<vmem>>, vector<16xf32>,
      %get3A_158 = arith.index_cast %mul3A_156 : i32 to index
      %get3A_159 = tpu.vector_load %arg7[%get3A_158] {strides = array<i32>} : memref<640xf32, #tpu.memory_space<vmem>>, vector<16xf32>,
      %add3A_160 = arith.addf %get3A_157, %get3A_159 : vector<16xf32>
      %swap3A = arith.index_cast %mul3A_156 : i32 to index
      %swap3A_161 = tpu.vector_load %arg6[%swap3A] {strides = array<i32>} : memref<640xf32, #tpu.memory_space<vmem>>, vector<16xf32>,
      tpu.vector_store %arg6[%swap3A], %add3A_160 {strides = array<i32>} : memref<640xf32, #tpu.memory_space<vmem>>, vector<16xf32>,
    }
    %scan3A_72 = arith.constant 40 : i32
    %mul3A_73 = arith.constant 640 : i32
    %mul3A_74 = arith.muli %arg1, %mul3A_73 : i32
    %run_scoped3A_75 = arith.constant 7 : i32
    "tpu.region"() ({
      %run_scoped3A_150 = tpu.sem_alloc : memref<!tpu.dma_semaphore, #tpu.memory_space<semaphore_mem>>
      %dma_start3A = tpu.memref_slice %arg8[%run_scoped3A_75, %mul3A_74] : memref<16x10240xf32, #tpu.memory_space<vmem_shared>> -> memref<1x640xf32, #tpu.memory_space<vmem_shared>>
      %dma_start3A_151 = tpu.memref_squeeze %dma_start3A : memref<1x640xf32, #tpu.memory_space<vmem_shared>> -> memref<640xf32, #tpu.memory_space<vmem_shared>>
      %dma_start3A_152 = tpu.memref_slice %arg8[%run_scoped3A_75, %mul3A_74] : memref<16x10240xf32, #tpu.memory_space<vmem_shared>> -> memref<1x640xf32, #tpu.memory_space<vmem_shared>>
      %dma_start3A_153 = tpu.memref_squeeze %dma_start3A_152 : memref<1x640xf32, #tpu.memory_space<vmem_shared>> -> memref<640xf32, #tpu.memory_space<vmem_shared>>
      tpu.enqueue_dma source(%dma_start3A_153 : memref<640xf32, #tpu.memory_space<vmem_shared>>) target(%arg7 : memref<640xf32, #tpu.memory_space<vmem>>) target_semaphore(%run_scoped3A_150 : memref<!tpu.dma_semaphore, #tpu.memory_space<semaphore_mem>>)
      %dma_wait3A = tpu.memref_slice %arg8[%run_scoped3A_75, %mul3A_74] : memref<16x10240xf32, #tpu.memory_space<vmem_shared>> -> memref<1x640xf32, #tpu.memory_space<vmem_shared>>
      %dma_wait3A_154 = tpu.memref_squeeze %dma_wait3A : memref<1x640xf32, #tpu.memory_space<vmem_shared>> -> memref<640xf32, #tpu.memory_space<vmem_shared>>
      %dma_wait3A_155 = tpu.memref_slice %arg8[%run_scoped3A_75, %mul3A_74] : memref<16x10240xf32, #tpu.memory_space<vmem_shared>> -> memref<1x640xf32, #tpu.memory_space<vmem_shared>>
      %dma_wait3A_156 = tpu.memref_squeeze %dma_wait3A_155 : memref<1x640xf32, #tpu.memory_space<vmem_shared>> -> memref<640xf32, #tpu.memory_space<vmem_shared>>
      tpu.wait_dma2 semaphore(%run_scoped3A_150 : memref<!tpu.dma_semaphore, #tpu.memory_space<semaphore_mem>>) src(%dma_wait3A_156 : memref<640xf32, #tpu.memory_space<vmem_shared>>) dst(%arg7 : memref<640xf32, #tpu.memory_space<vmem>>)
      tpu.yield
    }) : () -> ()
    %scan3A_76 = arith.constant 0 : i32
    %scan3A_77 = arith.constant 40 : i32
    %scan3A_78 = arith.addi %scan3A_76, %scan3A_77 : i32
    %scan3A_79 = arith.constant 1 : i32
    scf.for %scan3A_150 = %scan3A_76 to %scan3A_78 step %scan3A_79  : i32 {
      %mul3A_151 = arith.constant 1 : i32
      %mul3A_152 = arith.muli %scan3A_150, %mul3A_151 : i32
      %add3A_153 = arith.constant 0 : i32
      %add3A_154 = arith.addi %add3A_153, %mul3A_152 : i32
      %mul3A_155 = arith.constant 16 : i32
      %mul3A_156 = arith.muli %add3A_154, %mul3A_155 : i32
      %get3A = arith.index_cast %mul3A_156 : i32 to index
      %get3A_157 = tpu.vector_load %arg6[%get3A] {strides = array<i32>} : memref<640xf32, #tpu.memory_space<vmem>>, vector<16xf32>,
      %get3A_158 = arith.index_cast %mul3A_156 : i32 to index
      %get3A_159 = tpu.vector_load %arg7[%get3A_158] {strides = array<i32>} : memref<640xf32, #tpu.memory_space<vmem>>, vector<16xf32>,
      %add3A_160 = arith.addf %get3A_157, %get3A_159 : vector<16xf32>
      %swap3A = arith.index_cast %mul3A_156 : i32 to index
      %swap3A_161 = tpu.vector_load %arg6[%swap3A] {strides = array<i32>} : memref<640xf32, #tpu.memory_space<vmem>>, vector<16xf32>,
      tpu.vector_store %arg6[%swap3A], %add3A_160 {strides = array<i32>} : memref<640xf32, #tpu.memory_space<vmem>>, vector<16xf32>,
    }
    %scan3A_80 = arith.constant 40 : i32
    %mul3A_81 = arith.constant 640 : i32
    %mul3A_82 = arith.muli %arg1, %mul3A_81 : i32
    %run_scoped3A_83 = arith.constant 8 : i32
    "tpu.region"() ({
      %run_scoped3A_150 = tpu.sem_alloc : memref<!tpu.dma_semaphore, #tpu.memory_space<semaphore_mem>>
      %dma_start3A = tpu.memref_slice %arg8[%run_scoped3A_83, %mul3A_82] : memref<16x10240xf32, #tpu.memory_space<vmem_shared>> -> memref<1x640xf32, #tpu.memory_space<vmem_shared>>
      %dma_start3A_151 = tpu.memref_squeeze %dma_start3A : memref<1x640xf32, #tpu.memory_space<vmem_shared>> -> memref<640xf32, #tpu.memory_space<vmem_shared>>
      %dma_start3A_152 = tpu.memref_slice %arg8[%run_scoped3A_83, %mul3A_82] : memref<16x10240xf32, #tpu.memory_space<vmem_shared>> -> memref<1x640xf32, #tpu.memory_space<vmem_shared>>
      %dma_start3A_153 = tpu.memref_squeeze %dma_start3A_152 : memref<1x640xf32, #tpu.memory_space<vmem_shared>> -> memref<640xf32, #tpu.memory_space<vmem_shared>>
      tpu.enqueue_dma source(%dma_start3A_153 : memref<640xf32, #tpu.memory_space<vmem_shared>>) target(%arg7 : memref<640xf32, #tpu.memory_space<vmem>>) target_semaphore(%run_scoped3A_150 : memref<!tpu.dma_semaphore, #tpu.memory_space<semaphore_mem>>)
      %dma_wait3A = tpu.memref_slice %arg8[%run_scoped3A_83, %mul3A_82] : memref<16x10240xf32, #tpu.memory_space<vmem_shared>> -> memref<1x640xf32, #tpu.memory_space<vmem_shared>>
      %dma_wait3A_154 = tpu.memref_squeeze %dma_wait3A : memref<1x640xf32, #tpu.memory_space<vmem_shared>> -> memref<640xf32, #tpu.memory_space<vmem_shared>>
      %dma_wait3A_155 = tpu.memref_slice %arg8[%run_scoped3A_83, %mul3A_82] : memref<16x10240xf32, #tpu.memory_space<vmem_shared>> -> memref<1x640xf32, #tpu.memory_space<vmem_shared>>
      %dma_wait3A_156 = tpu.memref_squeeze %dma_wait3A_155 : memref<1x640xf32, #tpu.memory_space<vmem_shared>> -> memref<640xf32, #tpu.memory_space<vmem_shared>>
      tpu.wait_dma2 semaphore(%run_scoped3A_150 : memref<!tpu.dma_semaphore, #tpu.memory_space<semaphore_mem>>) src(%dma_wait3A_156 : memref<640xf32, #tpu.memory_space<vmem_shared>>) dst(%arg7 : memref<640xf32, #tpu.memory_space<vmem>>)
      tpu.yield
    }) : () -> ()
    %scan3A_84 = arith.constant 0 : i32
    %scan3A_85 = arith.constant 40 : i32
    %scan3A_86 = arith.addi %scan3A_84, %scan3A_85 : i32
    %scan3A_87 = arith.constant 1 : i32
    scf.for %scan3A_150 = %scan3A_84 to %scan3A_86 step %scan3A_87  : i32 {
      %mul3A_151 = arith.constant 1 : i32
      %mul3A_152 = arith.muli %scan3A_150, %mul3A_151 : i32
      %add3A_153 = arith.constant 0 : i32
      %add3A_154 = arith.addi %add3A_153, %mul3A_152 : i32
      %mul3A_155 = arith.constant 16 : i32
      %mul3A_156 = arith.muli %add3A_154, %mul3A_155 : i32
      %get3A = arith.index_cast %mul3A_156 : i32 to index
      %get3A_157 = tpu.vector_load %arg6[%get3A] {strides = array<i32>} : memref<640xf32, #tpu.memory_space<vmem>>, vector<16xf32>,
      %get3A_158 = arith.index_cast %mul3A_156 : i32 to index
      %get3A_159 = tpu.vector_load %arg7[%get3A_158] {strides = array<i32>} : memref<640xf32, #tpu.memory_space<vmem>>, vector<16xf32>,
      %add3A_160 = arith.addf %get3A_157, %get3A_159 : vector<16xf32>
      %swap3A = arith.index_cast %mul3A_156 : i32 to index
      %swap3A_161 = tpu.vector_load %arg6[%swap3A] {strides = array<i32>} : memref<640xf32, #tpu.memory_space<vmem>>, vector<16xf32>,
      tpu.vector_store %arg6[%swap3A], %add3A_160 {strides = array<i32>} : memref<640xf32, #tpu.memory_space<vmem>>, vector<16xf32>,
    }
    %scan3A_88 = arith.constant 40 : i32
    %mul3A_89 = arith.constant 640 : i32
    %mul3A_90 = arith.muli %arg1, %mul3A_89 : i32
    %run_scoped3A_91 = arith.constant 9 : i32
    "tpu.region"() ({
      %run_scoped3A_150 = tpu.sem_alloc : memref<!tpu.dma_semaphore, #tpu.memory_space<semaphore_mem>>
      %dma_start3A = tpu.memref_slice %arg8[%run_scoped3A_91, %mul3A_90] : memref<16x10240xf32, #tpu.memory_space<vmem_shared>> -> memref<1x640xf32, #tpu.memory_space<vmem_shared>>
      %dma_start3A_151 = tpu.memref_squeeze %dma_start3A : memref<1x640xf32, #tpu.memory_space<vmem_shared>> -> memref<640xf32, #tpu.memory_space<vmem_shared>>
      %dma_start3A_152 = tpu.memref_slice %arg8[%run_scoped3A_91, %mul3A_90] : memref<16x10240xf32, #tpu.memory_space<vmem_shared>> -> memref<1x640xf32, #tpu.memory_space<vmem_shared>>
      %dma_start3A_153 = tpu.memref_squeeze %dma_start3A_152 : memref<1x640xf32, #tpu.memory_space<vmem_shared>> -> memref<640xf32, #tpu.memory_space<vmem_shared>>
      tpu.enqueue_dma source(%dma_start3A_153 : memref<640xf32, #tpu.memory_space<vmem_shared>>) target(%arg7 : memref<640xf32, #tpu.memory_space<vmem>>) target_semaphore(%run_scoped3A_150 : memref<!tpu.dma_semaphore, #tpu.memory_space<semaphore_mem>>)
      %dma_wait3A = tpu.memref_slice %arg8[%run_scoped3A_91, %mul3A_90] : memref<16x10240xf32, #tpu.memory_space<vmem_shared>> -> memref<1x640xf32, #tpu.memory_space<vmem_shared>>
      %dma_wait3A_154 = tpu.memref_squeeze %dma_wait3A : memref<1x640xf32, #tpu.memory_space<vmem_shared>> -> memref<640xf32, #tpu.memory_space<vmem_shared>>
      %dma_wait3A_155 = tpu.memref_slice %arg8[%run_scoped3A_91, %mul3A_90] : memref<16x10240xf32, #tpu.memory_space<vmem_shared>> -> memref<1x640xf32, #tpu.memory_space<vmem_shared>>
      %dma_wait3A_156 = tpu.memref_squeeze %dma_wait3A_155 : memref<1x640xf32, #tpu.memory_space<vmem_shared>> -> memref<640xf32, #tpu.memory_space<vmem_shared>>
      tpu.wait_dma2 semaphore(%run_scoped3A_150 : memref<!tpu.dma_semaphore, #tpu.memory_space<semaphore_mem>>) src(%dma_wait3A_156 : memref<640xf32, #tpu.memory_space<vmem_shared>>) dst(%arg7 : memref<640xf32, #tpu.memory_space<vmem>>)
      tpu.yield
    }) : () -> ()
    %scan3A_92 = arith.constant 0 : i32
    %scan3A_93 = arith.constant 40 : i32
    %scan3A_94 = arith.addi %scan3A_92, %scan3A_93 : i32
    %scan3A_95 = arith.constant 1 : i32
    scf.for %scan3A_150 = %scan3A_92 to %scan3A_94 step %scan3A_95  : i32 {
      %mul3A_151 = arith.constant 1 : i32
      %mul3A_152 = arith.muli %scan3A_150, %mul3A_151 : i32
      %add3A_153 = arith.constant 0 : i32
      %add3A_154 = arith.addi %add3A_153, %mul3A_152 : i32
      %mul3A_155 = arith.constant 16 : i32
      %mul3A_156 = arith.muli %add3A_154, %mul3A_155 : i32
      %get3A = arith.index_cast %mul3A_156 : i32 to index
      %get3A_157 = tpu.vector_load %arg6[%get3A] {strides = array<i32>} : memref<640xf32, #tpu.memory_space<vmem>>, vector<16xf32>,
      %get3A_158 = arith.index_cast %mul3A_156 : i32 to index
      %get3A_159 = tpu.vector_load %arg7[%get3A_158] {strides = array<i32>} : memref<640xf32, #tpu.memory_space<vmem>>, vector<16xf32>,
      %add3A_160 = arith.addf %get3A_157, %get3A_159 : vector<16xf32>
      %swap3A = arith.index_cast %mul3A_156 : i32 to index
      %swap3A_161 = tpu.vector_load %arg6[%swap3A] {strides = array<i32>} : memref<640xf32, #tpu.memory_space<vmem>>, vector<16xf32>,
      tpu.vector_store %arg6[%swap3A], %add3A_160 {strides = array<i32>} : memref<640xf32, #tpu.memory_space<vmem>>, vector<16xf32>,
    }
    %scan3A_96 = arith.constant 40 : i32
    %mul3A_97 = arith.constant 640 : i32
    %mul3A_98 = arith.muli %arg1, %mul3A_97 : i32
    %run_scoped3A_99 = arith.constant 10 : i32
    "tpu.region"() ({
      %run_scoped3A_150 = tpu.sem_alloc : memref<!tpu.dma_semaphore, #tpu.memory_space<semaphore_mem>>
      %dma_start3A = tpu.memref_slice %arg8[%run_scoped3A_99, %mul3A_98] : memref<16x10240xf32, #tpu.memory_space<vmem_shared>> -> memref<1x640xf32, #tpu.memory_space<vmem_shared>>
      %dma_start3A_151 = tpu.memref_squeeze %dma_start3A : memref<1x640xf32, #tpu.memory_space<vmem_shared>> -> memref<640xf32, #tpu.memory_space<vmem_shared>>
      %dma_start3A_152 = tpu.memref_slice %arg8[%run_scoped3A_99, %mul3A_98] : memref<16x10240xf32, #tpu.memory_space<vmem_shared>> -> memref<1x640xf32, #tpu.memory_space<vmem_shared>>
      %dma_start3A_153 = tpu.memref_squeeze %dma_start3A_152 : memref<1x640xf32, #tpu.memory_space<vmem_shared>> -> memref<640xf32, #tpu.memory_space<vmem_shared>>
      tpu.enqueue_dma source(%dma_start3A_153 : memref<640xf32, #tpu.memory_space<vmem_shared>>) target(%arg7 : memref<640xf32, #tpu.memory_space<vmem>>) target_semaphore(%run_scoped3A_150 : memref<!tpu.dma_semaphore, #tpu.memory_space<semaphore_mem>>)
      %dma_wait3A = tpu.memref_slice %arg8[%run_scoped3A_99, %mul3A_98] : memref<16x10240xf32, #tpu.memory_space<vmem_shared>> -> memref<1x640xf32, #tpu.memory_space<vmem_shared>>
      %dma_wait3A_154 = tpu.memref_squeeze %dma_wait3A : memref<1x640xf32, #tpu.memory_space<vmem_shared>> -> memref<640xf32, #tpu.memory_space<vmem_shared>>
      %dma_wait3A_155 = tpu.memref_slice %arg8[%run_scoped3A_99, %mul3A_98] : memref<16x10240xf32, #tpu.memory_space<vmem_shared>> -> memref<1x640xf32, #tpu.memory_space<vmem_shared>>
      %dma_wait3A_156 = tpu.memref_squeeze %dma_wait3A_155 : memref<1x640xf32, #tpu.memory_space<vmem_shared>> -> memref<640xf32, #tpu.memory_space<vmem_shared>>
      tpu.wait_dma2 semaphore(%run_scoped3A_150 : memref<!tpu.dma_semaphore, #tpu.memory_space<semaphore_mem>>) src(%dma_wait3A_156 : memref<640xf32, #tpu.memory_space<vmem_shared>>) dst(%arg7 : memref<640xf32, #tpu.memory_space<vmem>>)
      tpu.yield
    }) : () -> ()
    %scan3A_100 = arith.constant 0 : i32
    %scan3A_101 = arith.constant 40 : i32
    %scan3A_102 = arith.addi %scan3A_100, %scan3A_101 : i32
    %scan3A_103 = arith.constant 1 : i32
    scf.for %scan3A_150 = %scan3A_100 to %scan3A_102 step %scan3A_103  : i32 {
      %mul3A_151 = arith.constant 1 : i32
      %mul3A_152 = arith.muli %scan3A_150, %mul3A_151 : i32
      %add3A_153 = arith.constant 0 : i32
      %add3A_154 = arith.addi %add3A_153, %mul3A_152 : i32
      %mul3A_155 = arith.constant 16 : i32
      %mul3A_156 = arith.muli %add3A_154, %mul3A_155 : i32
      %get3A = arith.index_cast %mul3A_156 : i32 to index
      %get3A_157 = tpu.vector_load %arg6[%get3A] {strides = array<i32>} : memref<640xf32, #tpu.memory_space<vmem>>, vector<16xf32>,
      %get3A_158 = arith.index_cast %mul3A_156 : i32 to index
      %get3A_159 = tpu.vector_load %arg7[%get3A_158] {strides = array<i32>} : memref<640xf32, #tpu.memory_space<vmem>>, vector<16xf32>,
      %add3A_160 = arith.addf %get3A_157, %get3A_159 : vector<16xf32>
      %swap3A = arith.index_cast %mul3A_156 : i32 to index
      %swap3A_161 = tpu.vector_load %arg6[%swap3A] {strides = array<i32>} : memref<640xf32, #tpu.memory_space<vmem>>, vector<16xf32>,
      tpu.vector_store %arg6[%swap3A], %add3A_160 {strides = array<i32>} : memref<640xf32, #tpu.memory_space<vmem>>, vector<16xf32>,
    }
    %scan3A_104 = arith.constant 40 : i32
    %mul3A_105 = arith.constant 640 : i32
    %mul3A_106 = arith.muli %arg1, %mul3A_105 : i32
    %run_scoped3A_107 = arith.constant 11 : i32
    "tpu.region"() ({
      %run_scoped3A_150 = tpu.sem_alloc : memref<!tpu.dma_semaphore, #tpu.memory_space<semaphore_mem>>
      %dma_start3A = tpu.memref_slice %arg8[%run_scoped3A_107, %mul3A_106] : memref<16x10240xf32, #tpu.memory_space<vmem_shared>> -> memref<1x640xf32, #tpu.memory_space<vmem_shared>>
      %dma_start3A_151 = tpu.memref_squeeze %dma_start3A : memref<1x640xf32, #tpu.memory_space<vmem_shared>> -> memref<640xf32, #tpu.memory_space<vmem_shared>>
      %dma_start3A_152 = tpu.memref_slice %arg8[%run_scoped3A_107, %mul3A_106] : memref<16x10240xf32, #tpu.memory_space<vmem_shared>> -> memref<1x640xf32, #tpu.memory_space<vmem_shared>>
      %dma_start3A_153 = tpu.memref_squeeze %dma_start3A_152 : memref<1x640xf32, #tpu.memory_space<vmem_shared>> -> memref<640xf32, #tpu.memory_space<vmem_shared>>
      tpu.enqueue_dma source(%dma_start3A_153 : memref<640xf32, #tpu.memory_space<vmem_shared>>) target(%arg7 : memref<640xf32, #tpu.memory_space<vmem>>) target_semaphore(%run_scoped3A_150 : memref<!tpu.dma_semaphore, #tpu.memory_space<semaphore_mem>>)
      %dma_wait3A = tpu.memref_slice %arg8[%run_scoped3A_107, %mul3A_106] : memref<16x10240xf32, #tpu.memory_space<vmem_shared>> -> memref<1x640xf32, #tpu.memory_space<vmem_shared>>
      %dma_wait3A_154 = tpu.memref_squeeze %dma_wait3A : memref<1x640xf32, #tpu.memory_space<vmem_shared>> -> memref<640xf32, #tpu.memory_space<vmem_shared>>
      %dma_wait3A_155 = tpu.memref_slice %arg8[%run_scoped3A_107, %mul3A_106] : memref<16x10240xf32, #tpu.memory_space<vmem_shared>> -> memref<1x640xf32, #tpu.memory_space<vmem_shared>>
      %dma_wait3A_156 = tpu.memref_squeeze %dma_wait3A_155 : memref<1x640xf32, #tpu.memory_space<vmem_shared>> -> memref<640xf32, #tpu.memory_space<vmem_shared>>
      tpu.wait_dma2 semaphore(%run_scoped3A_150 : memref<!tpu.dma_semaphore, #tpu.memory_space<semaphore_mem>>) src(%dma_wait3A_156 : memref<640xf32, #tpu.memory_space<vmem_shared>>) dst(%arg7 : memref<640xf32, #tpu.memory_space<vmem>>)
      tpu.yield
    }) : () -> ()
    %scan3A_108 = arith.constant 0 : i32
    %scan3A_109 = arith.constant 40 : i32
    %scan3A_110 = arith.addi %scan3A_108, %scan3A_109 : i32
    %scan3A_111 = arith.constant 1 : i32
    scf.for %scan3A_150 = %scan3A_108 to %scan3A_110 step %scan3A_111  : i32 {
      %mul3A_151 = arith.constant 1 : i32
      %mul3A_152 = arith.muli %scan3A_150, %mul3A_151 : i32
      %add3A_153 = arith.constant 0 : i32
      %add3A_154 = arith.addi %add3A_153, %mul3A_152 : i32
      %mul3A_155 = arith.constant 16 : i32
      %mul3A_156 = arith.muli %add3A_154, %mul3A_155 : i32
      %get3A = arith.index_cast %mul3A_156 : i32 to index
      %get3A_157 = tpu.vector_load %arg6[%get3A] {strides = array<i32>} : memref<640xf32, #tpu.memory_space<vmem>>, vector<16xf32>,
      %get3A_158 = arith.index_cast %mul3A_156 : i32 to index
      %get3A_159 = tpu.vector_load %arg7[%get3A_158] {strides = array<i32>} : memref<640xf32, #tpu.memory_space<vmem>>, vector<16xf32>,
      %add3A_160 = arith.addf %get3A_157, %get3A_159 : vector<16xf32>
      %swap3A = arith.index_cast %mul3A_156 : i32 to index
      %swap3A_161 = tpu.vector_load %arg6[%swap3A] {strides = array<i32>} : memref<640xf32, #tpu.memory_space<vmem>>, vector<16xf32>,
      tpu.vector_store %arg6[%swap3A], %add3A_160 {strides = array<i32>} : memref<640xf32, #tpu.memory_space<vmem>>, vector<16xf32>,
    }
    %scan3A_112 = arith.constant 40 : i32
    %mul3A_113 = arith.constant 640 : i32
    %mul3A_114 = arith.muli %arg1, %mul3A_113 : i32
    %run_scoped3A_115 = arith.constant 12 : i32
    "tpu.region"() ({
      %run_scoped3A_150 = tpu.sem_alloc : memref<!tpu.dma_semaphore, #tpu.memory_space<semaphore_mem>>
      %dma_start3A = tpu.memref_slice %arg8[%run_scoped3A_115, %mul3A_114] : memref<16x10240xf32, #tpu.memory_space<vmem_shared>> -> memref<1x640xf32, #tpu.memory_space<vmem_shared>>
      %dma_start3A_151 = tpu.memref_squeeze %dma_start3A : memref<1x640xf32, #tpu.memory_space<vmem_shared>> -> memref<640xf32, #tpu.memory_space<vmem_shared>>
      %dma_start3A_152 = tpu.memref_slice %arg8[%run_scoped3A_115, %mul3A_114] : memref<16x10240xf32, #tpu.memory_space<vmem_shared>> -> memref<1x640xf32, #tpu.memory_space<vmem_shared>>
      %dma_start3A_153 = tpu.memref_squeeze %dma_start3A_152 : memref<1x640xf32, #tpu.memory_space<vmem_shared>> -> memref<640xf32, #tpu.memory_space<vmem_shared>>
      tpu.enqueue_dma source(%dma_start3A_153 : memref<640xf32, #tpu.memory_space<vmem_shared>>) target(%arg7 : memref<640xf32, #tpu.memory_space<vmem>>) target_semaphore(%run_scoped3A_150 : memref<!tpu.dma_semaphore, #tpu.memory_space<semaphore_mem>>)
      %dma_wait3A = tpu.memref_slice %arg8[%run_scoped3A_115, %mul3A_114] : memref<16x10240xf32, #tpu.memory_space<vmem_shared>> -> memref<1x640xf32, #tpu.memory_space<vmem_shared>>
      %dma_wait3A_154 = tpu.memref_squeeze %dma_wait3A : memref<1x640xf32, #tpu.memory_space<vmem_shared>> -> memref<640xf32, #tpu.memory_space<vmem_shared>>
      %dma_wait3A_155 = tpu.memref_slice %arg8[%run_scoped3A_115, %mul3A_114] : memref<16x10240xf32, #tpu.memory_space<vmem_shared>> -> memref<1x640xf32, #tpu.memory_space<vmem_shared>>
      %dma_wait3A_156 = tpu.memref_squeeze %dma_wait3A_155 : memref<1x640xf32, #tpu.memory_space<vmem_shared>> -> memref<640xf32, #tpu.memory_space<vmem_shared>>
      tpu.wait_dma2 semaphore(%run_scoped3A_150 : memref<!tpu.dma_semaphore, #tpu.memory_space<semaphore_mem>>) src(%dma_wait3A_156 : memref<640xf32, #tpu.memory_space<vmem_shared>>) dst(%arg7 : memref<640xf32, #tpu.memory_space<vmem>>)
      tpu.yield
    }) : () -> ()
    %scan3A_116 = arith.constant 0 : i32
    %scan3A_117 = arith.constant 40 : i32
    %scan3A_118 = arith.addi %scan3A_116, %scan3A_117 : i32
    %scan3A_119 = arith.constant 1 : i32
    scf.for %scan3A_150 = %scan3A_116 to %scan3A_118 step %scan3A_119  : i32 {
      %mul3A_151 = arith.constant 1 : i32
      %mul3A_152 = arith.muli %scan3A_150, %mul3A_151 : i32
      %add3A_153 = arith.constant 0 : i32
      %add3A_154 = arith.addi %add3A_153, %mul3A_152 : i32
      %mul3A_155 = arith.constant 16 : i32
      %mul3A_156 = arith.muli %add3A_154, %mul3A_155 : i32
      %get3A = arith.index_cast %mul3A_156 : i32 to index
      %get3A_157 = tpu.vector_load %arg6[%get3A] {strides = array<i32>} : memref<640xf32, #tpu.memory_space<vmem>>, vector<16xf32>,
      %get3A_158 = arith.index_cast %mul3A_156 : i32 to index
      %get3A_159 = tpu.vector_load %arg7[%get3A_158] {strides = array<i32>} : memref<640xf32, #tpu.memory_space<vmem>>, vector<16xf32>,
      %add3A_160 = arith.addf %get3A_157, %get3A_159 : vector<16xf32>
      %swap3A = arith.index_cast %mul3A_156 : i32 to index
      %swap3A_161 = tpu.vector_load %arg6[%swap3A] {strides = array<i32>} : memref<640xf32, #tpu.memory_space<vmem>>, vector<16xf32>,
      tpu.vector_store %arg6[%swap3A], %add3A_160 {strides = array<i32>} : memref<640xf32, #tpu.memory_space<vmem>>, vector<16xf32>,
    }
    %scan3A_120 = arith.constant 40 : i32
    %mul3A_121 = arith.constant 640 : i32
    %mul3A_122 = arith.muli %arg1, %mul3A_121 : i32
    %run_scoped3A_123 = arith.constant 13 : i32
    "tpu.region"() ({
      %run_scoped3A_150 = tpu.sem_alloc : memref<!tpu.dma_semaphore, #tpu.memory_space<semaphore_mem>>
      %dma_start3A = tpu.memref_slice %arg8[%run_scoped3A_123, %mul3A_122] : memref<16x10240xf32, #tpu.memory_space<vmem_shared>> -> memref<1x640xf32, #tpu.memory_space<vmem_shared>>
      %dma_start3A_151 = tpu.memref_squeeze %dma_start3A : memref<1x640xf32, #tpu.memory_space<vmem_shared>> -> memref<640xf32, #tpu.memory_space<vmem_shared>>
      %dma_start3A_152 = tpu.memref_slice %arg8[%run_scoped3A_123, %mul3A_122] : memref<16x10240xf32, #tpu.memory_space<vmem_shared>> -> memref<1x640xf32, #tpu.memory_space<vmem_shared>>
      %dma_start3A_153 = tpu.memref_squeeze %dma_start3A_152 : memref<1x640xf32, #tpu.memory_space<vmem_shared>> -> memref<640xf32, #tpu.memory_space<vmem_shared>>
      tpu.enqueue_dma source(%dma_start3A_153 : memref<640xf32, #tpu.memory_space<vmem_shared>>) target(%arg7 : memref<640xf32, #tpu.memory_space<vmem>>) target_semaphore(%run_scoped3A_150 : memref<!tpu.dma_semaphore, #tpu.memory_space<semaphore_mem>>)
      %dma_wait3A = tpu.memref_slice %arg8[%run_scoped3A_123, %mul3A_122] : memref<16x10240xf32, #tpu.memory_space<vmem_shared>> -> memref<1x640xf32, #tpu.memory_space<vmem_shared>>
      %dma_wait3A_154 = tpu.memref_squeeze %dma_wait3A : memref<1x640xf32, #tpu.memory_space<vmem_shared>> -> memref<640xf32, #tpu.memory_space<vmem_shared>>
      %dma_wait3A_155 = tpu.memref_slice %arg8[%run_scoped3A_123, %mul3A_122] : memref<16x10240xf32, #tpu.memory_space<vmem_shared>> -> memref<1x640xf32, #tpu.memory_space<vmem_shared>>
      %dma_wait3A_156 = tpu.memref_squeeze %dma_wait3A_155 : memref<1x640xf32, #tpu.memory_space<vmem_shared>> -> memref<640xf32, #tpu.memory_space<vmem_shared>>
      tpu.wait_dma2 semaphore(%run_scoped3A_150 : memref<!tpu.dma_semaphore, #tpu.memory_space<semaphore_mem>>) src(%dma_wait3A_156 : memref<640xf32, #tpu.memory_space<vmem_shared>>) dst(%arg7 : memref<640xf32, #tpu.memory_space<vmem>>)
      tpu.yield
    }) : () -> ()
    %scan3A_124 = arith.constant 0 : i32
    %scan3A_125 = arith.constant 40 : i32
    %scan3A_126 = arith.addi %scan3A_124, %scan3A_125 : i32
    %scan3A_127 = arith.constant 1 : i32
    scf.for %scan3A_150 = %scan3A_124 to %scan3A_126 step %scan3A_127  : i32 {
      %mul3A_151 = arith.constant 1 : i32
      %mul3A_152 = arith.muli %scan3A_150, %mul3A_151 : i32
      %add3A_153 = arith.constant 0 : i32
      %add3A_154 = arith.addi %add3A_153, %mul3A_152 : i32
      %mul3A_155 = arith.constant 16 : i32
      %mul3A_156 = arith.muli %add3A_154, %mul3A_155 : i32
      %get3A = arith.index_cast %mul3A_156 : i32 to index
      %get3A_157 = tpu.vector_load %arg6[%get3A] {strides = array<i32>} : memref<640xf32, #tpu.memory_space<vmem>>, vector<16xf32>,
      %get3A_158 = arith.index_cast %mul3A_156 : i32 to index
      %get3A_159 = tpu.vector_load %arg7[%get3A_158] {strides = array<i32>} : memref<640xf32, #tpu.memory_space<vmem>>, vector<16xf32>,
      %add3A_160 = arith.addf %get3A_157, %get3A_159 : vector<16xf32>
      %swap3A = arith.index_cast %mul3A_156 : i32 to index
      %swap3A_161 = tpu.vector_load %arg6[%swap3A] {strides = array<i32>} : memref<640xf32, #tpu.memory_space<vmem>>, vector<16xf32>,
      tpu.vector_store %arg6[%swap3A], %add3A_160 {strides = array<i32>} : memref<640xf32, #tpu.memory_space<vmem>>, vector<16xf32>,
    }
    %scan3A_128 = arith.constant 40 : i32
    %mul3A_129 = arith.constant 640 : i32
    %mul3A_130 = arith.muli %arg1, %mul3A_129 : i32
    %run_scoped3A_131 = arith.constant 14 : i32
    "tpu.region"() ({
      %run_scoped3A_150 = tpu.sem_alloc : memref<!tpu.dma_semaphore, #tpu.memory_space<semaphore_mem>>
      %dma_start3A = tpu.memref_slice %arg8[%run_scoped3A_131, %mul3A_130] : memref<16x10240xf32, #tpu.memory_space<vmem_shared>> -> memref<1x640xf32, #tpu.memory_space<vmem_shared>>
      %dma_start3A_151 = tpu.memref_squeeze %dma_start3A : memref<1x640xf32, #tpu.memory_space<vmem_shared>> -> memref<640xf32, #tpu.memory_space<vmem_shared>>
      %dma_start3A_152 = tpu.memref_slice %arg8[%run_scoped3A_131, %mul3A_130] : memref<16x10240xf32, #tpu.memory_space<vmem_shared>> -> memref<1x640xf32, #tpu.memory_space<vmem_shared>>
      %dma_start3A_153 = tpu.memref_squeeze %dma_start3A_152 : memref<1x640xf32, #tpu.memory_space<vmem_shared>> -> memref<640xf32, #tpu.memory_space<vmem_shared>>
      tpu.enqueue_dma source(%dma_start3A_153 : memref<640xf32, #tpu.memory_space<vmem_shared>>) target(%arg7 : memref<640xf32, #tpu.memory_space<vmem>>) target_semaphore(%run_scoped3A_150 : memref<!tpu.dma_semaphore, #tpu.memory_space<semaphore_mem>>)
      %dma_wait3A = tpu.memref_slice %arg8[%run_scoped3A_131, %mul3A_130] : memref<16x10240xf32, #tpu.memory_space<vmem_shared>> -> memref<1x640xf32, #tpu.memory_space<vmem_shared>>
      %dma_wait3A_154 = tpu.memref_squeeze %dma_wait3A : memref<1x640xf32, #tpu.memory_space<vmem_shared>> -> memref<640xf32, #tpu.memory_space<vmem_shared>>
      %dma_wait3A_155 = tpu.memref_slice %arg8[%run_scoped3A_131, %mul3A_130] : memref<16x10240xf32, #tpu.memory_space<vmem_shared>> -> memref<1x640xf32, #tpu.memory_space<vmem_shared>>
      %dma_wait3A_156 = tpu.memref_squeeze %dma_wait3A_155 : memref<1x640xf32, #tpu.memory_space<vmem_shared>> -> memref<640xf32, #tpu.memory_space<vmem_shared>>
      tpu.wait_dma2 semaphore(%run_scoped3A_150 : memref<!tpu.dma_semaphore, #tpu.memory_space<semaphore_mem>>) src(%dma_wait3A_156 : memref<640xf32, #tpu.memory_space<vmem_shared>>) dst(%arg7 : memref<640xf32, #tpu.memory_space<vmem>>)
      tpu.yield
    }) : () -> ()
    %scan3A_132 = arith.constant 0 : i32
    %scan3A_133 = arith.constant 40 : i32
    %scan3A_134 = arith.addi %scan3A_132, %scan3A_133 : i32
    %scan3A_135 = arith.constant 1 : i32
    scf.for %scan3A_150 = %scan3A_132 to %scan3A_134 step %scan3A_135  : i32 {
      %mul3A_151 = arith.constant 1 : i32
      %mul3A_152 = arith.muli %scan3A_150, %mul3A_151 : i32
      %add3A_153 = arith.constant 0 : i32
      %add3A_154 = arith.addi %add3A_153, %mul3A_152 : i32
      %mul3A_155 = arith.constant 16 : i32
      %mul3A_156 = arith.muli %add3A_154, %mul3A_155 : i32
      %get3A = arith.index_cast %mul3A_156 : i32 to index
      %get3A_157 = tpu.vector_load %arg6[%get3A] {strides = array<i32>} : memref<640xf32, #tpu.memory_space<vmem>>, vector<16xf32>,
      %get3A_158 = arith.index_cast %mul3A_156 : i32 to index
      %get3A_159 = tpu.vector_load %arg7[%get3A_158] {strides = array<i32>} : memref<640xf32, #tpu.memory_space<vmem>>, vector<16xf32>,
      %add3A_160 = arith.addf %get3A_157, %get3A_159 : vector<16xf32>
      %swap3A = arith.index_cast %mul3A_156 : i32 to index
      %swap3A_161 = tpu.vector_load %arg6[%swap3A] {strides = array<i32>} : memref<640xf32, #tpu.memory_space<vmem>>, vector<16xf32>,
      tpu.vector_store %arg6[%swap3A], %add3A_160 {strides = array<i32>} : memref<640xf32, #tpu.memory_space<vmem>>, vector<16xf32>,
    }
    %scan3A_136 = arith.constant 40 : i32
    %mul3A_137 = arith.constant 640 : i32
    %mul3A_138 = arith.muli %arg1, %mul3A_137 : i32
    %run_scoped3A_139 = arith.constant 15 : i32
    "tpu.region"() ({
      %run_scoped3A_150 = tpu.sem_alloc : memref<!tpu.dma_semaphore, #tpu.memory_space<semaphore_mem>>
      %dma_start3A = tpu.memref_slice %arg8[%run_scoped3A_139, %mul3A_138] : memref<16x10240xf32, #tpu.memory_space<vmem_shared>> -> memref<1x640xf32, #tpu.memory_space<vmem_shared>>
      %dma_start3A_151 = tpu.memref_squeeze %dma_start3A : memref<1x640xf32, #tpu.memory_space<vmem_shared>> -> memref<640xf32, #tpu.memory_space<vmem_shared>>
      %dma_start3A_152 = tpu.memref_slice %arg8[%run_scoped3A_139, %mul3A_138] : memref<16x10240xf32, #tpu.memory_space<vmem_shared>> -> memref<1x640xf32, #tpu.memory_space<vmem_shared>>
      %dma_start3A_153 = tpu.memref_squeeze %dma_start3A_152 : memref<1x640xf32, #tpu.memory_space<vmem_shared>> -> memref<640xf32, #tpu.memory_space<vmem_shared>>
      tpu.enqueue_dma source(%dma_start3A_153 : memref<640xf32, #tpu.memory_space<vmem_shared>>) target(%arg7 : memref<640xf32, #tpu.memory_space<vmem>>) target_semaphore(%run_scoped3A_150 : memref<!tpu.dma_semaphore, #tpu.memory_space<semaphore_mem>>)
      %dma_wait3A = tpu.memref_slice %arg8[%run_scoped3A_139, %mul3A_138] : memref<16x10240xf32, #tpu.memory_space<vmem_shared>> -> memref<1x640xf32, #tpu.memory_space<vmem_shared>>
      %dma_wait3A_154 = tpu.memref_squeeze %dma_wait3A : memref<1x640xf32, #tpu.memory_space<vmem_shared>> -> memref<640xf32, #tpu.memory_space<vmem_shared>>
      %dma_wait3A_155 = tpu.memref_slice %arg8[%run_scoped3A_139, %mul3A_138] : memref<16x10240xf32, #tpu.memory_space<vmem_shared>> -> memref<1x640xf32, #tpu.memory_space<vmem_shared>>
      %dma_wait3A_156 = tpu.memref_squeeze %dma_wait3A_155 : memref<1x640xf32, #tpu.memory_space<vmem_shared>> -> memref<640xf32, #tpu.memory_space<vmem_shared>>
      tpu.wait_dma2 semaphore(%run_scoped3A_150 : memref<!tpu.dma_semaphore, #tpu.memory_space<semaphore_mem>>) src(%dma_wait3A_156 : memref<640xf32, #tpu.memory_space<vmem_shared>>) dst(%arg7 : memref<640xf32, #tpu.memory_space<vmem>>)
      tpu.yield
    }) : () -> ()
    %scan3A_140 = arith.constant 0 : i32
    %scan3A_141 = arith.constant 40 : i32
    %scan3A_142 = arith.addi %scan3A_140, %scan3A_141 : i32
    %scan3A_143 = arith.constant 1 : i32
    scf.for %scan3A_150 = %scan3A_140 to %scan3A_142 step %scan3A_143  : i32 {
      %mul3A_151 = arith.constant 1 : i32
      %mul3A_152 = arith.muli %scan3A_150, %mul3A_151 : i32
      %add3A_153 = arith.constant 0 : i32
      %add3A_154 = arith.addi %add3A_153, %mul3A_152 : i32
      %mul3A_155 = arith.constant 16 : i32
      %mul3A_156 = arith.muli %add3A_154, %mul3A_155 : i32
      %get3A = arith.index_cast %mul3A_156 : i32 to index
      %get3A_157 = tpu.vector_load %arg6[%get3A] {strides = array<i32>} : memref<640xf32, #tpu.memory_space<vmem>>, vector<16xf32>,
      %get3A_158 = arith.index_cast %mul3A_156 : i32 to index
      %get3A_159 = tpu.vector_load %arg7[%get3A_158] {strides = array<i32>} : memref<640xf32, #tpu.memory_space<vmem>>, vector<16xf32>,
      %add3A_160 = arith.addf %get3A_157, %get3A_159 : vector<16xf32>
      %swap3A = arith.index_cast %mul3A_156 : i32 to index
      %swap3A_161 = tpu.vector_load %arg6[%swap3A] {strides = array<i32>} : memref<640xf32, #tpu.memory_space<vmem>>, vector<16xf32>,
      tpu.vector_store %arg6[%swap3A], %add3A_160 {strides = array<i32>} : memref<640xf32, #tpu.memory_space<vmem>>, vector<16xf32>,
    }
    %scan3A_144 = arith.constant 40 : i32
    %mul3A_145 = arith.constant 10240 : i32
    %mul3A_146 = arith.muli %arg0, %mul3A_145 : i32
    %mul3A_147 = arith.constant 640 : i32
    %mul3A_148 = arith.muli %arg1, %mul3A_147 : i32
    %add3A_149 = arith.addi %mul3A_146, %mul3A_148 : i32
    "tpu.region"() ({
      %run_scoped3A_150 = tpu.sem_alloc : memref<!tpu.dma_semaphore, #tpu.memory_space<semaphore_mem>>
      %dma_start3A = tpu.memref_slice %arg3[%add3A_149] : memref<20480xf32, #tpu.memory_space<hbm>> -> memref<640xf32, #tpu.memory_space<hbm>>
      %dma_start3A_151 = tpu.memref_slice %arg3[%add3A_149] : memref<20480xf32, #tpu.memory_space<hbm>> -> memref<640xf32, #tpu.memory_space<hbm>>
      tpu.enqueue_dma source(%arg6 : memref<640xf32, #tpu.memory_space<vmem>>) target(%dma_start3A_151 : memref<640xf32, #tpu.memory_space<hbm>>) target_semaphore(%run_scoped3A_150 : memref<!tpu.dma_semaphore, #tpu.memory_space<semaphore_mem>>)
      %dma_wait3A = tpu.memref_slice %arg3[%add3A_149] : memref<20480xf32, #tpu.memory_space<hbm>> -> memref<640xf32, #tpu.memory_space<hbm>>
      %dma_wait3A_152 = tpu.memref_slice %arg3[%add3A_149] : memref<20480xf32, #tpu.memory_space<hbm>> -> memref<640xf32, #tpu.memory_space<hbm>>
      tpu.wait_dma2 semaphore(%run_scoped3A_150 : memref<!tpu.dma_semaphore, #tpu.memory_space<semaphore_mem>>) src(%arg6 : memref<640xf32, #tpu.memory_space<vmem>>) dst(%dma_wait3A_152 : memref<640xf32, #tpu.memory_space<hbm>>)
      tpu.yield
    }) : () -> ()
    return
  }
}

#map = affine_map<(d0, d1) -> (0, 0)>
#map1 = affine_map<(d0, d1) -> (0, 0, 0)>
module attributes {stable_mosaic.version = 14 : i64} {
  func.func @agg_kernel(%arg0: i32, %arg1: i32, %arg2: memref<10240x128xf32, #tpu.memory_space<hbm>>, %arg3: memref<32x80x128xi32, #tpu.memory_space<hbm>>, %arg4: memref<32x79x128xi32, #tpu.memory_space<hbm>>, %arg5: memref<10240x128xf32, #tpu.memory_space<hbm>>, %arg6: memref<20480x128xf32, #tpu.memory_space<hbm>>, %arg7: memref<2x128xi32, #tpu.memory_space<vmem>>, %arg8: memref<79x128xi32, #tpu.memory_space<vmem>>, %arg9: memref<2x128x128xf32, #tpu.memory_space<vmem>>, %arg10: memref<10240x128xf32, #tpu.memory_space<vmem_shared>>, %arg11: memref<2x!tpu.dma_semaphore, #tpu.memory_space<semaphore_mem>>) attributes {dimension_semantics = [#tpu.dimension_semantics<core_parallel>, #tpu.dimension_semantics<subcore_parallel>], iteration_bounds = array<i64: 2, 16>, scalar_prefetch = 0 : i64, scratch_operands = 5 : i64, tpu.core_type = #tpu.core_type<sc_vector_subcore>, window_params = [{transform_indices = #map}, {transform_indices = #map1}, {transform_indices = #map1}, {transform_indices = #map}, {transform_indices = #map}]} {
    %mul3A = arith.constant 2 : i32
    %mul3A_0 = arith.muli %arg1, %mul3A : i32
    %add3A = arith.addi %mul3A_0, %arg0 : i32
    %mul3A_1 = arith.constant 640 : i32
    %mul3A_2 = arith.muli %arg1, %mul3A_1 : i32
    %mul3A_3 = arith.constant 640 : i32
    %mul3A_4 = arith.muli %arg1, %mul3A_3 : i32
    "tpu.region"() ({
      %run_scoped3A_48 = tpu.sem_alloc : memref<!tpu.dma_semaphore, #tpu.memory_space<semaphore_mem>>
      %dma_start3A_49 = arith.constant 0 : i32
      %dma_start3A_50 = tpu.memref_slice %arg10[%mul3A_4, %dma_start3A_49] : memref<10240x128xf32, #tpu.memory_space<vmem_shared>> -> memref<640x128xf32, #tpu.memory_space<vmem_shared>>
      %dma_start3A_51 = arith.constant 0 : i32
      %dma_start3A_52 = tpu.memref_slice %arg5[%mul3A_2, %dma_start3A_51] : memref<10240x128xf32, #tpu.memory_space<hbm>> -> memref<640x128xf32, #tpu.memory_space<hbm>>
      tpu.enqueue_dma source(%dma_start3A_52 : memref<640x128xf32, #tpu.memory_space<hbm>>) target(%dma_start3A_50 : memref<640x128xf32, #tpu.memory_space<vmem_shared>>) target_semaphore(%run_scoped3A_48 : memref<!tpu.dma_semaphore, #tpu.memory_space<semaphore_mem>>)
      %dma_wait3A_53 = arith.constant 0 : i32
      %dma_wait3A_54 = tpu.memref_slice %arg10[%mul3A_4, %dma_wait3A_53] : memref<10240x128xf32, #tpu.memory_space<vmem_shared>> -> memref<640x128xf32, #tpu.memory_space<vmem_shared>>
      %dma_wait3A_55 = arith.constant 0 : i32
      %dma_wait3A_56 = tpu.memref_slice %arg5[%mul3A_2, %dma_wait3A_55] : memref<10240x128xf32, #tpu.memory_space<hbm>> -> memref<640x128xf32, #tpu.memory_space<hbm>>
      tpu.wait_dma2 semaphore(%run_scoped3A_48 : memref<!tpu.dma_semaphore, #tpu.memory_space<semaphore_mem>>) src(%dma_wait3A_56 : memref<640x128xf32, #tpu.memory_space<hbm>>) dst(%dma_wait3A_54 : memref<640x128xf32, #tpu.memory_space<vmem_shared>>)
      tpu.yield
    }) : () -> ()
    "tpu.region"() ({
      %run_scoped3A_48 = tpu.sem_alloc : memref<!tpu.dma_semaphore, #tpu.memory_space<semaphore_mem>>
      %dma_start3A_49 = arith.constant 0 : i32
      %dma_start3A_50 = arith.constant 0 : i32
      %dma_start3A_51 = tpu.memref_slice %arg4[%add3A, %dma_start3A_49, %dma_start3A_50] : memref<32x79x128xi32, #tpu.memory_space<hbm>> -> memref<1x79x128xi32, #tpu.memory_space<hbm>>
      %dma_start3A_52 = tpu.memref_squeeze %dma_start3A_51 : memref<1x79x128xi32, #tpu.memory_space<hbm>> -> memref<79x128xi32, #tpu.memory_space<hbm>>
      %dma_start3A_53 = arith.constant 0 : i32
      %dma_start3A_54 = arith.constant 0 : i32
      %dma_start3A_55 = tpu.memref_slice %arg4[%add3A, %dma_start3A_53, %dma_start3A_54] : memref<32x79x128xi32, #tpu.memory_space<hbm>> -> memref<1x79x128xi32, #tpu.memory_space<hbm>>
      %dma_start3A_56 = tpu.memref_squeeze %dma_start3A_55 : memref<1x79x128xi32, #tpu.memory_space<hbm>> -> memref<79x128xi32, #tpu.memory_space<hbm>>
      tpu.enqueue_dma source(%dma_start3A_56 : memref<79x128xi32, #tpu.memory_space<hbm>>) target(%arg8 : memref<79x128xi32, #tpu.memory_space<vmem>>) target_semaphore(%run_scoped3A_48 : memref<!tpu.dma_semaphore, #tpu.memory_space<semaphore_mem>>)
      %dma_wait3A_57 = arith.constant 0 : i32
      %dma_wait3A_58 = arith.constant 0 : i32
      %dma_wait3A_59 = tpu.memref_slice %arg4[%add3A, %dma_wait3A_57, %dma_wait3A_58] : memref<32x79x128xi32, #tpu.memory_space<hbm>> -> memref<1x79x128xi32, #tpu.memory_space<hbm>>
      %dma_wait3A_60 = tpu.memref_squeeze %dma_wait3A_59 : memref<1x79x128xi32, #tpu.memory_space<hbm>> -> memref<79x128xi32, #tpu.memory_space<hbm>>
      %dma_wait3A_61 = arith.constant 0 : i32
      %dma_wait3A_62 = arith.constant 0 : i32
      %dma_wait3A_63 = tpu.memref_slice %arg4[%add3A, %dma_wait3A_61, %dma_wait3A_62] : memref<32x79x128xi32, #tpu.memory_space<hbm>> -> memref<1x79x128xi32, #tpu.memory_space<hbm>>
      %dma_wait3A_64 = tpu.memref_squeeze %dma_wait3A_63 : memref<1x79x128xi32, #tpu.memory_space<hbm>> -> memref<79x128xi32, #tpu.memory_space<hbm>>
      tpu.wait_dma2 semaphore(%run_scoped3A_48 : memref<!tpu.dma_semaphore, #tpu.memory_space<semaphore_mem>>) src(%dma_wait3A_64 : memref<79x128xi32, #tpu.memory_space<hbm>>) dst(%arg8 : memref<79x128xi32, #tpu.memory_space<vmem>>)
      tpu.yield
    }) : () -> ()
    %barrier3A = arith.constant 0 : index
    tpu.barrier barrier_id(%barrier3A)
    %run_scoped3A = arith.constant 0 : i32
    %run_scoped3A_5 = arith.constant 0 : i32
    "tpu.region"() ({
      %run_scoped3A_48 = tpu.sem_alloc : memref<!tpu.dma_semaphore, #tpu.memory_space<semaphore_mem>>
      %dma_start3A_49 = arith.constant 0 : i32
      %dma_start3A_50 = tpu.memref_slice %arg7[%run_scoped3A_5, %dma_start3A_49] : memref<2x128xi32, #tpu.memory_space<vmem>> -> memref<1x128xi32, #tpu.memory_space<vmem>>
      %dma_start3A_51 = tpu.memref_squeeze %dma_start3A_50 : memref<1x128xi32, #tpu.memory_space<vmem>> -> memref<128xi32, #tpu.memory_space<vmem>>
      %dma_start3A_52 = arith.constant 0 : i32
      %dma_start3A_53 = tpu.memref_slice %arg3[%add3A, %run_scoped3A, %dma_start3A_52] : memref<32x80x128xi32, #tpu.memory_space<hbm>> -> memref<1x1x128xi32, #tpu.memory_space<hbm>>
      %dma_start3A_54 = tpu.memref_squeeze %dma_start3A_53 : memref<1x1x128xi32, #tpu.memory_space<hbm>> -> memref<128xi32, #tpu.memory_space<hbm>>
      %dma_start3A_55 = arith.constant 0 : i32
      %dma_start3A_56 = tpu.memref_slice %arg7[%run_scoped3A_5, %dma_start3A_55] : memref<2x128xi32, #tpu.memory_space<vmem>> -> memref<1x128xi32, #tpu.memory_space<vmem>>
      %dma_start3A_57 = tpu.memref_squeeze %dma_start3A_56 : memref<1x128xi32, #tpu.memory_space<vmem>> -> memref<128xi32, #tpu.memory_space<vmem>>
      %dma_start3A_58 = arith.constant 0 : i32
      %dma_start3A_59 = tpu.memref_slice %arg3[%add3A, %run_scoped3A, %dma_start3A_58] : memref<32x80x128xi32, #tpu.memory_space<hbm>> -> memref<1x1x128xi32, #tpu.memory_space<hbm>>
      %dma_start3A_60 = tpu.memref_squeeze %dma_start3A_59 : memref<1x1x128xi32, #tpu.memory_space<hbm>> -> memref<128xi32, #tpu.memory_space<hbm>>
      tpu.enqueue_dma source(%dma_start3A_60 : memref<128xi32, #tpu.memory_space<hbm>>) target(%dma_start3A_57 : memref<128xi32, #tpu.memory_space<vmem>>) target_semaphore(%run_scoped3A_48 : memref<!tpu.dma_semaphore, #tpu.memory_space<semaphore_mem>>)
      %dma_wait3A_61 = arith.constant 0 : i32
      %dma_wait3A_62 = tpu.memref_slice %arg7[%run_scoped3A_5, %dma_wait3A_61] : memref<2x128xi32, #tpu.memory_space<vmem>> -> memref<1x128xi32, #tpu.memory_space<vmem>>
      %dma_wait3A_63 = tpu.memref_squeeze %dma_wait3A_62 : memref<1x128xi32, #tpu.memory_space<vmem>> -> memref<128xi32, #tpu.memory_space<vmem>>
      %dma_wait3A_64 = arith.constant 0 : i32
      %dma_wait3A_65 = tpu.memref_slice %arg3[%add3A, %run_scoped3A, %dma_wait3A_64] : memref<32x80x128xi32, #tpu.memory_space<hbm>> -> memref<1x1x128xi32, #tpu.memory_space<hbm>>
      %dma_wait3A_66 = tpu.memref_squeeze %dma_wait3A_65 : memref<1x1x128xi32, #tpu.memory_space<hbm>> -> memref<128xi32, #tpu.memory_space<hbm>>
      %dma_wait3A_67 = arith.constant 0 : i32
      %dma_wait3A_68 = tpu.memref_slice %arg7[%run_scoped3A_5, %dma_wait3A_67] : memref<2x128xi32, #tpu.memory_space<vmem>> -> memref<1x128xi32, #tpu.memory_space<vmem>>
      %dma_wait3A_69 = tpu.memref_squeeze %dma_wait3A_68 : memref<1x128xi32, #tpu.memory_space<vmem>> -> memref<128xi32, #tpu.memory_space<vmem>>
      %dma_wait3A_70 = arith.constant 0 : i32
      %dma_wait3A_71 = tpu.memref_slice %arg3[%add3A, %run_scoped3A, %dma_wait3A_70] : memref<32x80x128xi32, #tpu.memory_space<hbm>> -> memref<1x1x128xi32, #tpu.memory_space<hbm>>
      %dma_wait3A_72 = tpu.memref_squeeze %dma_wait3A_71 : memref<1x1x128xi32, #tpu.memory_space<hbm>> -> memref<128xi32, #tpu.memory_space<hbm>>
      tpu.wait_dma2 semaphore(%run_scoped3A_48 : memref<!tpu.dma_semaphore, #tpu.memory_space<semaphore_mem>>) src(%dma_wait3A_72 : memref<128xi32, #tpu.memory_space<hbm>>) dst(%dma_wait3A_69 : memref<128xi32, #tpu.memory_space<vmem>>)
      tpu.yield
    }) : () -> ()
    %dma_start3A = arith.constant 0 : i32
    %dma_start3A_6 = arith.constant 0 : i32
    %dma_start3A_7 = arith.constant 0 : i32
    %dma_start3A_8 = arith.constant 0 : i32
    %dma_start3A_9 = arith.constant 0 : i32
    %dma_start3A_10 = tpu.memref_slice %arg9[%dma_start3A_6, %dma_start3A_8, %dma_start3A_9] : memref<2x128x128xf32, #tpu.memory_space<vmem>> -> memref<1x128x128xf32, #tpu.memory_space<vmem>>
    %dma_start3A_11 = tpu.memref_squeeze %dma_start3A_10 : memref<1x128x128xf32, #tpu.memory_space<vmem>> -> memref<128x128xf32, #tpu.memory_space<vmem>>
    %dma_start3A_12 = arith.constant 0 : i32
    %dma_start3A_13 = tpu.memref_slice %arg7[%dma_start3A, %dma_start3A_12] : memref<2x128xi32, #tpu.memory_space<vmem>> -> memref<1x128xi32, #tpu.memory_space<vmem>>
    %dma_start3A_14 = tpu.memref_squeeze %dma_start3A_13 : memref<1x128xi32, #tpu.memory_space<vmem>> -> memref<128xi32, #tpu.memory_space<vmem>>
    %dma_start3A_15 = arith.constant 0 : i32
    %dma_start3A_16 = arith.constant 0 : i32
    %dma_start3A_17 = tpu.memref_slice %arg2[%dma_start3A_15, %dma_start3A_16] : memref<10240x128xf32, #tpu.memory_space<hbm>> -> memref<10240x128xf32, #tpu.memory_space<hbm>>
    %dma_start3A_18 = tpu.memref_slice %arg11[%dma_start3A_7] : memref<2x!tpu.dma_semaphore, #tpu.memory_space<semaphore_mem>> -> memref<1x!tpu.dma_semaphore, #tpu.memory_space<semaphore_mem>>
    %dma_start3A_19 = tpu.memref_squeeze %dma_start3A_18 : memref<1x!tpu.dma_semaphore, #tpu.memory_space<semaphore_mem>> -> memref<!tpu.dma_semaphore, #tpu.memory_space<semaphore_mem>>
    tpu.enqueue_indirect_dma source(%dma_start3A_17 : memref<10240x128xf32, #tpu.memory_space<hbm>>) target(%dma_start3A_11 : memref<128x128xf32, #tpu.memory_space<vmem>>) offsets(%dma_start3A_14 : memref<128xi32, #tpu.memory_space<vmem>>) semaphore(%dma_start3A_19 : memref<!tpu.dma_semaphore, #tpu.memory_space<semaphore_mem>>)
    %run_scoped3A_20 = arith.constant 1 : i32
    %run_scoped3A_21 = arith.constant 1 : i32
    "tpu.region"() ({
      %run_scoped3A_48 = tpu.sem_alloc : memref<!tpu.dma_semaphore, #tpu.memory_space<semaphore_mem>>
      %dma_start3A_49 = arith.constant 0 : i32
      %dma_start3A_50 = tpu.memref_slice %arg7[%run_scoped3A_21, %dma_start3A_49] : memref<2x128xi32, #tpu.memory_space<vmem>> -> memref<1x128xi32, #tpu.memory_space<vmem>>
      %dma_start3A_51 = tpu.memref_squeeze %dma_start3A_50 : memref<1x128xi32, #tpu.memory_space<vmem>> -> memref<128xi32, #tpu.memory_space<vmem>>
      %dma_start3A_52 = arith.constant 0 : i32
      %dma_start3A_53 = tpu.memref_slice %arg3[%add3A, %run_scoped3A_20, %dma_start3A_52] : memref<32x80x128xi32, #tpu.memory_space<hbm>> -> memref<1x1x128xi32, #tpu.memory_space<hbm>>
      %dma_start3A_54 = tpu.memref_squeeze %dma_start3A_53 : memref<1x1x128xi32, #tpu.memory_space<hbm>> -> memref<128xi32, #tpu.memory_space<hbm>>
      %dma_start3A_55 = arith.constant 0 : i32
      %dma_start3A_56 = tpu.memref_slice %arg7[%run_scoped3A_21, %dma_start3A_55] : memref<2x128xi32, #tpu.memory_space<vmem>> -> memref<1x128xi32, #tpu.memory_space<vmem>>
      %dma_start3A_57 = tpu.memref_squeeze %dma_start3A_56 : memref<1x128xi32, #tpu.memory_space<vmem>> -> memref<128xi32, #tpu.memory_space<vmem>>
      %dma_start3A_58 = arith.constant 0 : i32
      %dma_start3A_59 = tpu.memref_slice %arg3[%add3A, %run_scoped3A_20, %dma_start3A_58] : memref<32x80x128xi32, #tpu.memory_space<hbm>> -> memref<1x1x128xi32, #tpu.memory_space<hbm>>
      %dma_start3A_60 = tpu.memref_squeeze %dma_start3A_59 : memref<1x1x128xi32, #tpu.memory_space<hbm>> -> memref<128xi32, #tpu.memory_space<hbm>>
      tpu.enqueue_dma source(%dma_start3A_60 : memref<128xi32, #tpu.memory_space<hbm>>) target(%dma_start3A_57 : memref<128xi32, #tpu.memory_space<vmem>>) target_semaphore(%run_scoped3A_48 : memref<!tpu.dma_semaphore, #tpu.memory_space<semaphore_mem>>)
      %dma_wait3A_61 = arith.constant 0 : i32
      %dma_wait3A_62 = tpu.memref_slice %arg7[%run_scoped3A_21, %dma_wait3A_61] : memref<2x128xi32, #tpu.memory_space<vmem>> -> memref<1x128xi32, #tpu.memory_space<vmem>>
      %dma_wait3A_63 = tpu.memref_squeeze %dma_wait3A_62 : memref<1x128xi32, #tpu.memory_space<vmem>> -> memref<128xi32, #tpu.memory_space<vmem>>
      %dma_wait3A_64 = arith.constant 0 : i32
      %dma_wait3A_65 = tpu.memref_slice %arg3[%add3A, %run_scoped3A_20, %dma_wait3A_64] : memref<32x80x128xi32, #tpu.memory_space<hbm>> -> memref<1x1x128xi32, #tpu.memory_space<hbm>>
      %dma_wait3A_66 = tpu.memref_squeeze %dma_wait3A_65 : memref<1x1x128xi32, #tpu.memory_space<hbm>> -> memref<128xi32, #tpu.memory_space<hbm>>
      %dma_wait3A_67 = arith.constant 0 : i32
      %dma_wait3A_68 = tpu.memref_slice %arg7[%run_scoped3A_21, %dma_wait3A_67] : memref<2x128xi32, #tpu.memory_space<vmem>> -> memref<1x128xi32, #tpu.memory_space<vmem>>
      %dma_wait3A_69 = tpu.memref_squeeze %dma_wait3A_68 : memref<1x128xi32, #tpu.memory_space<vmem>> -> memref<128xi32, #tpu.memory_space<vmem>>
      %dma_wait3A_70 = arith.constant 0 : i32
      %dma_wait3A_71 = tpu.memref_slice %arg3[%add3A, %run_scoped3A_20, %dma_wait3A_70] : memref<32x80x128xi32, #tpu.memory_space<hbm>> -> memref<1x1x128xi32, #tpu.memory_space<hbm>>
      %dma_wait3A_72 = tpu.memref_squeeze %dma_wait3A_71 : memref<1x1x128xi32, #tpu.memory_space<hbm>> -> memref<128xi32, #tpu.memory_space<hbm>>
      tpu.wait_dma2 semaphore(%run_scoped3A_48 : memref<!tpu.dma_semaphore, #tpu.memory_space<semaphore_mem>>) src(%dma_wait3A_72 : memref<128xi32, #tpu.memory_space<hbm>>) dst(%dma_wait3A_69 : memref<128xi32, #tpu.memory_space<vmem>>)
      tpu.yield
    }) : () -> ()
    %scan3A = arith.constant 0 : i32
    %scan3A_22 = arith.constant 78 : i32
    %scan3A_23 = arith.addi %scan3A, %scan3A_22 : i32
    %scan3A_24 = arith.constant 1 : i32
    scf.for %scan3A_48 = %scan3A to %scan3A_23 step %scan3A_24  : i32 {
      %mul3A_49 = arith.constant 1 : i32
      %mul3A_50 = arith.muli %scan3A_48, %mul3A_49 : i32
      %add3A_51 = arith.constant 0 : i32
      %add3A_52 = arith.addi %add3A_51, %mul3A_50 : i32
      %rem3A_53 = arith.constant 2 : i32
      %rem3A_54 = arith.remsi %add3A_52, %rem3A_53 : i32
      %add3A_55 = arith.constant 1 : i32
      %add3A_56 = arith.addi %add3A_52, %add3A_55 : i32
      %rem3A_57 = arith.constant 2 : i32
      %rem3A_58 = arith.remsi %add3A_56, %rem3A_57 : i32
      %dma_wait3A_59 = arith.constant 0 : i32
      %dma_wait3A_60 = arith.constant 0 : i32
      %dma_wait3A_61 = tpu.memref_slice %arg9[%rem3A_54, %dma_wait3A_59, %dma_wait3A_60] : memref<2x128x128xf32, #tpu.memory_space<vmem>> -> memref<1x128x128xf32, #tpu.memory_space<vmem>>
      %dma_wait3A_62 = tpu.memref_squeeze %dma_wait3A_61 : memref<1x128x128xf32, #tpu.memory_space<vmem>> -> memref<128x128xf32, #tpu.memory_space<vmem>>
      %dma_wait3A_63 = arith.constant 0 : i32
      %dma_wait3A_64 = tpu.memref_slice %arg7[%rem3A_54, %dma_wait3A_63] : memref<2x128xi32, #tpu.memory_space<vmem>> -> memref<1x128xi32, #tpu.memory_space<vmem>>
      %dma_wait3A_65 = tpu.memref_squeeze %dma_wait3A_64 : memref<1x128xi32, #tpu.memory_space<vmem>> -> memref<128xi32, #tpu.memory_space<vmem>>
      %dma_wait3A_66 = arith.constant 0 : i32
      %dma_wait3A_67 = arith.constant 0 : i32
      %dma_wait3A_68 = tpu.memref_slice %arg2[%dma_wait3A_66, %dma_wait3A_67] : memref<10240x128xf32, #tpu.memory_space<hbm>> -> memref<10240x128xf32, #tpu.memory_space<hbm>>
      %dma_wait3A_69 = tpu.memref_slice %arg11[%rem3A_54] : memref<2x!tpu.dma_semaphore, #tpu.memory_space<semaphore_mem>> -> memref<1x!tpu.dma_semaphore, #tpu.memory_space<semaphore_mem>>
      %dma_wait3A_70 = tpu.memref_squeeze %dma_wait3A_69 : memref<1x!tpu.dma_semaphore, #tpu.memory_space<semaphore_mem>> -> memref<!tpu.dma_semaphore, #tpu.memory_space<semaphore_mem>>
      tpu.wait_indirect_dma semaphore(%dma_wait3A_70 : memref<!tpu.dma_semaphore, #tpu.memory_space<semaphore_mem>>) src(%dma_wait3A_68 : memref<10240x128xf32, #tpu.memory_space<hbm>>) dst(%dma_wait3A_62 : memref<128x128xf32, #tpu.memory_space<vmem>>)
      %dma_start3A_71 = arith.constant 0 : i32
      %dma_start3A_72 = arith.constant 0 : i32
      %dma_start3A_73 = tpu.memref_slice %arg9[%rem3A_58, %dma_start3A_71, %dma_start3A_72] : memref<2x128x128xf32, #tpu.memory_space<vmem>> -> memref<1x128x128xf32, #tpu.memory_space<vmem>>
      %dma_start3A_74 = tpu.memref_squeeze %dma_start3A_73 : memref<1x128x128xf32, #tpu.memory_space<vmem>> -> memref<128x128xf32, #tpu.memory_space<vmem>>
      %dma_start3A_75 = arith.constant 0 : i32
      %dma_start3A_76 = tpu.memref_slice %arg7[%rem3A_58, %dma_start3A_75] : memref<2x128xi32, #tpu.memory_space<vmem>> -> memref<1x128xi32, #tpu.memory_space<vmem>>
      %dma_start3A_77 = tpu.memref_squeeze %dma_start3A_76 : memref<1x128xi32, #tpu.memory_space<vmem>> -> memref<128xi32, #tpu.memory_space<vmem>>
      %dma_start3A_78 = arith.constant 0 : i32
      %dma_start3A_79 = arith.constant 0 : i32
      %dma_start3A_80 = tpu.memref_slice %arg2[%dma_start3A_78, %dma_start3A_79] : memref<10240x128xf32, #tpu.memory_space<hbm>> -> memref<10240x128xf32, #tpu.memory_space<hbm>>
      %dma_start3A_81 = tpu.memref_slice %arg11[%rem3A_58] : memref<2x!tpu.dma_semaphore, #tpu.memory_space<semaphore_mem>> -> memref<1x!tpu.dma_semaphore, #tpu.memory_space<semaphore_mem>>
      %dma_start3A_82 = tpu.memref_squeeze %dma_start3A_81 : memref<1x!tpu.dma_semaphore, #tpu.memory_space<semaphore_mem>> -> memref<!tpu.dma_semaphore, #tpu.memory_space<semaphore_mem>>
      tpu.enqueue_indirect_dma source(%dma_start3A_80 : memref<10240x128xf32, #tpu.memory_space<hbm>>) target(%dma_start3A_74 : memref<128x128xf32, #tpu.memory_space<vmem>>) offsets(%dma_start3A_77 : memref<128xi32, #tpu.memory_space<vmem>>) semaphore(%dma_start3A_82 : memref<!tpu.dma_semaphore, #tpu.memory_space<semaphore_mem>>)
      "tpu.region"() ({
        %run_scoped3A_85 = tpu.sem_alloc : memref<!tpu.dma_semaphore, #tpu.memory_space<semaphore_mem>>
        %dma_start3A_86 = arith.constant 0 : i32
        %dma_start3A_87 = arith.constant 0 : i32
        %dma_start3A_88 = tpu.memref_slice %arg9[%rem3A_54, %dma_start3A_86, %dma_start3A_87] : memref<2x128x128xf32, #tpu.memory_space<vmem>> -> memref<1x128x128xf32, #tpu.memory_space<vmem>>
        %dma_start3A_89 = tpu.memref_squeeze %dma_start3A_88 : memref<1x128x128xf32, #tpu.memory_space<vmem>> -> memref<128x128xf32, #tpu.memory_space<vmem>>
        %dma_start3A_90 = arith.constant 0 : i32
        %dma_start3A_91 = tpu.memref_slice %arg8[%add3A_52, %dma_start3A_90] : memref<79x128xi32, #tpu.memory_space<vmem>> -> memref<1x128xi32, #tpu.memory_space<vmem>>
        %dma_start3A_92 = tpu.memref_squeeze %dma_start3A_91 : memref<1x128xi32, #tpu.memory_space<vmem>> -> memref<128xi32, #tpu.memory_space<vmem>>
        %dma_start3A_93 = arith.constant 0 : i32
        %dma_start3A_94 = arith.constant 0 : i32
        %dma_start3A_95 = tpu.memref_slice %arg10[%dma_start3A_93, %dma_start3A_94] : memref<10240x128xf32, #tpu.memory_space<vmem_shared>> -> memref<10240x128xf32, #tpu.memory_space<vmem_shared>>
        tpu.enqueue_indirect_dma source(%dma_start3A_89 : memref<128x128xf32, #tpu.memory_space<vmem>>) target(%dma_start3A_95 : memref<10240x128xf32, #tpu.memory_space<vmem_shared>>) offsets(%dma_start3A_92 : memref<128xi32, #tpu.memory_space<vmem>>) semaphore(%run_scoped3A_85 : memref<!tpu.dma_semaphore, #tpu.memory_space<semaphore_mem>>) {add = true}
        %dma_wait3A_96 = arith.constant 0 : i32
        %dma_wait3A_97 = arith.constant 0 : i32
        %dma_wait3A_98 = tpu.memref_slice %arg9[%rem3A_54, %dma_wait3A_96, %dma_wait3A_97] : memref<2x128x128xf32, #tpu.memory_space<vmem>> -> memref<1x128x128xf32, #tpu.memory_space<vmem>>
        %dma_wait3A_99 = tpu.memref_squeeze %dma_wait3A_98 : memref<1x128x128xf32, #tpu.memory_space<vmem>> -> memref<128x128xf32, #tpu.memory_space<vmem>>
        %dma_wait3A_100 = arith.constant 0 : i32
        %dma_wait3A_101 = tpu.memref_slice %arg8[%add3A_52, %dma_wait3A_100] : memref<79x128xi32, #tpu.memory_space<vmem>> -> memref<1x128xi32, #tpu.memory_space<vmem>>
        %dma_wait3A_102 = tpu.memref_squeeze %dma_wait3A_101 : memref<1x128xi32, #tpu.memory_space<vmem>> -> memref<128xi32, #tpu.memory_space<vmem>>
        %dma_wait3A_103 = arith.constant 0 : i32
        %dma_wait3A_104 = arith.constant 0 : i32
        %dma_wait3A_105 = tpu.memref_slice %arg10[%dma_wait3A_103, %dma_wait3A_104] : memref<10240x128xf32, #tpu.memory_space<vmem_shared>> -> memref<10240x128xf32, #tpu.memory_space<vmem_shared>>
        tpu.wait_indirect_dma semaphore(%run_scoped3A_85 : memref<!tpu.dma_semaphore, #tpu.memory_space<semaphore_mem>>) src(%dma_wait3A_99 : memref<128x128xf32, #tpu.memory_space<vmem>>) dst(%dma_wait3A_105 : memref<10240x128xf32, #tpu.memory_space<vmem_shared>>)
        tpu.yield
      }) : () -> ()
      %add3A_83 = arith.constant 2 : i32
      %add3A_84 = arith.addi %add3A_52, %add3A_83 : i32
      "tpu.region"() ({
        %run_scoped3A_85 = tpu.sem_alloc : memref<!tpu.dma_semaphore, #tpu.memory_space<semaphore_mem>>
        %dma_start3A_86 = arith.constant 0 : i32
        %dma_start3A_87 = tpu.memref_slice %arg7[%rem3A_54, %dma_start3A_86] : memref<2x128xi32, #tpu.memory_space<vmem>> -> memref<1x128xi32, #tpu.memory_space<vmem>>
        %dma_start3A_88 = tpu.memref_squeeze %dma_start3A_87 : memref<1x128xi32, #tpu.memory_space<vmem>> -> memref<128xi32, #tpu.memory_space<vmem>>
        %dma_start3A_89 = arith.constant 0 : i32
        %dma_start3A_90 = tpu.memref_slice %arg3[%add3A, %add3A_84, %dma_start3A_89] : memref<32x80x128xi32, #tpu.memory_space<hbm>> -> memref<1x1x128xi32, #tpu.memory_space<hbm>>
        %dma_start3A_91 = tpu.memref_squeeze %dma_start3A_90 : memref<1x1x128xi32, #tpu.memory_space<hbm>> -> memref<128xi32, #tpu.memory_space<hbm>>
        %dma_start3A_92 = arith.constant 0 : i32
        %dma_start3A_93 = tpu.memref_slice %arg7[%rem3A_54, %dma_start3A_92] : memref<2x128xi32, #tpu.memory_space<vmem>> -> memref<1x128xi32, #tpu.memory_space<vmem>>
        %dma_start3A_94 = tpu.memref_squeeze %dma_start3A_93 : memref<1x128xi32, #tpu.memory_space<vmem>> -> memref<128xi32, #tpu.memory_space<vmem>>
        %dma_start3A_95 = arith.constant 0 : i32
        %dma_start3A_96 = tpu.memref_slice %arg3[%add3A, %add3A_84, %dma_start3A_95] : memref<32x80x128xi32, #tpu.memory_space<hbm>> -> memref<1x1x128xi32, #tpu.memory_space<hbm>>
        %dma_start3A_97 = tpu.memref_squeeze %dma_start3A_96 : memref<1x1x128xi32, #tpu.memory_space<hbm>> -> memref<128xi32, #tpu.memory_space<hbm>>
        tpu.enqueue_dma source(%dma_start3A_97 : memref<128xi32, #tpu.memory_space<hbm>>) target(%dma_start3A_94 : memref<128xi32, #tpu.memory_space<vmem>>) target_semaphore(%run_scoped3A_85 : memref<!tpu.dma_semaphore, #tpu.memory_space<semaphore_mem>>)
        %dma_wait3A_98 = arith.constant 0 : i32
        %dma_wait3A_99 = tpu.memref_slice %arg7[%rem3A_54, %dma_wait3A_98] : memref<2x128xi32, #tpu.memory_space<vmem>> -> memref<1x128xi32, #tpu.memory_space<vmem>>
        %dma_wait3A_100 = tpu.memref_squeeze %dma_wait3A_99 : memref<1x128xi32, #tpu.memory_space<vmem>> -> memref<128xi32, #tpu.memory_space<vmem>>
        %dma_wait3A_101 = arith.constant 0 : i32
        %dma_wait3A_102 = tpu.memref_slice %arg3[%add3A, %add3A_84, %dma_wait3A_101] : memref<32x80x128xi32, #tpu.memory_space<hbm>> -> memref<1x1x128xi32, #tpu.memory_space<hbm>>
        %dma_wait3A_103 = tpu.memref_squeeze %dma_wait3A_102 : memref<1x1x128xi32, #tpu.memory_space<hbm>> -> memref<128xi32, #tpu.memory_space<hbm>>
        %dma_wait3A_104 = arith.constant 0 : i32
        %dma_wait3A_105 = tpu.memref_slice %arg7[%rem3A_54, %dma_wait3A_104] : memref<2x128xi32, #tpu.memory_space<vmem>> -> memref<1x128xi32, #tpu.memory_space<vmem>>
        %dma_wait3A_106 = tpu.memref_squeeze %dma_wait3A_105 : memref<1x128xi32, #tpu.memory_space<vmem>> -> memref<128xi32, #tpu.memory_space<vmem>>
        %dma_wait3A_107 = arith.constant 0 : i32
        %dma_wait3A_108 = tpu.memref_slice %arg3[%add3A, %add3A_84, %dma_wait3A_107] : memref<32x80x128xi32, #tpu.memory_space<hbm>> -> memref<1x1x128xi32, #tpu.memory_space<hbm>>
        %dma_wait3A_109 = tpu.memref_squeeze %dma_wait3A_108 : memref<1x1x128xi32, #tpu.memory_space<hbm>> -> memref<128xi32, #tpu.memory_space<hbm>>
        tpu.wait_dma2 semaphore(%run_scoped3A_85 : memref<!tpu.dma_semaphore, #tpu.memory_space<semaphore_mem>>) src(%dma_wait3A_109 : memref<128xi32, #tpu.memory_space<hbm>>) dst(%dma_wait3A_106 : memref<128xi32, #tpu.memory_space<vmem>>)
        tpu.yield
      }) : () -> ()
    }
    %scan3A_25 = arith.constant 78 : i32
    %rem3A = arith.constant 78 : i32
    %rem3A_26 = arith.constant 2 : i32
    %rem3A_27 = arith.remsi %rem3A, %rem3A_26 : i32
    %dma_wait3A = arith.constant 0 : i32
    %dma_wait3A_28 = arith.constant 0 : i32
    %dma_wait3A_29 = tpu.memref_slice %arg9[%rem3A_27, %dma_wait3A, %dma_wait3A_28] : memref<2x128x128xf32, #tpu.memory_space<vmem>> -> memref<1x128x128xf32, #tpu.memory_space<vmem>>
    %dma_wait3A_30 = tpu.memref_squeeze %dma_wait3A_29 : memref<1x128x128xf32, #tpu.memory_space<vmem>> -> memref<128x128xf32, #tpu.memory_space<vmem>>
    %dma_wait3A_31 = arith.constant 0 : i32
    %dma_wait3A_32 = tpu.memref_slice %arg7[%rem3A_27, %dma_wait3A_31] : memref<2x128xi32, #tpu.memory_space<vmem>> -> memref<1x128xi32, #tpu.memory_space<vmem>>
    %dma_wait3A_33 = tpu.memref_squeeze %dma_wait3A_32 : memref<1x128xi32, #tpu.memory_space<vmem>> -> memref<128xi32, #tpu.memory_space<vmem>>
    %dma_wait3A_34 = arith.constant 0 : i32
    %dma_wait3A_35 = arith.constant 0 : i32
    %dma_wait3A_36 = tpu.memref_slice %arg2[%dma_wait3A_34, %dma_wait3A_35] : memref<10240x128xf32, #tpu.memory_space<hbm>> -> memref<10240x128xf32, #tpu.memory_space<hbm>>
    %dma_wait3A_37 = tpu.memref_slice %arg11[%rem3A_27] : memref<2x!tpu.dma_semaphore, #tpu.memory_space<semaphore_mem>> -> memref<1x!tpu.dma_semaphore, #tpu.memory_space<semaphore_mem>>
    %dma_wait3A_38 = tpu.memref_squeeze %dma_wait3A_37 : memref<1x!tpu.dma_semaphore, #tpu.memory_space<semaphore_mem>> -> memref<!tpu.dma_semaphore, #tpu.memory_space<semaphore_mem>>
    tpu.wait_indirect_dma semaphore(%dma_wait3A_38 : memref<!tpu.dma_semaphore, #tpu.memory_space<semaphore_mem>>) src(%dma_wait3A_36 : memref<10240x128xf32, #tpu.memory_space<hbm>>) dst(%dma_wait3A_30 : memref<128x128xf32, #tpu.memory_space<vmem>>)
    %run_scoped3A_39 = arith.constant 78 : i32
    "tpu.region"() ({
      %run_scoped3A_48 = tpu.sem_alloc : memref<!tpu.dma_semaphore, #tpu.memory_space<semaphore_mem>>
      %dma_start3A_49 = arith.constant 0 : i32
      %dma_start3A_50 = arith.constant 0 : i32
      %dma_start3A_51 = tpu.memref_slice %arg9[%rem3A_27, %dma_start3A_49, %dma_start3A_50] : memref<2x128x128xf32, #tpu.memory_space<vmem>> -> memref<1x128x128xf32, #tpu.memory_space<vmem>>
      %dma_start3A_52 = tpu.memref_squeeze %dma_start3A_51 : memref<1x128x128xf32, #tpu.memory_space<vmem>> -> memref<128x128xf32, #tpu.memory_space<vmem>>
      %dma_start3A_53 = arith.constant 0 : i32
      %dma_start3A_54 = tpu.memref_slice %arg8[%run_scoped3A_39, %dma_start3A_53] : memref<79x128xi32, #tpu.memory_space<vmem>> -> memref<1x128xi32, #tpu.memory_space<vmem>>
      %dma_start3A_55 = tpu.memref_squeeze %dma_start3A_54 : memref<1x128xi32, #tpu.memory_space<vmem>> -> memref<128xi32, #tpu.memory_space<vmem>>
      %dma_start3A_56 = arith.constant 0 : i32
      %dma_start3A_57 = arith.constant 0 : i32
      %dma_start3A_58 = tpu.memref_slice %arg10[%dma_start3A_56, %dma_start3A_57] : memref<10240x128xf32, #tpu.memory_space<vmem_shared>> -> memref<10240x128xf32, #tpu.memory_space<vmem_shared>>
      tpu.enqueue_indirect_dma source(%dma_start3A_52 : memref<128x128xf32, #tpu.memory_space<vmem>>) target(%dma_start3A_58 : memref<10240x128xf32, #tpu.memory_space<vmem_shared>>) offsets(%dma_start3A_55 : memref<128xi32, #tpu.memory_space<vmem>>) semaphore(%run_scoped3A_48 : memref<!tpu.dma_semaphore, #tpu.memory_space<semaphore_mem>>) {add = true}
      %dma_wait3A_59 = arith.constant 0 : i32
      %dma_wait3A_60 = arith.constant 0 : i32
      %dma_wait3A_61 = tpu.memref_slice %arg9[%rem3A_27, %dma_wait3A_59, %dma_wait3A_60] : memref<2x128x128xf32, #tpu.memory_space<vmem>> -> memref<1x128x128xf32, #tpu.memory_space<vmem>>
      %dma_wait3A_62 = tpu.memref_squeeze %dma_wait3A_61 : memref<1x128x128xf32, #tpu.memory_space<vmem>> -> memref<128x128xf32, #tpu.memory_space<vmem>>
      %dma_wait3A_63 = arith.constant 0 : i32
      %dma_wait3A_64 = tpu.memref_slice %arg8[%run_scoped3A_39, %dma_wait3A_63] : memref<79x128xi32, #tpu.memory_space<vmem>> -> memref<1x128xi32, #tpu.memory_space<vmem>>
      %dma_wait3A_65 = tpu.memref_squeeze %dma_wait3A_64 : memref<1x128xi32, #tpu.memory_space<vmem>> -> memref<128xi32, #tpu.memory_space<vmem>>
      %dma_wait3A_66 = arith.constant 0 : i32
      %dma_wait3A_67 = arith.constant 0 : i32
      %dma_wait3A_68 = tpu.memref_slice %arg10[%dma_wait3A_66, %dma_wait3A_67] : memref<10240x128xf32, #tpu.memory_space<vmem_shared>> -> memref<10240x128xf32, #tpu.memory_space<vmem_shared>>
      tpu.wait_indirect_dma semaphore(%run_scoped3A_48 : memref<!tpu.dma_semaphore, #tpu.memory_space<semaphore_mem>>) src(%dma_wait3A_62 : memref<128x128xf32, #tpu.memory_space<vmem>>) dst(%dma_wait3A_68 : memref<10240x128xf32, #tpu.memory_space<vmem_shared>>)
      tpu.yield
    }) : () -> ()
    %barrier3A_40 = arith.constant 0 : index
    tpu.barrier barrier_id(%barrier3A_40)
    %mul3A_41 = arith.constant 640 : i32
    %mul3A_42 = arith.muli %arg1, %mul3A_41 : i32
    %mul3A_43 = arith.constant 10240 : i32
    %mul3A_44 = arith.muli %arg0, %mul3A_43 : i32
    %mul3A_45 = arith.constant 640 : i32
    %mul3A_46 = arith.muli %arg1, %mul3A_45 : i32
    %add3A_47 = arith.addi %mul3A_44, %mul3A_46 : i32
    "tpu.region"() ({
      %run_scoped3A_48 = tpu.sem_alloc : memref<!tpu.dma_semaphore, #tpu.memory_space<semaphore_mem>>
      %dma_start3A_49 = arith.constant 0 : i32
      %dma_start3A_50 = tpu.memref_slice %arg6[%add3A_47, %dma_start3A_49] : memref<20480x128xf32, #tpu.memory_space<hbm>> -> memref<640x128xf32, #tpu.memory_space<hbm>>
      %dma_start3A_51 = arith.constant 0 : i32
      %dma_start3A_52 = tpu.memref_slice %arg10[%mul3A_42, %dma_start3A_51] : memref<10240x128xf32, #tpu.memory_space<vmem_shared>> -> memref<640x128xf32, #tpu.memory_space<vmem_shared>>
      tpu.enqueue_dma source(%dma_start3A_52 : memref<640x128xf32, #tpu.memory_space<vmem_shared>>) target(%dma_start3A_50 : memref<640x128xf32, #tpu.memory_space<hbm>>) target_semaphore(%run_scoped3A_48 : memref<!tpu.dma_semaphore, #tpu.memory_space<semaphore_mem>>)
      %dma_wait3A_53 = arith.constant 0 : i32
      %dma_wait3A_54 = tpu.memref_slice %arg6[%add3A_47, %dma_wait3A_53] : memref<20480x128xf32, #tpu.memory_space<hbm>> -> memref<640x128xf32, #tpu.memory_space<hbm>>
      %dma_wait3A_55 = arith.constant 0 : i32
      %dma_wait3A_56 = tpu.memref_slice %arg10[%mul3A_42, %dma_wait3A_55] : memref<10240x128xf32, #tpu.memory_space<vmem_shared>> -> memref<640x128xf32, #tpu.memory_space<vmem_shared>>
      tpu.wait_dma2 semaphore(%run_scoped3A_48 : memref<!tpu.dma_semaphore, #tpu.memory_space<semaphore_mem>>) src(%dma_wait3A_56 : memref<640x128xf32, #tpu.memory_space<vmem_shared>>) dst(%dma_wait3A_54 : memref<640x128xf32, #tpu.memory_space<hbm>>)
      tpu.yield
    }) : () -> ()
    return
  }
}

#map = affine_map<(d0, d1) -> (0, 0)>
#map1 = affine_map<(d0, d1) -> (0, 0, 0)>
module attributes {stable_mosaic.version = 14 : i64} {
  func.func @agg_kernel(%arg0: i32, %arg1: i32, %arg2: memref<10240x128xf32, #tpu.memory_space<hbm>>, %arg3: memref<32x80x128xi32, #tpu.memory_space<hbm>>, %arg4: memref<32x79x128xi32, #tpu.memory_space<hbm>>, %arg5: memref<10240x128xf32, #tpu.memory_space<hbm>>, %arg6: memref<20480x128xf32, #tpu.memory_space<hbm>>, %arg7: memref<2x128xi32, #tpu.memory_space<vmem>>, %arg8: memref<79x128xi32, #tpu.memory_space<vmem>>, %arg9: memref<2x128x128xf32, #tpu.memory_space<vmem>>, %arg10: memref<10240x128xf32, #tpu.memory_space<vmem_shared>>, %arg11: memref<2x!tpu.dma_semaphore, #tpu.memory_space<semaphore_mem>>) attributes {dimension_semantics = [#tpu.dimension_semantics<core_parallel>, #tpu.dimension_semantics<subcore_parallel>], iteration_bounds = array<i64: 2, 16>, scalar_prefetch = 0 : i64, scratch_operands = 5 : i64, tpu.core_type = #tpu.core_type<sc_vector_subcore>, window_params = [{transform_indices = #map}, {transform_indices = #map1}, {transform_indices = #map1}, {transform_indices = #map}, {transform_indices = #map}]} {
    %mul3A = arith.constant 2 : i32
    %mul3A_0 = arith.muli %arg1, %mul3A : i32
    %add3A = arith.addi %mul3A_0, %arg0 : i32
    %mul3A_1 = arith.constant 640 : i32
    %mul3A_2 = arith.muli %arg1, %mul3A_1 : i32
    %mul3A_3 = arith.constant 640 : i32
    %mul3A_4 = arith.muli %arg1, %mul3A_3 : i32
    "tpu.region"() ({
      %run_scoped3A_48 = tpu.sem_alloc : memref<!tpu.dma_semaphore, #tpu.memory_space<semaphore_mem>>
      %dma_start3A_49 = arith.constant 0 : i32
      %dma_start3A_50 = tpu.memref_slice %arg10[%mul3A_4, %dma_start3A_49] : memref<10240x128xf32, #tpu.memory_space<vmem_shared>> -> memref<640x128xf32, #tpu.memory_space<vmem_shared>>
      %dma_start3A_51 = arith.constant 0 : i32
      %dma_start3A_52 = tpu.memref_slice %arg5[%mul3A_2, %dma_start3A_51] : memref<10240x128xf32, #tpu.memory_space<hbm>> -> memref<640x128xf32, #tpu.memory_space<hbm>>
      tpu.enqueue_dma source(%dma_start3A_52 : memref<640x128xf32, #tpu.memory_space<hbm>>) target(%dma_start3A_50 : memref<640x128xf32, #tpu.memory_space<vmem_shared>>) target_semaphore(%run_scoped3A_48 : memref<!tpu.dma_semaphore, #tpu.memory_space<semaphore_mem>>)
      %dma_wait3A_53 = arith.constant 0 : i32
      %dma_wait3A_54 = tpu.memref_slice %arg10[%mul3A_4, %dma_wait3A_53] : memref<10240x128xf32, #tpu.memory_space<vmem_shared>> -> memref<640x128xf32, #tpu.memory_space<vmem_shared>>
      %dma_wait3A_55 = arith.constant 0 : i32
      %dma_wait3A_56 = tpu.memref_slice %arg5[%mul3A_2, %dma_wait3A_55] : memref<10240x128xf32, #tpu.memory_space<hbm>> -> memref<640x128xf32, #tpu.memory_space<hbm>>
      tpu.wait_dma2 semaphore(%run_scoped3A_48 : memref<!tpu.dma_semaphore, #tpu.memory_space<semaphore_mem>>) src(%dma_wait3A_56 : memref<640x128xf32, #tpu.memory_space<hbm>>) dst(%dma_wait3A_54 : memref<640x128xf32, #tpu.memory_space<vmem_shared>>)
      tpu.yield
    }) : () -> ()
    "tpu.region"() ({
      %run_scoped3A_48 = tpu.sem_alloc : memref<!tpu.dma_semaphore, #tpu.memory_space<semaphore_mem>>
      %dma_start3A_49 = arith.constant 0 : i32
      %dma_start3A_50 = arith.constant 0 : i32
      %dma_start3A_51 = tpu.memref_slice %arg4[%add3A, %dma_start3A_49, %dma_start3A_50] : memref<32x79x128xi32, #tpu.memory_space<hbm>> -> memref<1x79x128xi32, #tpu.memory_space<hbm>>
      %dma_start3A_52 = tpu.memref_squeeze %dma_start3A_51 : memref<1x79x128xi32, #tpu.memory_space<hbm>> -> memref<79x128xi32, #tpu.memory_space<hbm>>
      %dma_start3A_53 = arith.constant 0 : i32
      %dma_start3A_54 = arith.constant 0 : i32
      %dma_start3A_55 = tpu.memref_slice %arg4[%add3A, %dma_start3A_53, %dma_start3A_54] : memref<32x79x128xi32, #tpu.memory_space<hbm>> -> memref<1x79x128xi32, #tpu.memory_space<hbm>>
      %dma_start3A_56 = tpu.memref_squeeze %dma_start3A_55 : memref<1x79x128xi32, #tpu.memory_space<hbm>> -> memref<79x128xi32, #tpu.memory_space<hbm>>
      tpu.enqueue_dma source(%dma_start3A_56 : memref<79x128xi32, #tpu.memory_space<hbm>>) target(%arg8 : memref<79x128xi32, #tpu.memory_space<vmem>>) target_semaphore(%run_scoped3A_48 : memref<!tpu.dma_semaphore, #tpu.memory_space<semaphore_mem>>)
      %dma_wait3A_57 = arith.constant 0 : i32
      %dma_wait3A_58 = arith.constant 0 : i32
      %dma_wait3A_59 = tpu.memref_slice %arg4[%add3A, %dma_wait3A_57, %dma_wait3A_58] : memref<32x79x128xi32, #tpu.memory_space<hbm>> -> memref<1x79x128xi32, #tpu.memory_space<hbm>>
      %dma_wait3A_60 = tpu.memref_squeeze %dma_wait3A_59 : memref<1x79x128xi32, #tpu.memory_space<hbm>> -> memref<79x128xi32, #tpu.memory_space<hbm>>
      %dma_wait3A_61 = arith.constant 0 : i32
      %dma_wait3A_62 = arith.constant 0 : i32
      %dma_wait3A_63 = tpu.memref_slice %arg4[%add3A, %dma_wait3A_61, %dma_wait3A_62] : memref<32x79x128xi32, #tpu.memory_space<hbm>> -> memref<1x79x128xi32, #tpu.memory_space<hbm>>
      %dma_wait3A_64 = tpu.memref_squeeze %dma_wait3A_63 : memref<1x79x128xi32, #tpu.memory_space<hbm>> -> memref<79x128xi32, #tpu.memory_space<hbm>>
      tpu.wait_dma2 semaphore(%run_scoped3A_48 : memref<!tpu.dma_semaphore, #tpu.memory_space<semaphore_mem>>) src(%dma_wait3A_64 : memref<79x128xi32, #tpu.memory_space<hbm>>) dst(%arg8 : memref<79x128xi32, #tpu.memory_space<vmem>>)
      tpu.yield
    }) : () -> ()
    %barrier3A = arith.constant 0 : index
    tpu.barrier barrier_id(%barrier3A)
    %run_scoped3A = arith.constant 0 : i32
    %run_scoped3A_5 = arith.constant 0 : i32
    "tpu.region"() ({
      %run_scoped3A_48 = tpu.sem_alloc : memref<!tpu.dma_semaphore, #tpu.memory_space<semaphore_mem>>
      %dma_start3A_49 = arith.constant 0 : i32
      %dma_start3A_50 = tpu.memref_slice %arg7[%run_scoped3A_5, %dma_start3A_49] : memref<2x128xi32, #tpu.memory_space<vmem>> -> memref<1x128xi32, #tpu.memory_space<vmem>>
      %dma_start3A_51 = tpu.memref_squeeze %dma_start3A_50 : memref<1x128xi32, #tpu.memory_space<vmem>> -> memref<128xi32, #tpu.memory_space<vmem>>
      %dma_start3A_52 = arith.constant 0 : i32
      %dma_start3A_53 = tpu.memref_slice %arg3[%add3A, %run_scoped3A, %dma_start3A_52] : memref<32x80x128xi32, #tpu.memory_space<hbm>> -> memref<1x1x128xi32, #tpu.memory_space<hbm>>
      %dma_start3A_54 = tpu.memref_squeeze %dma_start3A_53 : memref<1x1x128xi32, #tpu.memory_space<hbm>> -> memref<128xi32, #tpu.memory_space<hbm>>
      %dma_start3A_55 = arith.constant 0 : i32
      %dma_start3A_56 = tpu.memref_slice %arg7[%run_scoped3A_5, %dma_start3A_55] : memref<2x128xi32, #tpu.memory_space<vmem>> -> memref<1x128xi32, #tpu.memory_space<vmem>>
      %dma_start3A_57 = tpu.memref_squeeze %dma_start3A_56 : memref<1x128xi32, #tpu.memory_space<vmem>> -> memref<128xi32, #tpu.memory_space<vmem>>
      %dma_start3A_58 = arith.constant 0 : i32
      %dma_start3A_59 = tpu.memref_slice %arg3[%add3A, %run_scoped3A, %dma_start3A_58] : memref<32x80x128xi32, #tpu.memory_space<hbm>> -> memref<1x1x128xi32, #tpu.memory_space<hbm>>
      %dma_start3A_60 = tpu.memref_squeeze %dma_start3A_59 : memref<1x1x128xi32, #tpu.memory_space<hbm>> -> memref<128xi32, #tpu.memory_space<hbm>>
      tpu.enqueue_dma source(%dma_start3A_60 : memref<128xi32, #tpu.memory_space<hbm>>) target(%dma_start3A_57 : memref<128xi32, #tpu.memory_space<vmem>>) target_semaphore(%run_scoped3A_48 : memref<!tpu.dma_semaphore, #tpu.memory_space<semaphore_mem>>)
      %dma_wait3A_61 = arith.constant 0 : i32
      %dma_wait3A_62 = tpu.memref_slice %arg7[%run_scoped3A_5, %dma_wait3A_61] : memref<2x128xi32, #tpu.memory_space<vmem>> -> memref<1x128xi32, #tpu.memory_space<vmem>>
      %dma_wait3A_63 = tpu.memref_squeeze %dma_wait3A_62 : memref<1x128xi32, #tpu.memory_space<vmem>> -> memref<128xi32, #tpu.memory_space<vmem>>
      %dma_wait3A_64 = arith.constant 0 : i32
      %dma_wait3A_65 = tpu.memref_slice %arg3[%add3A, %run_scoped3A, %dma_wait3A_64] : memref<32x80x128xi32, #tpu.memory_space<hbm>> -> memref<1x1x128xi32, #tpu.memory_space<hbm>>
      %dma_wait3A_66 = tpu.memref_squeeze %dma_wait3A_65 : memref<1x1x128xi32, #tpu.memory_space<hbm>> -> memref<128xi32, #tpu.memory_space<hbm>>
      %dma_wait3A_67 = arith.constant 0 : i32
      %dma_wait3A_68 = tpu.memref_slice %arg7[%run_scoped3A_5, %dma_wait3A_67] : memref<2x128xi32, #tpu.memory_space<vmem>> -> memref<1x128xi32, #tpu.memory_space<vmem>>
      %dma_wait3A_69 = tpu.memref_squeeze %dma_wait3A_68 : memref<1x128xi32, #tpu.memory_space<vmem>> -> memref<128xi32, #tpu.memory_space<vmem>>
      %dma_wait3A_70 = arith.constant 0 : i32
      %dma_wait3A_71 = tpu.memref_slice %arg3[%add3A, %run_scoped3A, %dma_wait3A_70] : memref<32x80x128xi32, #tpu.memory_space<hbm>> -> memref<1x1x128xi32, #tpu.memory_space<hbm>>
      %dma_wait3A_72 = tpu.memref_squeeze %dma_wait3A_71 : memref<1x1x128xi32, #tpu.memory_space<hbm>> -> memref<128xi32, #tpu.memory_space<hbm>>
      tpu.wait_dma2 semaphore(%run_scoped3A_48 : memref<!tpu.dma_semaphore, #tpu.memory_space<semaphore_mem>>) src(%dma_wait3A_72 : memref<128xi32, #tpu.memory_space<hbm>>) dst(%dma_wait3A_69 : memref<128xi32, #tpu.memory_space<vmem>>)
      tpu.yield
    }) : () -> ()
    %dma_start3A = arith.constant 0 : i32
    %dma_start3A_6 = arith.constant 0 : i32
    %dma_start3A_7 = arith.constant 0 : i32
    %dma_start3A_8 = arith.constant 0 : i32
    %dma_start3A_9 = arith.constant 0 : i32
    %dma_start3A_10 = tpu.memref_slice %arg9[%dma_start3A_6, %dma_start3A_8, %dma_start3A_9] : memref<2x128x128xf32, #tpu.memory_space<vmem>> -> memref<1x128x128xf32, #tpu.memory_space<vmem>>
    %dma_start3A_11 = tpu.memref_squeeze %dma_start3A_10 : memref<1x128x128xf32, #tpu.memory_space<vmem>> -> memref<128x128xf32, #tpu.memory_space<vmem>>
    %dma_start3A_12 = arith.constant 0 : i32
    %dma_start3A_13 = tpu.memref_slice %arg7[%dma_start3A, %dma_start3A_12] : memref<2x128xi32, #tpu.memory_space<vmem>> -> memref<1x128xi32, #tpu.memory_space<vmem>>
    %dma_start3A_14 = tpu.memref_squeeze %dma_start3A_13 : memref<1x128xi32, #tpu.memory_space<vmem>> -> memref<128xi32, #tpu.memory_space<vmem>>
    %dma_start3A_15 = arith.constant 0 : i32
    %dma_start3A_16 = arith.constant 0 : i32
    %dma_start3A_17 = tpu.memref_slice %arg2[%dma_start3A_15, %dma_start3A_16] : memref<10240x128xf32, #tpu.memory_space<hbm>> -> memref<10240x128xf32, #tpu.memory_space<hbm>>
    %dma_start3A_18 = tpu.memref_slice %arg11[%dma_start3A_7] : memref<2x!tpu.dma_semaphore, #tpu.memory_space<semaphore_mem>> -> memref<1x!tpu.dma_semaphore, #tpu.memory_space<semaphore_mem>>
    %dma_start3A_19 = tpu.memref_squeeze %dma_start3A_18 : memref<1x!tpu.dma_semaphore, #tpu.memory_space<semaphore_mem>> -> memref<!tpu.dma_semaphore, #tpu.memory_space<semaphore_mem>>
    tpu.enqueue_indirect_dma source(%dma_start3A_17 : memref<10240x128xf32, #tpu.memory_space<hbm>>) target(%dma_start3A_11 : memref<128x128xf32, #tpu.memory_space<vmem>>) offsets(%dma_start3A_14 : memref<128xi32, #tpu.memory_space<vmem>>) semaphore(%dma_start3A_19 : memref<!tpu.dma_semaphore, #tpu.memory_space<semaphore_mem>>)
    %run_scoped3A_20 = arith.constant 1 : i32
    %run_scoped3A_21 = arith.constant 1 : i32
    "tpu.region"() ({
      %run_scoped3A_48 = tpu.sem_alloc : memref<!tpu.dma_semaphore, #tpu.memory_space<semaphore_mem>>
      %dma_start3A_49 = arith.constant 0 : i32
      %dma_start3A_50 = tpu.memref_slice %arg7[%run_scoped3A_21, %dma_start3A_49] : memref<2x128xi32, #tpu.memory_space<vmem>> -> memref<1x128xi32, #tpu.memory_space<vmem>>
      %dma_start3A_51 = tpu.memref_squeeze %dma_start3A_50 : memref<1x128xi32, #tpu.memory_space<vmem>> -> memref<128xi32, #tpu.memory_space<vmem>>
      %dma_start3A_52 = arith.constant 0 : i32
      %dma_start3A_53 = tpu.memref_slice %arg3[%add3A, %run_scoped3A_20, %dma_start3A_52] : memref<32x80x128xi32, #tpu.memory_space<hbm>> -> memref<1x1x128xi32, #tpu.memory_space<hbm>>
      %dma_start3A_54 = tpu.memref_squeeze %dma_start3A_53 : memref<1x1x128xi32, #tpu.memory_space<hbm>> -> memref<128xi32, #tpu.memory_space<hbm>>
      %dma_start3A_55 = arith.constant 0 : i32
      %dma_start3A_56 = tpu.memref_slice %arg7[%run_scoped3A_21, %dma_start3A_55] : memref<2x128xi32, #tpu.memory_space<vmem>> -> memref<1x128xi32, #tpu.memory_space<vmem>>
      %dma_start3A_57 = tpu.memref_squeeze %dma_start3A_56 : memref<1x128xi32, #tpu.memory_space<vmem>> -> memref<128xi32, #tpu.memory_space<vmem>>
      %dma_start3A_58 = arith.constant 0 : i32
      %dma_start3A_59 = tpu.memref_slice %arg3[%add3A, %run_scoped3A_20, %dma_start3A_58] : memref<32x80x128xi32, #tpu.memory_space<hbm>> -> memref<1x1x128xi32, #tpu.memory_space<hbm>>
      %dma_start3A_60 = tpu.memref_squeeze %dma_start3A_59 : memref<1x1x128xi32, #tpu.memory_space<hbm>> -> memref<128xi32, #tpu.memory_space<hbm>>
      tpu.enqueue_dma source(%dma_start3A_60 : memref<128xi32, #tpu.memory_space<hbm>>) target(%dma_start3A_57 : memref<128xi32, #tpu.memory_space<vmem>>) target_semaphore(%run_scoped3A_48 : memref<!tpu.dma_semaphore, #tpu.memory_space<semaphore_mem>>)
      %dma_wait3A_61 = arith.constant 0 : i32
      %dma_wait3A_62 = tpu.memref_slice %arg7[%run_scoped3A_21, %dma_wait3A_61] : memref<2x128xi32, #tpu.memory_space<vmem>> -> memref<1x128xi32, #tpu.memory_space<vmem>>
      %dma_wait3A_63 = tpu.memref_squeeze %dma_wait3A_62 : memref<1x128xi32, #tpu.memory_space<vmem>> -> memref<128xi32, #tpu.memory_space<vmem>>
      %dma_wait3A_64 = arith.constant 0 : i32
      %dma_wait3A_65 = tpu.memref_slice %arg3[%add3A, %run_scoped3A_20, %dma_wait3A_64] : memref<32x80x128xi32, #tpu.memory_space<hbm>> -> memref<1x1x128xi32, #tpu.memory_space<hbm>>
      %dma_wait3A_66 = tpu.memref_squeeze %dma_wait3A_65 : memref<1x1x128xi32, #tpu.memory_space<hbm>> -> memref<128xi32, #tpu.memory_space<hbm>>
      %dma_wait3A_67 = arith.constant 0 : i32
      %dma_wait3A_68 = tpu.memref_slice %arg7[%run_scoped3A_21, %dma_wait3A_67] : memref<2x128xi32, #tpu.memory_space<vmem>> -> memref<1x128xi32, #tpu.memory_space<vmem>>
      %dma_wait3A_69 = tpu.memref_squeeze %dma_wait3A_68 : memref<1x128xi32, #tpu.memory_space<vmem>> -> memref<128xi32, #tpu.memory_space<vmem>>
      %dma_wait3A_70 = arith.constant 0 : i32
      %dma_wait3A_71 = tpu.memref_slice %arg3[%add3A, %run_scoped3A_20, %dma_wait3A_70] : memref<32x80x128xi32, #tpu.memory_space<hbm>> -> memref<1x1x128xi32, #tpu.memory_space<hbm>>
      %dma_wait3A_72 = tpu.memref_squeeze %dma_wait3A_71 : memref<1x1x128xi32, #tpu.memory_space<hbm>> -> memref<128xi32, #tpu.memory_space<hbm>>
      tpu.wait_dma2 semaphore(%run_scoped3A_48 : memref<!tpu.dma_semaphore, #tpu.memory_space<semaphore_mem>>) src(%dma_wait3A_72 : memref<128xi32, #tpu.memory_space<hbm>>) dst(%dma_wait3A_69 : memref<128xi32, #tpu.memory_space<vmem>>)
      tpu.yield
    }) : () -> ()
    %scan3A = arith.constant 0 : i32
    %scan3A_22 = arith.constant 78 : i32
    %scan3A_23 = arith.addi %scan3A, %scan3A_22 : i32
    %scan3A_24 = arith.constant 1 : i32
    scf.for %scan3A_48 = %scan3A to %scan3A_23 step %scan3A_24  : i32 {
      %mul3A_49 = arith.constant 1 : i32
      %mul3A_50 = arith.muli %scan3A_48, %mul3A_49 : i32
      %add3A_51 = arith.constant 0 : i32
      %add3A_52 = arith.addi %add3A_51, %mul3A_50 : i32
      %rem3A_53 = arith.constant 2 : i32
      %rem3A_54 = arith.remsi %add3A_52, %rem3A_53 : i32
      %add3A_55 = arith.constant 1 : i32
      %add3A_56 = arith.addi %add3A_52, %add3A_55 : i32
      %rem3A_57 = arith.constant 2 : i32
      %rem3A_58 = arith.remsi %add3A_56, %rem3A_57 : i32
      %dma_wait3A_59 = arith.constant 0 : i32
      %dma_wait3A_60 = arith.constant 0 : i32
      %dma_wait3A_61 = tpu.memref_slice %arg9[%rem3A_54, %dma_wait3A_59, %dma_wait3A_60] : memref<2x128x128xf32, #tpu.memory_space<vmem>> -> memref<1x128x128xf32, #tpu.memory_space<vmem>>
      %dma_wait3A_62 = tpu.memref_squeeze %dma_wait3A_61 : memref<1x128x128xf32, #tpu.memory_space<vmem>> -> memref<128x128xf32, #tpu.memory_space<vmem>>
      %dma_wait3A_63 = arith.constant 0 : i32
      %dma_wait3A_64 = tpu.memref_slice %arg7[%rem3A_54, %dma_wait3A_63] : memref<2x128xi32, #tpu.memory_space<vmem>> -> memref<1x128xi32, #tpu.memory_space<vmem>>
      %dma_wait3A_65 = tpu.memref_squeeze %dma_wait3A_64 : memref<1x128xi32, #tpu.memory_space<vmem>> -> memref<128xi32, #tpu.memory_space<vmem>>
      %dma_wait3A_66 = arith.constant 0 : i32
      %dma_wait3A_67 = arith.constant 0 : i32
      %dma_wait3A_68 = tpu.memref_slice %arg2[%dma_wait3A_66, %dma_wait3A_67] : memref<10240x128xf32, #tpu.memory_space<hbm>> -> memref<10240x128xf32, #tpu.memory_space<hbm>>
      %dma_wait3A_69 = tpu.memref_slice %arg11[%rem3A_54] : memref<2x!tpu.dma_semaphore, #tpu.memory_space<semaphore_mem>> -> memref<1x!tpu.dma_semaphore, #tpu.memory_space<semaphore_mem>>
      %dma_wait3A_70 = tpu.memref_squeeze %dma_wait3A_69 : memref<1x!tpu.dma_semaphore, #tpu.memory_space<semaphore_mem>> -> memref<!tpu.dma_semaphore, #tpu.memory_space<semaphore_mem>>
      tpu.wait_indirect_dma semaphore(%dma_wait3A_70 : memref<!tpu.dma_semaphore, #tpu.memory_space<semaphore_mem>>) src(%dma_wait3A_68 : memref<10240x128xf32, #tpu.memory_space<hbm>>) dst(%dma_wait3A_62 : memref<128x128xf32, #tpu.memory_space<vmem>>)
      %dma_start3A_71 = arith.constant 0 : i32
      %dma_start3A_72 = arith.constant 0 : i32
      %dma_start3A_73 = tpu.memref_slice %arg9[%rem3A_58, %dma_start3A_71, %dma_start3A_72] : memref<2x128x128xf32, #tpu.memory_space<vmem>> -> memref<1x128x128xf32, #tpu.memory_space<vmem>>
      %dma_start3A_74 = tpu.memref_squeeze %dma_start3A_73 : memref<1x128x128xf32, #tpu.memory_space<vmem>> -> memref<128x128xf32, #tpu.memory_space<vmem>>
      %dma_start3A_75 = arith.constant 0 : i32
      %dma_start3A_76 = tpu.memref_slice %arg7[%rem3A_58, %dma_start3A_75] : memref<2x128xi32, #tpu.memory_space<vmem>> -> memref<1x128xi32, #tpu.memory_space<vmem>>
      %dma_start3A_77 = tpu.memref_squeeze %dma_start3A_76 : memref<1x128xi32, #tpu.memory_space<vmem>> -> memref<128xi32, #tpu.memory_space<vmem>>
      %dma_start3A_78 = arith.constant 0 : i32
      %dma_start3A_79 = arith.constant 0 : i32
      %dma_start3A_80 = tpu.memref_slice %arg2[%dma_start3A_78, %dma_start3A_79] : memref<10240x128xf32, #tpu.memory_space<hbm>> -> memref<10240x128xf32, #tpu.memory_space<hbm>>
      %dma_start3A_81 = tpu.memref_slice %arg11[%rem3A_58] : memref<2x!tpu.dma_semaphore, #tpu.memory_space<semaphore_mem>> -> memref<1x!tpu.dma_semaphore, #tpu.memory_space<semaphore_mem>>
      %dma_start3A_82 = tpu.memref_squeeze %dma_start3A_81 : memref<1x!tpu.dma_semaphore, #tpu.memory_space<semaphore_mem>> -> memref<!tpu.dma_semaphore, #tpu.memory_space<semaphore_mem>>
      tpu.enqueue_indirect_dma source(%dma_start3A_80 : memref<10240x128xf32, #tpu.memory_space<hbm>>) target(%dma_start3A_74 : memref<128x128xf32, #tpu.memory_space<vmem>>) offsets(%dma_start3A_77 : memref<128xi32, #tpu.memory_space<vmem>>) semaphore(%dma_start3A_82 : memref<!tpu.dma_semaphore, #tpu.memory_space<semaphore_mem>>)
      "tpu.region"() ({
        %run_scoped3A_85 = tpu.sem_alloc : memref<!tpu.dma_semaphore, #tpu.memory_space<semaphore_mem>>
        %dma_start3A_86 = arith.constant 0 : i32
        %dma_start3A_87 = arith.constant 0 : i32
        %dma_start3A_88 = tpu.memref_slice %arg9[%rem3A_54, %dma_start3A_86, %dma_start3A_87] : memref<2x128x128xf32, #tpu.memory_space<vmem>> -> memref<1x128x128xf32, #tpu.memory_space<vmem>>
        %dma_start3A_89 = tpu.memref_squeeze %dma_start3A_88 : memref<1x128x128xf32, #tpu.memory_space<vmem>> -> memref<128x128xf32, #tpu.memory_space<vmem>>
        %dma_start3A_90 = arith.constant 0 : i32
        %dma_start3A_91 = tpu.memref_slice %arg8[%add3A_52, %dma_start3A_90] : memref<79x128xi32, #tpu.memory_space<vmem>> -> memref<1x128xi32, #tpu.memory_space<vmem>>
        %dma_start3A_92 = tpu.memref_squeeze %dma_start3A_91 : memref<1x128xi32, #tpu.memory_space<vmem>> -> memref<128xi32, #tpu.memory_space<vmem>>
        %dma_start3A_93 = arith.constant 0 : i32
        %dma_start3A_94 = arith.constant 0 : i32
        %dma_start3A_95 = tpu.memref_slice %arg10[%dma_start3A_93, %dma_start3A_94] : memref<10240x128xf32, #tpu.memory_space<vmem_shared>> -> memref<10240x128xf32, #tpu.memory_space<vmem_shared>>
        tpu.enqueue_indirect_dma source(%dma_start3A_89 : memref<128x128xf32, #tpu.memory_space<vmem>>) target(%dma_start3A_95 : memref<10240x128xf32, #tpu.memory_space<vmem_shared>>) offsets(%dma_start3A_92 : memref<128xi32, #tpu.memory_space<vmem>>) semaphore(%run_scoped3A_85 : memref<!tpu.dma_semaphore, #tpu.memory_space<semaphore_mem>>) {add = true}
        %dma_wait3A_96 = arith.constant 0 : i32
        %dma_wait3A_97 = arith.constant 0 : i32
        %dma_wait3A_98 = tpu.memref_slice %arg9[%rem3A_54, %dma_wait3A_96, %dma_wait3A_97] : memref<2x128x128xf32, #tpu.memory_space<vmem>> -> memref<1x128x128xf32, #tpu.memory_space<vmem>>
        %dma_wait3A_99 = tpu.memref_squeeze %dma_wait3A_98 : memref<1x128x128xf32, #tpu.memory_space<vmem>> -> memref<128x128xf32, #tpu.memory_space<vmem>>
        %dma_wait3A_100 = arith.constant 0 : i32
        %dma_wait3A_101 = tpu.memref_slice %arg8[%add3A_52, %dma_wait3A_100] : memref<79x128xi32, #tpu.memory_space<vmem>> -> memref<1x128xi32, #tpu.memory_space<vmem>>
        %dma_wait3A_102 = tpu.memref_squeeze %dma_wait3A_101 : memref<1x128xi32, #tpu.memory_space<vmem>> -> memref<128xi32, #tpu.memory_space<vmem>>
        %dma_wait3A_103 = arith.constant 0 : i32
        %dma_wait3A_104 = arith.constant 0 : i32
        %dma_wait3A_105 = tpu.memref_slice %arg10[%dma_wait3A_103, %dma_wait3A_104] : memref<10240x128xf32, #tpu.memory_space<vmem_shared>> -> memref<10240x128xf32, #tpu.memory_space<vmem_shared>>
        tpu.wait_indirect_dma semaphore(%run_scoped3A_85 : memref<!tpu.dma_semaphore, #tpu.memory_space<semaphore_mem>>) src(%dma_wait3A_99 : memref<128x128xf32, #tpu.memory_space<vmem>>) dst(%dma_wait3A_105 : memref<10240x128xf32, #tpu.memory_space<vmem_shared>>)
        tpu.yield
      }) : () -> ()
      %add3A_83 = arith.constant 2 : i32
      %add3A_84 = arith.addi %add3A_52, %add3A_83 : i32
      "tpu.region"() ({
        %run_scoped3A_85 = tpu.sem_alloc : memref<!tpu.dma_semaphore, #tpu.memory_space<semaphore_mem>>
        %dma_start3A_86 = arith.constant 0 : i32
        %dma_start3A_87 = tpu.memref_slice %arg7[%rem3A_54, %dma_start3A_86] : memref<2x128xi32, #tpu.memory_space<vmem>> -> memref<1x128xi32, #tpu.memory_space<vmem>>
        %dma_start3A_88 = tpu.memref_squeeze %dma_start3A_87 : memref<1x128xi32, #tpu.memory_space<vmem>> -> memref<128xi32, #tpu.memory_space<vmem>>
        %dma_start3A_89 = arith.constant 0 : i32
        %dma_start3A_90 = tpu.memref_slice %arg3[%add3A, %add3A_84, %dma_start3A_89] : memref<32x80x128xi32, #tpu.memory_space<hbm>> -> memref<1x1x128xi32, #tpu.memory_space<hbm>>
        %dma_start3A_91 = tpu.memref_squeeze %dma_start3A_90 : memref<1x1x128xi32, #tpu.memory_space<hbm>> -> memref<128xi32, #tpu.memory_space<hbm>>
        %dma_start3A_92 = arith.constant 0 : i32
        %dma_start3A_93 = tpu.memref_slice %arg7[%rem3A_54, %dma_start3A_92] : memref<2x128xi32, #tpu.memory_space<vmem>> -> memref<1x128xi32, #tpu.memory_space<vmem>>
        %dma_start3A_94 = tpu.memref_squeeze %dma_start3A_93 : memref<1x128xi32, #tpu.memory_space<vmem>> -> memref<128xi32, #tpu.memory_space<vmem>>
        %dma_start3A_95 = arith.constant 0 : i32
        %dma_start3A_96 = tpu.memref_slice %arg3[%add3A, %add3A_84, %dma_start3A_95] : memref<32x80x128xi32, #tpu.memory_space<hbm>> -> memref<1x1x128xi32, #tpu.memory_space<hbm>>
        %dma_start3A_97 = tpu.memref_squeeze %dma_start3A_96 : memref<1x1x128xi32, #tpu.memory_space<hbm>> -> memref<128xi32, #tpu.memory_space<hbm>>
        tpu.enqueue_dma source(%dma_start3A_97 : memref<128xi32, #tpu.memory_space<hbm>>) target(%dma_start3A_94 : memref<128xi32, #tpu.memory_space<vmem>>) target_semaphore(%run_scoped3A_85 : memref<!tpu.dma_semaphore, #tpu.memory_space<semaphore_mem>>)
        %dma_wait3A_98 = arith.constant 0 : i32
        %dma_wait3A_99 = tpu.memref_slice %arg7[%rem3A_54, %dma_wait3A_98] : memref<2x128xi32, #tpu.memory_space<vmem>> -> memref<1x128xi32, #tpu.memory_space<vmem>>
        %dma_wait3A_100 = tpu.memref_squeeze %dma_wait3A_99 : memref<1x128xi32, #tpu.memory_space<vmem>> -> memref<128xi32, #tpu.memory_space<vmem>>
        %dma_wait3A_101 = arith.constant 0 : i32
        %dma_wait3A_102 = tpu.memref_slice %arg3[%add3A, %add3A_84, %dma_wait3A_101] : memref<32x80x128xi32, #tpu.memory_space<hbm>> -> memref<1x1x128xi32, #tpu.memory_space<hbm>>
        %dma_wait3A_103 = tpu.memref_squeeze %dma_wait3A_102 : memref<1x1x128xi32, #tpu.memory_space<hbm>> -> memref<128xi32, #tpu.memory_space<hbm>>
        %dma_wait3A_104 = arith.constant 0 : i32
        %dma_wait3A_105 = tpu.memref_slice %arg7[%rem3A_54, %dma_wait3A_104] : memref<2x128xi32, #tpu.memory_space<vmem>> -> memref<1x128xi32, #tpu.memory_space<vmem>>
        %dma_wait3A_106 = tpu.memref_squeeze %dma_wait3A_105 : memref<1x128xi32, #tpu.memory_space<vmem>> -> memref<128xi32, #tpu.memory_space<vmem>>
        %dma_wait3A_107 = arith.constant 0 : i32
        %dma_wait3A_108 = tpu.memref_slice %arg3[%add3A, %add3A_84, %dma_wait3A_107] : memref<32x80x128xi32, #tpu.memory_space<hbm>> -> memref<1x1x128xi32, #tpu.memory_space<hbm>>
        %dma_wait3A_109 = tpu.memref_squeeze %dma_wait3A_108 : memref<1x1x128xi32, #tpu.memory_space<hbm>> -> memref<128xi32, #tpu.memory_space<hbm>>
        tpu.wait_dma2 semaphore(%run_scoped3A_85 : memref<!tpu.dma_semaphore, #tpu.memory_space<semaphore_mem>>) src(%dma_wait3A_109 : memref<128xi32, #tpu.memory_space<hbm>>) dst(%dma_wait3A_106 : memref<128xi32, #tpu.memory_space<vmem>>)
        tpu.yield
      }) : () -> ()
    }
    %scan3A_25 = arith.constant 78 : i32
    %rem3A = arith.constant 78 : i32
    %rem3A_26 = arith.constant 2 : i32
    %rem3A_27 = arith.remsi %rem3A, %rem3A_26 : i32
    %dma_wait3A = arith.constant 0 : i32
    %dma_wait3A_28 = arith.constant 0 : i32
    %dma_wait3A_29 = tpu.memref_slice %arg9[%rem3A_27, %dma_wait3A, %dma_wait3A_28] : memref<2x128x128xf32, #tpu.memory_space<vmem>> -> memref<1x128x128xf32, #tpu.memory_space<vmem>>
    %dma_wait3A_30 = tpu.memref_squeeze %dma_wait3A_29 : memref<1x128x128xf32, #tpu.memory_space<vmem>> -> memref<128x128xf32, #tpu.memory_space<vmem>>
    %dma_wait3A_31 = arith.constant 0 : i32
    %dma_wait3A_32 = tpu.memref_slice %arg7[%rem3A_27, %dma_wait3A_31] : memref<2x128xi32, #tpu.memory_space<vmem>> -> memref<1x128xi32, #tpu.memory_space<vmem>>
    %dma_wait3A_33 = tpu.memref_squeeze %dma_wait3A_32 : memref<1x128xi32, #tpu.memory_space<vmem>> -> memref<128xi32, #tpu.memory_space<vmem>>
    %dma_wait3A_34 = arith.constant 0 : i32
    %dma_wait3A_35 = arith.constant 0 : i32
    %dma_wait3A_36 = tpu.memref_slice %arg2[%dma_wait3A_34, %dma_wait3A_35] : memref<10240x128xf32, #tpu.memory_space<hbm>> -> memref<10240x128xf32, #tpu.memory_space<hbm>>
    %dma_wait3A_37 = tpu.memref_slice %arg11[%rem3A_27] : memref<2x!tpu.dma_semaphore, #tpu.memory_space<semaphore_mem>> -> memref<1x!tpu.dma_semaphore, #tpu.memory_space<semaphore_mem>>
    %dma_wait3A_38 = tpu.memref_squeeze %dma_wait3A_37 : memref<1x!tpu.dma_semaphore, #tpu.memory_space<semaphore_mem>> -> memref<!tpu.dma_semaphore, #tpu.memory_space<semaphore_mem>>
    tpu.wait_indirect_dma semaphore(%dma_wait3A_38 : memref<!tpu.dma_semaphore, #tpu.memory_space<semaphore_mem>>) src(%dma_wait3A_36 : memref<10240x128xf32, #tpu.memory_space<hbm>>) dst(%dma_wait3A_30 : memref<128x128xf32, #tpu.memory_space<vmem>>)
    %run_scoped3A_39 = arith.constant 78 : i32
    "tpu.region"() ({
      %run_scoped3A_48 = tpu.sem_alloc : memref<!tpu.dma_semaphore, #tpu.memory_space<semaphore_mem>>
      %dma_start3A_49 = arith.constant 0 : i32
      %dma_start3A_50 = arith.constant 0 : i32
      %dma_start3A_51 = tpu.memref_slice %arg9[%rem3A_27, %dma_start3A_49, %dma_start3A_50] : memref<2x128x128xf32, #tpu.memory_space<vmem>> -> memref<1x128x128xf32, #tpu.memory_space<vmem>>
      %dma_start3A_52 = tpu.memref_squeeze %dma_start3A_51 : memref<1x128x128xf32, #tpu.memory_space<vmem>> -> memref<128x128xf32, #tpu.memory_space<vmem>>
      %dma_start3A_53 = arith.constant 0 : i32
      %dma_start3A_54 = tpu.memref_slice %arg8[%run_scoped3A_39, %dma_start3A_53] : memref<79x128xi32, #tpu.memory_space<vmem>> -> memref<1x128xi32, #tpu.memory_space<vmem>>
      %dma_start3A_55 = tpu.memref_squeeze %dma_start3A_54 : memref<1x128xi32, #tpu.memory_space<vmem>> -> memref<128xi32, #tpu.memory_space<vmem>>
      %dma_start3A_56 = arith.constant 0 : i32
      %dma_start3A_57 = arith.constant 0 : i32
      %dma_start3A_58 = tpu.memref_slice %arg10[%dma_start3A_56, %dma_start3A_57] : memref<10240x128xf32, #tpu.memory_space<vmem_shared>> -> memref<10240x128xf32, #tpu.memory_space<vmem_shared>>
      tpu.enqueue_indirect_dma source(%dma_start3A_52 : memref<128x128xf32, #tpu.memory_space<vmem>>) target(%dma_start3A_58 : memref<10240x128xf32, #tpu.memory_space<vmem_shared>>) offsets(%dma_start3A_55 : memref<128xi32, #tpu.memory_space<vmem>>) semaphore(%run_scoped3A_48 : memref<!tpu.dma_semaphore, #tpu.memory_space<semaphore_mem>>) {add = true}
      %dma_wait3A_59 = arith.constant 0 : i32
      %dma_wait3A_60 = arith.constant 0 : i32
      %dma_wait3A_61 = tpu.memref_slice %arg9[%rem3A_27, %dma_wait3A_59, %dma_wait3A_60] : memref<2x128x128xf32, #tpu.memory_space<vmem>> -> memref<1x128x128xf32, #tpu.memory_space<vmem>>
      %dma_wait3A_62 = tpu.memref_squeeze %dma_wait3A_61 : memref<1x128x128xf32, #tpu.memory_space<vmem>> -> memref<128x128xf32, #tpu.memory_space<vmem>>
      %dma_wait3A_63 = arith.constant 0 : i32
      %dma_wait3A_64 = tpu.memref_slice %arg8[%run_scoped3A_39, %dma_wait3A_63] : memref<79x128xi32, #tpu.memory_space<vmem>> -> memref<1x128xi32, #tpu.memory_space<vmem>>
      %dma_wait3A_65 = tpu.memref_squeeze %dma_wait3A_64 : memref<1x128xi32, #tpu.memory_space<vmem>> -> memref<128xi32, #tpu.memory_space<vmem>>
      %dma_wait3A_66 = arith.constant 0 : i32
      %dma_wait3A_67 = arith.constant 0 : i32
      %dma_wait3A_68 = tpu.memref_slice %arg10[%dma_wait3A_66, %dma_wait3A_67] : memref<10240x128xf32, #tpu.memory_space<vmem_shared>> -> memref<10240x128xf32, #tpu.memory_space<vmem_shared>>
      tpu.wait_indirect_dma semaphore(%run_scoped3A_48 : memref<!tpu.dma_semaphore, #tpu.memory_space<semaphore_mem>>) src(%dma_wait3A_62 : memref<128x128xf32, #tpu.memory_space<vmem>>) dst(%dma_wait3A_68 : memref<10240x128xf32, #tpu.memory_space<vmem_shared>>)
      tpu.yield
    }) : () -> ()
    %barrier3A_40 = arith.constant 0 : index
    tpu.barrier barrier_id(%barrier3A_40)
    %mul3A_41 = arith.constant 640 : i32
    %mul3A_42 = arith.muli %arg1, %mul3A_41 : i32
    %mul3A_43 = arith.constant 10240 : i32
    %mul3A_44 = arith.muli %arg0, %mul3A_43 : i32
    %mul3A_45 = arith.constant 640 : i32
    %mul3A_46 = arith.muli %arg1, %mul3A_45 : i32
    %add3A_47 = arith.addi %mul3A_44, %mul3A_46 : i32
    "tpu.region"() ({
      %run_scoped3A_48 = tpu.sem_alloc : memref<!tpu.dma_semaphore, #tpu.memory_space<semaphore_mem>>
      %dma_start3A_49 = arith.constant 0 : i32
      %dma_start3A_50 = tpu.memref_slice %arg6[%add3A_47, %dma_start3A_49] : memref<20480x128xf32, #tpu.memory_space<hbm>> -> memref<640x128xf32, #tpu.memory_space<hbm>>
      %dma_start3A_51 = arith.constant 0 : i32
      %dma_start3A_52 = tpu.memref_slice %arg10[%mul3A_42, %dma_start3A_51] : memref<10240x128xf32, #tpu.memory_space<vmem_shared>> -> memref<640x128xf32, #tpu.memory_space<vmem_shared>>
      tpu.enqueue_dma source(%dma_start3A_52 : memref<640x128xf32, #tpu.memory_space<vmem_shared>>) target(%dma_start3A_50 : memref<640x128xf32, #tpu.memory_space<hbm>>) target_semaphore(%run_scoped3A_48 : memref<!tpu.dma_semaphore, #tpu.memory_space<semaphore_mem>>)
      %dma_wait3A_53 = arith.constant 0 : i32
      %dma_wait3A_54 = tpu.memref_slice %arg6[%add3A_47, %dma_wait3A_53] : memref<20480x128xf32, #tpu.memory_space<hbm>> -> memref<640x128xf32, #tpu.memory_space<hbm>>
      %dma_wait3A_55 = arith.constant 0 : i32
      %dma_wait3A_56 = tpu.memref_slice %arg10[%mul3A_42, %dma_wait3A_55] : memref<10240x128xf32, #tpu.memory_space<vmem_shared>> -> memref<640x128xf32, #tpu.memory_space<vmem_shared>>
      tpu.wait_dma2 semaphore(%run_scoped3A_48 : memref<!tpu.dma_semaphore, #tpu.memory_space<semaphore_mem>>) src(%dma_wait3A_56 : memref<640x128xf32, #tpu.memory_space<vmem_shared>>) dst(%dma_wait3A_54 : memref<640x128xf32, #tpu.memory_space<hbm>>)
      tpu.yield
    }) : () -> ()
    return
  }
}

module attributes {stable_mosaic.version = 14 : i64} {
  func.func @body(%arg0: i32, %arg1: memref<1024x128xf32, #tpu.memory_space<vmem>>, %arg2: memref<128x128xf32, #tpu.memory_space<vmem>>, %arg3: memref<1x128xf32, #tpu.memory_space<vmem>>, %arg4: memref<1024x128xf32, #tpu.memory_space<vmem>>) attributes {dimension_semantics = [#tpu.dimension_semantics<arbitrary>], iteration_bounds = array<i64: 10>, scalar_prefetch = 0 : i64, scratch_operands = 0 : i64, tpu.core_type = #tpu.core_type<tc>, window_params = [{transform_indices = @transform_0, window_bounds = array<i64: 1024, 128>}, {pipeline_mode = #tpu.pipeline_mode<synchronous>, transform_indices = @transform_1, window_bounds = array<i64: 128, 128>}, {pipeline_mode = #tpu.pipeline_mode<synchronous>, transform_indices = @transform_2, window_bounds = array<i64: 1, 128>}, {transform_indices = @transform_3, window_bounds = array<i64: 1024, 128>}]} {
    %get3A = arith.constant 0 : index
    %get3A_0 = arith.constant 0 : index
    %get3A_1 = vector.load %arg1[%get3A, %get3A_0] : memref<1024x128xf32, #tpu.memory_space<vmem>>, vector<1024x128xf32>
    %get3A_2 = arith.constant 0 : index
    %get3A_3 = arith.constant 0 : index
    %get3A_4 = vector.load %arg2[%get3A_2, %get3A_3] : memref<128x128xf32, #tpu.memory_space<vmem>>, vector<128x128xf32>
    %dot_general3A = arith.constant dense<0.000000e+00> : vector<1024x128xf32>
    %dot_general3A_5 = tpu.matmul %get3A_1, %get3A_4, %dot_general3A {dimension_numbers = #tpu.dot_dimension_numbers<[1], [0], [0], [1], [0, 0, 1, 1], [], []>, transpose_lhs_hint = false} : vector<1024x128xf32>, vector<128x128xf32>, vector<1024x128xf32> -> vector<1024x128xf32>
    %get3A_6 = arith.constant 0 : index
    %get3A_7 = arith.constant 0 : index
    %get3A_8 = vector.load %arg3[%get3A_6, %get3A_7] : memref<1x128xf32, #tpu.memory_space<vmem>>, vector<1x128xf32>
    %add3A = vector.broadcast %get3A_8 : vector<1x128xf32> to vector<1024x128xf32>
    %add3A_9 = arith.addf %dot_general3A_5, %add3A : vector<1024x128xf32>
    %swap3A = arith.constant 0 : index
    %swap3A_10 = arith.constant 0 : index
    %swap3A_11 = vector.load %arg4[%swap3A, %swap3A_10] : memref<1024x128xf32, #tpu.memory_space<vmem>>, vector<1024x128xf32>
    tpu.vector_store %arg4[%swap3A, %swap3A_10], %add3A_9 {strides = array<i32>} : memref<1024x128xf32, #tpu.memory_space<vmem>>, vector<1024x128xf32>,
    return
  }
  func.func @transform_0(%arg0: i32) -> (i32, i32) {
    %c0_i32 = arith.constant 0 : i32
    %c0_i32_0 = arith.constant 0 : i32
    return %arg0, %c0_i32 : i32, i32
  }
  func.func @transform_1(%arg0: i32) -> (i32, i32) {
    %c0_i32 = arith.constant 0 : i32
    %c0_i32_0 = arith.constant 0 : i32
    %c0_i32_1 = arith.constant 0 : i32
    return %c0_i32, %c0_i32_0 : i32, i32
  }
  func.func @transform_2(%arg0: i32) -> (i32, i32) {
    %c0_i32 = arith.constant 0 : i32
    %c0_i32_0 = arith.constant 0 : i32
    %c0_i32_1 = arith.constant 0 : i32
    return %c0_i32, %c0_i32_0 : i32, i32
  }
  func.func @transform_3(%arg0: i32) -> (i32, i32) {
    %c0_i32 = arith.constant 0 : i32
    %c0_i32_0 = arith.constant 0 : i32
    return %arg0, %c0_i32 : i32, i32
  }
}

module attributes {stable_mosaic.version = 14 : i64} {
  func.func @body(%arg0: i32, %arg1: memref<1024x128xf32, #tpu.memory_space<vmem>>, %arg2: memref<1024x8xf32, #tpu.memory_space<vmem>>, %arg3: memref<1024x8xf32, #tpu.memory_space<vmem>>, %arg4: memref<1024x128xf32, #tpu.memory_space<vmem>>, %arg5: memref<1024x8xf32, #tpu.memory_space<vmem>>) attributes {dimension_semantics = [#tpu.dimension_semantics<arbitrary>], iteration_bounds = array<i64: 10>, scalar_prefetch = 0 : i64, scratch_operands = 0 : i64, tpu.core_type = #tpu.core_type<tc>, window_params = [{transform_indices = @transform_0, window_bounds = array<i64: 1024, 128>}, {transform_indices = @transform_1, window_bounds = array<i64: 1024, 8>}, {transform_indices = @transform_2, window_bounds = array<i64: 1024, 8>}, {transform_indices = @transform_3, window_bounds = array<i64: 1024, 128>}, {transform_indices = @transform_4, window_bounds = array<i64: 1024, 8>}]} {
    %get3A = arith.constant 0 : index
    %get3A_0 = arith.constant 0 : index
    %get3A_1 = vector.load %arg2[%get3A, %get3A_0] : memref<1024x8xf32, #tpu.memory_space<vmem>>, vector<1024x1xf32>
    %get3A_2 = arith.constant 0 : index
    %get3A_3 = arith.constant 0 : index
    %get3A_4 = vector.load %arg3[%get3A_2, %get3A_3] : memref<1024x8xf32, #tpu.memory_space<vmem>>, vector<1024x1xf32>
    %add3A = arith.addf %get3A_1, %get3A_4 : vector<1024x1xf32>
    %add3A_5 = arith.constant 1.000000e+00 : f32
    %add3A_6 = vector.broadcast %add3A_5 : f32 to vector<1024x1xf32>
    %add3A_7 = arith.addf %add3A, %add3A_6 : vector<1024x1xf32>
    %max3A = arith.constant 1.000000e+00 : f32
    %max3A_8 = vector.broadcast %max3A : f32 to vector<1024x1xf32>
    %max3A_9 = arith.maximumf %add3A_7, %max3A_8 : vector<1024x1xf32>
    %rsqrt3A = math.rsqrt %max3A_9 : vector<1024x1xf32>
    %get3A_10 = arith.constant 0 : index
    %get3A_11 = arith.constant 0 : index
    %get3A_12 = vector.load %arg1[%get3A_10, %get3A_11] : memref<1024x128xf32, #tpu.memory_space<vmem>>, vector<1024x128xf32>
    %mul3A = vector.broadcast %rsqrt3A : vector<1024x1xf32> to vector<1024x128xf32>
    %mul3A_13 = arith.mulf %get3A_12, %mul3A : vector<1024x128xf32>
    %swap3A = arith.constant 0 : index
    %swap3A_14 = arith.constant 0 : index
    %swap3A_15 = vector.load %arg4[%swap3A, %swap3A_14] : memref<1024x128xf32, #tpu.memory_space<vmem>>, vector<1024x128xf32>
    tpu.vector_store %arg4[%swap3A, %swap3A_14], %mul3A_13 {strides = array<i32>} : memref<1024x128xf32, #tpu.memory_space<vmem>>, vector<1024x128xf32>,
    %broadcast_in_dim3A = vector.shape_cast %rsqrt3A : vector<1024x1xf32> to vector<1024x1xf32>
    %broadcast_in_dim3A_16 = vector.broadcast %broadcast_in_dim3A : vector<1024x1xf32> to vector<1024x8xf32>
    %swap3A_17 = arith.constant 0 : index
    %swap3A_18 = arith.constant 0 : index
    %swap3A_19 = vector.load %arg5[%swap3A_17, %swap3A_18] : memref<1024x8xf32, #tpu.memory_space<vmem>>, vector<1024x8xf32>
    tpu.vector_store %arg5[%swap3A_17, %swap3A_18], %broadcast_in_dim3A_16 {strides = array<i32>} : memref<1024x8xf32, #tpu.memory_space<vmem>>, vector<1024x8xf32>,
    return
  }
  func.func @transform_0(%arg0: i32) -> (i32, i32) {
    %c0_i32 = arith.constant 0 : i32
    %c0_i32_0 = arith.constant 0 : i32
    return %arg0, %c0_i32 : i32, i32
  }
  func.func @transform_1(%arg0: i32) -> (i32, i32) {
    %c0_i32 = arith.constant 0 : i32
    %c0_i32_0 = arith.constant 0 : i32
    return %arg0, %c0_i32 : i32, i32
  }
  func.func @transform_2(%arg0: i32) -> (i32, i32) {
    %c0_i32 = arith.constant 0 : i32
    %c0_i32_0 = arith.constant 0 : i32
    return %arg0, %c0_i32 : i32, i32
  }
  func.func @transform_3(%arg0: i32) -> (i32, i32) {
    %c0_i32 = arith.constant 0 : i32
    %c0_i32_0 = arith.constant 0 : i32
    return %arg0, %c0_i32 : i32, i32
  }
  func.func @transform_4(%arg0: i32) -> (i32, i32) {
    %c0_i32 = arith.constant 0 : i32
    %c0_i32_0 = arith.constant 0 : i32
    return %arg0, %c0_i32 : i32, i32
  }
}

module attributes {stable_mosaic.version = 14 : i64} {
  func.func @body(%arg0: i32, %arg1: memref<1024x128xf32, #tpu.memory_space<vmem>>, %arg2: memref<1024x128xf32, #tpu.memory_space<vmem>>, %arg3: memref<1024x128xf32, #tpu.memory_space<vmem>>, %arg4: memref<1024x8xf32, #tpu.memory_space<vmem>>, %arg5: memref<1x128xf32, #tpu.memory_space<vmem>>, %arg6: memref<128x128xf32, #tpu.memory_space<vmem>>, %arg7: memref<1024x128xf32, #tpu.memory_space<vmem>>) attributes {dimension_semantics = [#tpu.dimension_semantics<arbitrary>], iteration_bounds = array<i64: 10>, scalar_prefetch = 0 : i64, scratch_operands = 0 : i64, tpu.core_type = #tpu.core_type<tc>, window_params = [{transform_indices = @transform_0, window_bounds = array<i64: 1024, 128>}, {transform_indices = @transform_1, window_bounds = array<i64: 1024, 128>}, {transform_indices = @transform_2, window_bounds = array<i64: 1024, 128>}, {transform_indices = @transform_3, window_bounds = array<i64: 1024, 8>}, {pipeline_mode = #tpu.pipeline_mode<synchronous>, transform_indices = @transform_4, window_bounds = array<i64: 1, 128>}, {pipeline_mode = #tpu.pipeline_mode<synchronous>, transform_indices = @transform_5, window_bounds = array<i64: 128, 128>}, {transform_indices = @transform_6, window_bounds = array<i64: 1024, 128>}]} {
    %get3A = arith.constant 0 : index
    %get3A_0 = arith.constant 0 : index
    %get3A_1 = vector.load %arg4[%get3A, %get3A_0] : memref<1024x8xf32, #tpu.memory_space<vmem>>, vector<1024x1xf32>
    %get3A_2 = arith.constant 0 : index
    %get3A_3 = arith.constant 0 : index
    %get3A_4 = vector.load %arg2[%get3A_2, %get3A_3] : memref<1024x128xf32, #tpu.memory_space<vmem>>, vector<1024x128xf32>
    %get3A_5 = arith.constant 0 : index
    %get3A_6 = arith.constant 0 : index
    %get3A_7 = vector.load %arg3[%get3A_5, %get3A_6] : memref<1024x128xf32, #tpu.memory_space<vmem>>, vector<1024x128xf32>
    %add3A = arith.addf %get3A_4, %get3A_7 : vector<1024x128xf32>
    %get3A_8 = arith.constant 0 : index
    %get3A_9 = arith.constant 0 : index
    %get3A_10 = vector.load %arg1[%get3A_8, %get3A_9] : memref<1024x128xf32, #tpu.memory_space<vmem>>, vector<1024x128xf32>
    %add3A_11 = arith.addf %add3A, %get3A_10 : vector<1024x128xf32>
    %mul3A = vector.broadcast %get3A_1 : vector<1024x1xf32> to vector<1024x128xf32>
    %mul3A_12 = arith.mulf %add3A_11, %mul3A : vector<1024x128xf32>
    %get3A_13 = arith.constant 0 : index
    %get3A_14 = arith.constant 0 : index
    %get3A_15 = vector.load %arg5[%get3A_13, %get3A_14] : memref<1x128xf32, #tpu.memory_space<vmem>>, vector<1x128xf32>
    %add3A_16 = vector.broadcast %get3A_15 : vector<1x128xf32> to vector<1024x128xf32>
    %add3A_17 = arith.addf %mul3A_12, %add3A_16 : vector<1024x128xf32>
    %max3A = arith.constant 0.000000e+00 : f32
    %max3A_18 = vector.broadcast %max3A : f32 to vector<1024x128xf32>
    %max3A_19 = arith.maximumf %add3A_17, %max3A_18 : vector<1024x128xf32>
    %get3A_20 = arith.constant 0 : index
    %get3A_21 = arith.constant 0 : index
    %get3A_22 = vector.load %arg6[%get3A_20, %get3A_21] : memref<128x128xf32, #tpu.memory_space<vmem>>, vector<128x128xf32>
    %dot_general3A = arith.constant dense<0.000000e+00> : vector<1024x128xf32>
    %dot_general3A_23 = tpu.matmul %max3A_19, %get3A_22, %dot_general3A {dimension_numbers = #tpu.dot_dimension_numbers<[1], [0], [0], [1], [0, 0, 1, 1], [], []>, transpose_lhs_hint = false} : vector<1024x128xf32>, vector<128x128xf32>, vector<1024x128xf32> -> vector<1024x128xf32>
    %mul3A_24 = vector.broadcast %get3A_1 : vector<1024x1xf32> to vector<1024x128xf32>
    %mul3A_25 = arith.mulf %dot_general3A_23, %mul3A_24 : vector<1024x128xf32>
    %swap3A = arith.constant 0 : index
    %swap3A_26 = arith.constant 0 : index
    %swap3A_27 = vector.load %arg7[%swap3A, %swap3A_26] : memref<1024x128xf32, #tpu.memory_space<vmem>>, vector<1024x128xf32>
    tpu.vector_store %arg7[%swap3A, %swap3A_26], %mul3A_25 {strides = array<i32>} : memref<1024x128xf32, #tpu.memory_space<vmem>>, vector<1024x128xf32>,
    return
  }
  func.func @transform_0(%arg0: i32) -> (i32, i32) {
    %c0_i32 = arith.constant 0 : i32
    %c0_i32_0 = arith.constant 0 : i32
    return %arg0, %c0_i32 : i32, i32
  }
  func.func @transform_1(%arg0: i32) -> (i32, i32) {
    %c0_i32 = arith.constant 0 : i32
    %c0_i32_0 = arith.constant 0 : i32
    return %arg0, %c0_i32 : i32, i32
  }
  func.func @transform_2(%arg0: i32) -> (i32, i32) {
    %c0_i32 = arith.constant 0 : i32
    %c0_i32_0 = arith.constant 0 : i32
    return %arg0, %c0_i32 : i32, i32
  }
  func.func @transform_3(%arg0: i32) -> (i32, i32) {
    %c0_i32 = arith.constant 0 : i32
    %c0_i32_0 = arith.constant 0 : i32
    return %arg0, %c0_i32 : i32, i32
  }
  func.func @transform_4(%arg0: i32) -> (i32, i32) {
    %c0_i32 = arith.constant 0 : i32
    %c0_i32_0 = arith.constant 0 : i32
    %c0_i32_1 = arith.constant 0 : i32
    return %c0_i32, %c0_i32_0 : i32, i32
  }
  func.func @transform_5(%arg0: i32) -> (i32, i32) {
    %c0_i32 = arith.constant 0 : i32
    %c0_i32_0 = arith.constant 0 : i32
    %c0_i32_1 = arith.constant 0 : i32
    return %c0_i32, %c0_i32_0 : i32, i32
  }
  func.func @transform_6(%arg0: i32) -> (i32, i32) {
    %c0_i32 = arith.constant 0 : i32
    %c0_i32_0 = arith.constant 0 : i32
    return %arg0, %c0_i32 : i32, i32
  }
}

module attributes {stable_mosaic.version = 14 : i64} {
  func.func @body(%arg0: i32, %arg1: memref<1024x128xf32, #tpu.memory_space<vmem>>, %arg2: memref<128x384xf32, #tpu.memory_space<vmem>>, %arg3: memref<1x384xf32, #tpu.memory_space<vmem>>, %arg4: memref<1024x384xf32, #tpu.memory_space<vmem>>) attributes {dimension_semantics = [#tpu.dimension_semantics<arbitrary>], iteration_bounds = array<i64: 10>, scalar_prefetch = 0 : i64, scratch_operands = 0 : i64, tpu.core_type = #tpu.core_type<tc>, window_params = [{transform_indices = @transform_0, window_bounds = array<i64: 1024, 128>}, {pipeline_mode = #tpu.pipeline_mode<synchronous>, transform_indices = @transform_1, window_bounds = array<i64: 128, 384>}, {pipeline_mode = #tpu.pipeline_mode<synchronous>, transform_indices = @transform_2, window_bounds = array<i64: 1, 384>}, {transform_indices = @transform_3, window_bounds = array<i64: 1024, 384>}]} {
    %get3A = arith.constant 0 : index
    %get3A_0 = arith.constant 0 : index
    %get3A_1 = vector.load %arg1[%get3A, %get3A_0] : memref<1024x128xf32, #tpu.memory_space<vmem>>, vector<1024x128xf32>
    %get3A_2 = arith.constant 0 : index
    %get3A_3 = arith.constant 0 : index
    %get3A_4 = vector.load %arg2[%get3A_2, %get3A_3] : memref<128x384xf32, #tpu.memory_space<vmem>>, vector<128x384xf32>
    %dot_general3A = arith.constant dense<0.000000e+00> : vector<1024x384xf32>
    %dot_general3A_5 = tpu.matmul %get3A_1, %get3A_4, %dot_general3A {dimension_numbers = #tpu.dot_dimension_numbers<[1], [0], [0], [1], [0, 0, 1, 1], [], []>, transpose_lhs_hint = false} : vector<1024x128xf32>, vector<128x384xf32>, vector<1024x384xf32> -> vector<1024x384xf32>
    %get3A_6 = arith.constant 0 : index
    %get3A_7 = arith.constant 0 : index
    %get3A_8 = vector.load %arg3[%get3A_6, %get3A_7] : memref<1x384xf32, #tpu.memory_space<vmem>>, vector<1x384xf32>
    %add3A = vector.broadcast %get3A_8 : vector<1x384xf32> to vector<1024x384xf32>
    %add3A_9 = arith.addf %dot_general3A_5, %add3A : vector<1024x384xf32>
    %swap3A = arith.constant 0 : index
    %swap3A_10 = arith.constant 0 : index
    %swap3A_11 = vector.load %arg4[%swap3A, %swap3A_10] : memref<1024x384xf32, #tpu.memory_space<vmem>>, vector<1024x384xf32>
    tpu.vector_store %arg4[%swap3A, %swap3A_10], %add3A_9 {strides = array<i32>} : memref<1024x384xf32, #tpu.memory_space<vmem>>, vector<1024x384xf32>,
    return
  }
  func.func @transform_0(%arg0: i32) -> (i32, i32) {
    %c0_i32 = arith.constant 0 : i32
    %c0_i32_0 = arith.constant 0 : i32
    return %arg0, %c0_i32 : i32, i32
  }
  func.func @transform_1(%arg0: i32) -> (i32, i32) {
    %c0_i32 = arith.constant 0 : i32
    %c0_i32_0 = arith.constant 0 : i32
    %c0_i32_1 = arith.constant 0 : i32
    return %c0_i32, %c0_i32_0 : i32, i32
  }
  func.func @transform_2(%arg0: i32) -> (i32, i32) {
    %c0_i32 = arith.constant 0 : i32
    %c0_i32_0 = arith.constant 0 : i32
    %c0_i32_1 = arith.constant 0 : i32
    return %c0_i32, %c0_i32_0 : i32, i32
  }
  func.func @transform_3(%arg0: i32) -> (i32, i32) {
    %c0_i32 = arith.constant 0 : i32
    %c0_i32_0 = arith.constant 0 : i32
    return %arg0, %c0_i32 : i32, i32
  }
}

module attributes {stable_mosaic.version = 14 : i64} {
  func.func @body(%arg0: i32, %arg1: memref<1024x128xf32, #tpu.memory_space<vmem>>, %arg2: memref<1024x128xf32, #tpu.memory_space<vmem>>, %arg3: memref<1024x128xf32, #tpu.memory_space<vmem>>, %arg4: memref<1024x8xf32, #tpu.memory_space<vmem>>, %arg5: memref<1x128xf32, #tpu.memory_space<vmem>>, %arg6: memref<1024x128xf32, #tpu.memory_space<vmem>>, %arg7: memref<128x384xf32, #tpu.memory_space<vmem>>, %arg8: memref<1024x384xf32, #tpu.memory_space<vmem>>, %arg9: memref<1x384xf32, #tpu.memory_space<vmem>>, %arg10: memref<128x8xf32, #tpu.memory_space<vmem>>, %arg11: memref<1x8xf32, #tpu.memory_space<vmem>>, %arg12: memref<1024x128xf32, #tpu.memory_space<vmem>>, %arg13: memref<1024x8xf32, #tpu.memory_space<vmem>>) attributes {dimension_semantics = [#tpu.dimension_semantics<arbitrary>], iteration_bounds = array<i64: 10>, scalar_prefetch = 0 : i64, scratch_operands = 0 : i64, tpu.core_type = #tpu.core_type<tc>, window_params = [{transform_indices = @transform_0, window_bounds = array<i64: 1024, 128>}, {transform_indices = @transform_1, window_bounds = array<i64: 1024, 128>}, {transform_indices = @transform_2, window_bounds = array<i64: 1024, 128>}, {transform_indices = @transform_3, window_bounds = array<i64: 1024, 8>}, {pipeline_mode = #tpu.pipeline_mode<synchronous>, transform_indices = @transform_4, window_bounds = array<i64: 1, 128>}, {transform_indices = @transform_5, window_bounds = array<i64: 1024, 128>}, {pipeline_mode = #tpu.pipeline_mode<synchronous>, transform_indices = @transform_6, window_bounds = array<i64: 128, 384>}, {transform_indices = @transform_7, window_bounds = array<i64: 1024, 384>}, {pipeline_mode = #tpu.pipeline_mode<synchronous>, transform_indices = @transform_8, window_bounds = array<i64: 1, 384>}, {pipeline_mode = #tpu.pipeline_mode<synchronous>, transform_indices = @transform_9, window_bounds = array<i64: 128, 8>}, {pipeline_mode = #tpu.pipeline_mode<synchronous>, transform_indices = @transform_10, window_bounds = array<i64: 1, 8>}, {transform_indices = @transform_11, window_bounds = array<i64: 1024, 128>}, {transform_indices = @transform_12, window_bounds = array<i64: 1024, 8>}]} {
    %get3A = arith.constant 0 : index
    %get3A_0 = arith.constant 0 : index
    %get3A_1 = vector.load %arg4[%get3A, %get3A_0] : memref<1024x8xf32, #tpu.memory_space<vmem>>, vector<1024x1xf32>
    %get3A_2 = arith.constant 0 : index
    %get3A_3 = arith.constant 0 : index
    %get3A_4 = vector.load %arg2[%get3A_2, %get3A_3] : memref<1024x128xf32, #tpu.memory_space<vmem>>, vector<1024x128xf32>
    %get3A_5 = arith.constant 0 : index
    %get3A_6 = arith.constant 0 : index
    %get3A_7 = vector.load %arg3[%get3A_5, %get3A_6] : memref<1024x128xf32, #tpu.memory_space<vmem>>, vector<1024x128xf32>
    %add3A = arith.addf %get3A_4, %get3A_7 : vector<1024x128xf32>
    %get3A_8 = arith.constant 0 : index
    %get3A_9 = arith.constant 0 : index
    %get3A_10 = vector.load %arg1[%get3A_8, %get3A_9] : memref<1024x128xf32, #tpu.memory_space<vmem>>, vector<1024x128xf32>
    %add3A_11 = arith.addf %add3A, %get3A_10 : vector<1024x128xf32>
    %mul3A = vector.broadcast %get3A_1 : vector<1024x1xf32> to vector<1024x128xf32>
    %mul3A_12 = arith.mulf %add3A_11, %mul3A : vector<1024x128xf32>
    %get3A_13 = arith.constant 0 : index
    %get3A_14 = arith.constant 0 : index
    %get3A_15 = vector.load %arg5[%get3A_13, %get3A_14] : memref<1x128xf32, #tpu.memory_space<vmem>>, vector<1x128xf32>
    %add3A_16 = vector.broadcast %get3A_15 : vector<1x128xf32> to vector<1024x128xf32>
    %add3A_17 = arith.addf %mul3A_12, %add3A_16 : vector<1024x128xf32>
    %get3A_18 = arith.constant 0 : index
    %get3A_19 = arith.constant 0 : index
    %get3A_20 = vector.load %arg6[%get3A_18, %get3A_19] : memref<1024x128xf32, #tpu.memory_space<vmem>>, vector<1024x128xf32>
    %get3A_21 = arith.constant 0 : index
    %get3A_22 = arith.constant 0 : index
    %get3A_23 = vector.load %arg7[%get3A_21, %get3A_22] : memref<128x384xf32, #tpu.memory_space<vmem>>, vector<128x384xf32>
    %dot_general3A = arith.constant dense<0.000000e+00> : vector<1024x384xf32>
    %dot_general3A_24 = tpu.matmul %add3A_17, %get3A_23, %dot_general3A {dimension_numbers = #tpu.dot_dimension_numbers<[1], [0], [0], [1], [0, 0, 1, 1], [], []>, transpose_lhs_hint = false} : vector<1024x128xf32>, vector<128x384xf32>, vector<1024x384xf32> -> vector<1024x384xf32>
    %get3A_25 = arith.constant 0 : index
    %get3A_26 = arith.constant 0 : index
    %get3A_27 = vector.load %arg9[%get3A_25, %get3A_26] : memref<1x384xf32, #tpu.memory_space<vmem>>, vector<1x384xf32>
    %add3A_28 = vector.broadcast %get3A_27 : vector<1x384xf32> to vector<1024x384xf32>
    %add3A_29 = arith.addf %dot_general3A_24, %add3A_28 : vector<1024x384xf32>
    %get3A_30 = arith.constant 0 : index
    %get3A_31 = arith.constant 0 : index
    %get3A_32 = vector.load %arg8[%get3A_30, %get3A_31] : memref<1024x384xf32, #tpu.memory_space<vmem>>, vector<1024x384xf32>
    %slice3A = vector.extract_strided_slice %add3A_29 {offsets = [0, 0], sizes = [1024, 128], strides = [1, 1]} : vector<1024x384xf32> to vector<1024x128xf32>
    %slice3A_33 = vector.extract_strided_slice %get3A_32 {offsets = [0, 0], sizes = [1024, 128], strides = [1, 1]} : vector<1024x384xf32> to vector<1024x128xf32>
    %add3A_34 = arith.addf %slice3A, %slice3A_33 : vector<1024x128xf32>
    %logistic3A = arith.negf %add3A_34 : vector<1024x128xf32>
    %logistic3A_35 = math.exp %logistic3A : vector<1024x128xf32>
    %logistic3A_36 = arith.constant 1.000000e+00 : f32
    %logistic3A_37 = vector.broadcast %logistic3A_36 : f32 to vector<1024x128xf32>
    %logistic3A_38 = arith.addf %logistic3A_37, %logistic3A_35 : vector<1024x128xf32>
    %logistic3A_39 = arith.divf %logistic3A_37, %logistic3A_38 : vector<1024x128xf32>
    %slice3A_40 = vector.extract_strided_slice %add3A_29 {offsets = [0, 128], sizes = [1024, 128], strides = [1, 1]} : vector<1024x384xf32> to vector<1024x128xf32>
    %slice3A_41 = vector.extract_strided_slice %get3A_32 {offsets = [0, 128], sizes = [1024, 128], strides = [1, 1]} : vector<1024x384xf32> to vector<1024x128xf32>
    %add3A_42 = arith.addf %slice3A_40, %slice3A_41 : vector<1024x128xf32>
    %logistic3A_43 = arith.negf %add3A_42 : vector<1024x128xf32>
    %logistic3A_44 = math.exp %logistic3A_43 : vector<1024x128xf32>
    %logistic3A_45 = arith.constant 1.000000e+00 : f32
    %logistic3A_46 = vector.broadcast %logistic3A_45 : f32 to vector<1024x128xf32>
    %logistic3A_47 = arith.addf %logistic3A_46, %logistic3A_44 : vector<1024x128xf32>
    %logistic3A_48 = arith.divf %logistic3A_46, %logistic3A_47 : vector<1024x128xf32>
    %slice3A_49 = vector.extract_strided_slice %add3A_29 {offsets = [0, 256], sizes = [1024, 128], strides = [1, 1]} : vector<1024x384xf32> to vector<1024x128xf32>
    %slice3A_50 = vector.extract_strided_slice %get3A_32 {offsets = [0, 256], sizes = [1024, 128], strides = [1, 1]} : vector<1024x384xf32> to vector<1024x128xf32>
    %mul3A_51 = arith.mulf %logistic3A_39, %slice3A_50 : vector<1024x128xf32>
    %add3A_52 = arith.addf %slice3A_49, %mul3A_51 : vector<1024x128xf32>
    %tanh3A = math.tanh %add3A_52 : vector<1024x128xf32>
    %sub3A = arith.constant 1.000000e+00 : f32
    %sub3A_53 = vector.broadcast %sub3A : f32 to vector<1024x128xf32>
    %sub3A_54 = arith.subf %sub3A_53, %logistic3A_48 : vector<1024x128xf32>
    %mul3A_55 = arith.mulf %sub3A_54, %tanh3A : vector<1024x128xf32>
    %mul3A_56 = arith.mulf %logistic3A_48, %get3A_20 : vector<1024x128xf32>
    %add3A_57 = arith.addf %mul3A_55, %mul3A_56 : vector<1024x128xf32>
    %swap3A = arith.constant 0 : index
    %swap3A_58 = arith.constant 0 : index
    %swap3A_59 = vector.load %arg12[%swap3A, %swap3A_58] : memref<1024x128xf32, #tpu.memory_space<vmem>>, vector<1024x128xf32>
    tpu.vector_store %arg12[%swap3A, %swap3A_58], %add3A_57 {strides = array<i32>} : memref<1024x128xf32, #tpu.memory_space<vmem>>, vector<1024x128xf32>,
    %get3A_60 = arith.constant 0 : index
    %get3A_61 = arith.constant 0 : index
    %get3A_62 = vector.load %arg10[%get3A_60, %get3A_61] : memref<128x8xf32, #tpu.memory_space<vmem>>, vector<128x8xf32>
    %dot_general3A_63 = arith.constant dense<0.000000e+00> : vector<1024x8xf32>
    %dot_general3A_64 = tpu.matmul %add3A_57, %get3A_62, %dot_general3A_63 {dimension_numbers = #tpu.dot_dimension_numbers<[1], [0], [0], [1], [0, 0, 1, 1], [], []>, transpose_lhs_hint = false} : vector<1024x128xf32>, vector<128x8xf32>, vector<1024x8xf32> -> vector<1024x8xf32>
    %get3A_65 = arith.constant 0 : index
    %get3A_66 = arith.constant 0 : index
    %get3A_67 = vector.load %arg11[%get3A_65, %get3A_66] : memref<1x8xf32, #tpu.memory_space<vmem>>, vector<1x8xf32>
    %add3A_68 = vector.broadcast %get3A_67 : vector<1x8xf32> to vector<1024x8xf32>
    %add3A_69 = arith.addf %dot_general3A_64, %add3A_68 : vector<1024x8xf32>
    %swap3A_70 = arith.constant 0 : index
    %swap3A_71 = arith.constant 0 : index
    %swap3A_72 = vector.load %arg13[%swap3A_70, %swap3A_71] : memref<1024x8xf32, #tpu.memory_space<vmem>>, vector<1024x8xf32>
    tpu.vector_store %arg13[%swap3A_70, %swap3A_71], %add3A_69 {strides = array<i32>} : memref<1024x8xf32, #tpu.memory_space<vmem>>, vector<1024x8xf32>,
    return
  }
  func.func @transform_0(%arg0: i32) -> (i32, i32) {
    %c0_i32 = arith.constant 0 : i32
    %c0_i32_0 = arith.constant 0 : i32
    return %arg0, %c0_i32 : i32, i32
  }
  func.func @transform_1(%arg0: i32) -> (i32, i32) {
    %c0_i32 = arith.constant 0 : i32
    %c0_i32_0 = arith.constant 0 : i32
    return %arg0, %c0_i32 : i32, i32
  }
  func.func @transform_2(%arg0: i32) -> (i32, i32) {
    %c0_i32 = arith.constant 0 : i32
    %c0_i32_0 = arith.constant 0 : i32
    return %arg0, %c0_i32 : i32, i32
  }
  func.func @transform_3(%arg0: i32) -> (i32, i32) {
    %c0_i32 = arith.constant 0 : i32
    %c0_i32_0 = arith.constant 0 : i32
    return %arg0, %c0_i32 : i32, i32
  }
  func.func @transform_4(%arg0: i32) -> (i32, i32) {
    %c0_i32 = arith.constant 0 : i32
    %c0_i32_0 = arith.constant 0 : i32
    %c0_i32_1 = arith.constant 0 : i32
    return %c0_i32, %c0_i32_0 : i32, i32
  }
  func.func @transform_5(%arg0: i32) -> (i32, i32) {
    %c0_i32 = arith.constant 0 : i32
    %c0_i32_0 = arith.constant 0 : i32
    return %arg0, %c0_i32 : i32, i32
  }
  func.func @transform_6(%arg0: i32) -> (i32, i32) {
    %c0_i32 = arith.constant 0 : i32
    %c0_i32_0 = arith.constant 0 : i32
    %c0_i32_1 = arith.constant 0 : i32
    return %c0_i32, %c0_i32_0 : i32, i32
  }
  func.func @transform_7(%arg0: i32) -> (i32, i32) {
    %c0_i32 = arith.constant 0 : i32
    %c0_i32_0 = arith.constant 0 : i32
    return %arg0, %c0_i32 : i32, i32
  }
  func.func @transform_8(%arg0: i32) -> (i32, i32) {
    %c0_i32 = arith.constant 0 : i32
    %c0_i32_0 = arith.constant 0 : i32
    %c0_i32_1 = arith.constant 0 : i32
    return %c0_i32, %c0_i32_0 : i32, i32
  }
  func.func @transform_9(%arg0: i32) -> (i32, i32) {
    %c0_i32 = arith.constant 0 : i32
    %c0_i32_0 = arith.constant 0 : i32
    %c0_i32_1 = arith.constant 0 : i32
    return %c0_i32, %c0_i32_0 : i32, i32
  }
  func.func @transform_10(%arg0: i32) -> (i32, i32) {
    %c0_i32 = arith.constant 0 : i32
    %c0_i32_0 = arith.constant 0 : i32
    %c0_i32_1 = arith.constant 0 : i32
    return %c0_i32, %c0_i32_0 : i32, i32
  }
  func.func @transform_11(%arg0: i32) -> (i32, i32) {
    %c0_i32 = arith.constant 0 : i32
    %c0_i32_0 = arith.constant 0 : i32
    return %arg0, %c0_i32 : i32, i32
  }
  func.func @transform_12(%arg0: i32) -> (i32, i32) {
    %c0_i32 = arith.constant 0 : i32
    %c0_i32_0 = arith.constant 0 : i32
    return %arg0, %c0_i32 : i32, i32
  }
}

</mosaic_0001>

<sc_bundles>
// kernel: _run.10.cloned.1.call-start
scs
__scs_entry_jumppad:
0x0: {  	(pc) =	sbr.rel $0x88, $3  }
0x1: {  	(tag) =	ssettag $0x0;
	lr =	simm.s32 $0x1  }
0x2: {  	[smem:$0x3F91] =	sst lr;
	_ =	strace $0xD0000000  }
0x3: {  	_ = 	snop  }
0x4: {  	_ = 	snop  }
0x5: {  	_ = 	snop  }
0x6: {  	_ = 	snop  }
0x7: {  	_ = 	snop  }
__scs_overlays_trampoline_lowered:
0x8: {  	[smem:$0x3FA0] =	sst s0  }
0x9: {  	[smem:$0x3FA1] =	sst s1  }
0xa: {  	[smem:$0x3FA2] =	sst s2  }
0xb: {  	[smem:$0x3FA3] =	sst s3  }
0xc: {  	[smem:$0x3FA4] =	sst s4  }
0xd: {  	[smem:$0x3FA5] =	sst s5  }
0xe: {  	[smem:$0x3FA6] =	sst s6  }
0xf: {  	[smem:$0x3FA7] =	sst s7  }
0x10: {  	[smem:$0x3FA8] =	sst s8  }
0x11: {  	[smem:$0x3FA9] =	sst s9;
	s0 =	simm.s32 @!p0 $0x0  }
0x12: {  	s1 =	sld [smem:$0x3F8F];
	s0 =	simm.s32 @p0 $0x1  }
0x13: {  	[smem:$0x3FAA] =	sst s0;
	s0 =	simm.s32 @!p1 $0x0  }
0x14: {  	s2 =	sld [smem:$0x3F8E];
	s0 =	simm.s32 @p1 $0x1  }
0x15: {  	[smem:$0x3FAB] =	sst s0;
	s0 =	simm.s32 @!p2 $0x0  }
0x16: {  	s3 =	sld [smem:$0x3FDB];
	s0 =	simm.s32 @p2 $0x1  }
0x17: {  	s4 =	simm.s32 $0x1BF5;
	[smem:$0x3FAD] =	sst s0  }
0x18: {  	s0 =	sld [smem:$0x3F90];
	_ =	swait.ge [sflag:s4], $0x0  }
0x19: {  	s7 =	sld [smem:$0x3F91]  }
0x1a: {  	s8 =	sadd.s32 $0xFFFFE003, lr  }
0x1b: {  	s9 =	sadd.s32 $0xFFFFFEF7, lr;
	s5 =	simm.s32 $0xFFFFFFFF;
	p2 =	slt.u32 s8, $0xFFFFF086  }
0x1c: {  	p1 =	slt.u32 s9, $0xF7A;
	s5 =	simm.s32 @!p2 $0x0  }
0x1d: {  	s5 =	simm.s32 @p1 $0x1;
	p0 =	seq.s32 s7, s2  }
0x1e: {  	s7 =	smul.u32 @!p0 $0xF7A, s2;
	p2 =	seq.s32 @!p0 s5, $0x0  }
0x1f: {  	s9 =	smul.u32 $0xF7A, s1;
	s8 =	simm.s32 @!p0 $0x1BF5;
	p2 =	por !p2, p0  }
0x20: {  	[sflag:s8] =	ssyncset.s32 @!p0 $0xFFFFF086;
	s6 =	sadd.s32 @!p0 s3, s7;
	s7 =	simm.s32 @!p0 $0x108  }
0x21: {  	s3 =	sadd.s32 s3, s9;
	s6 =	sadd.s32 @!p0 $0x88, s6;
	s7 =	simm.s32 @p2 $0x1082  }
0x22: {  	[simem:s7], [sflag:s8] =	dma.local @!p0 [hbm:s6], $0xF7A  }
0x23: {  	s9 =	sor.u32 $0xD0000000, s2;
	s6 =	simm.s32 $0x108;
	_ =	swait.ge @!p0 [sflag:s8], $0x0  }
0x24: {  	s3 =	sadd.s32 $0x88, s3;
	s6 =	simm.s32 @!p1 $0x1082;
	[sflag:s4] =	ssyncset.s32 $0xFFFFF086  }
0x25: {  	[simem:s6], [sflag:s4] =	dma.local [hbm:s3], $0xF7A  }
0x26: {  	[smem:$0x3F91] =	sst s1;
	(tag) =	ssettag s2;
	_ =	strace s9  }
0x27: {  	s1 =	sld [smem:$0x3FA1]  }
0x28: {  	s2 =	sld [smem:$0x3FA2]  }
0x29: {  	s4 =	sld [smem:$0x3FA4]  }
0x2a: {  	p0 =	seq.s32 s5, $0x0;
	s5 =	sld [smem:$0x3FA5]  }
0x2b: {  	s6 =	sld [smem:$0x3FA6]  }
0x2c: {  	s7 =	sld [smem:$0x3FA7]  }
0x2d: {  	s3 =	simm.s32 $0x108;
	s8 =	sld [smem:$0x3FA8]  }
0x2e: {  	s3 =	simm.s32 @!p0 $0x1082;
	s9 =	sld [smem:$0x3FA9]  }
0x2f: {  	lr =	sadd.s32 s0, s3;
	s0 =	sld [smem:$0x3FA0]  }
0x30: {  	s3 =	sld [smem:$0x3FA3]  }
0x31: {  	[smem:$0x3FAC] =	sst s10  }
0x32: {  	s10 =	sld [smem:$0x3FAA];
	_ =	sdelay $0x3  }
0x33: {  	p0 =	seq.s32 s10, $0x1;
	s10 =	sld [smem:$0x3FAC];
	_ =	sdelay $0x3  }
0x34: {  	[smem:$0x3FAC] =	sst s10  }
0x35: {  	s10 =	sld [smem:$0x3FAB];
	_ =	sdelay $0x3  }
0x36: {  	p1 =	seq.s32 s10, $0x1;
	s10 =	sld [smem:$0x3FAC];
	_ =	sdelay $0x3  }
0x37: {  	[smem:$0x3FAC] =	sst s10  }
0x38: {  	s10 =	sld [smem:$0x3FAD]  }
0x39: {  	_ = 	snop;
	(pc) =	sbr.ind lr, $3  }
0x3a: {  	_ = 	snop  }
0x3b: {  	_ = 	snop  }
0x3c: {  	p2 =	seq.s32 s10, $0x1;
	s10 =	sld [smem:$0x3FAC]  }
0x3d: {  	_ =	shalt  }
0x3e: {  	_ =	shalt  }
0x3f: {  	_ =	shalt  }
0x40: {  	_ =	shalt  }
0x41: {  	_ =	shalt  }
0x42: {  	_ =	shalt  }
0x43: {  	_ =	shalt  }
0x44: {  	_ =	shalt  }
0x45: {  	_ =	shalt  }
0x46: {  	_ =	shalt  }
0x47: {  	_ =	shalt  }
0x48: {  	_ =	shalt  }
0x49: {  	_ =	shalt  }
0x4a: {  	_ =	shalt  }
0x4b: {  	_ =	shalt  }
0x4c: {  	_ =	shalt  }
0x4d: {  	_ =	shalt  }
0x4e: {  	_ =	shalt  }
0x4f: {  	_ =	shalt  }
0x50: {  	_ =	shalt  }
0x51: {  	_ =	shalt  }
0x52: {  	_ =	shalt  }
0x53: {  	_ =	shalt  }
0x54: {  	_ =	shalt  }
0x55: {  	_ =	shalt  }
0x56: {  	_ =	shalt  }
0x57: {  	_ =	shalt  }
0x58: {  	_ =	shalt  }
0x59: {  	_ =	shalt  }
0x5a: {  	_ =	shalt  }
0x5b: {  	_ =	shalt  }
0x5c: {  	_ =	shalt  }
0x5d: {  	_ =	shalt  }
0x5e: {  	_ =	shalt  }
0x5f: {  	_ =	shalt  }
0x60: {  	_ =	shalt  }
0x61: {  	_ =	shalt  }
0x62: {  	_ =	shalt  }
0x63: {  	_ =	shalt  }
0x64: {  	_ =	shalt  }
0x65: {  	_ =	shalt  }
0x66: {  	_ =	shalt  }
0x67: {  	_ =	shalt  }
0x68: {  	_ =	shalt  }
0x69: {  	_ =	shalt  }
0x6a: {  	_ =	shalt  }
0x6b: {  	_ =	shalt  }
0x6c: {  	_ =	shalt  }
0x6d: {  	_ =	shalt  }
0x6e: {  	_ =	shalt  }
0x6f: {  	_ =	shalt  }
0x70: {  	_ =	shalt  }
0x71: {  	_ =	shalt  }
0x72: {  	_ =	shalt  }
0x73: {  	_ =	shalt  }
0x74: {  	_ =	shalt  }
0x75: {  	_ =	shalt  }
0x76: {  	_ =	shalt  }
0x77: {  	_ =	shalt  }
0x78: {  	_ =	shalt  }
0x79: {  	_ =	shalt  }
0x7a: {  	_ =	shalt  }
0x7b: {  	_ =	shalt  }
0x7c: {  	_ =	shalt  }
0x7d: {  	_ =	shalt  }
0x7e: {  	_ =	shalt  }
0x7f: {  	_ =	shalt  }
0x80: {  	_ =	shalt  }
0x81: {  	_ =	shalt  }
0x82: {  	_ =	shalt  }
0x83: {  	_ =	shalt  }
0x84: {  	_ =	shalt  }
0x85: {  	_ =	shalt  }
0x86: {  	_ =	shalt  }
0x87: {  	_ =	shalt  }
.Lfunc_end0:
.L_simem_size_0:
called_computation_lowered:
.L_overlay_start_0:
0x88: {  	s2 =	sld [smem:$0x3FD9]  }
0x89: {  	s3 =	sld [smem:$0x3FFE];
	_ =	sdelay $0x1  }
0x8a: {  	s1 =	srdreg.scid  }
0x8b: {  	s0 =	sand.u32 $0x1, s1  }
0x8c: {  	s14 =	sshll.u32 s0, $0xA;
	s2 =	sadd.s32 s3, s2  }
0x8d: {  	s2 =	sadd.s32 s2, s14  }
0x8e: {  	[smem:$0x3FB8] =	sst s2  }
0x8f: {  	_ = 	snop  }
0x90: {  	s2 =	sld [smem:$0x3FD0];
	_ =	sdelay $0x2  }
0x91: {  	s15 =	simm.s32 $0xA;
	s4 =	simm.s32 $0x10  }
0x92: {  	[smem:s4], [sflag:s15] =	dma.local [hbm:s2], $0x1  }
0x93: {  	_ =	swait.eq [sflag:s15], $0x1  }
0x94: {  	[sflag:s15] =	ssyncset.done $0x0  }
0x95: {  	[sflag:s15] =	ssyncadd.s32 $0xFFFFFFFF  }
0x96: {  	s16 =	sld [smem:$0x10];
	(tm) =	ssettm $0x1  }
0x97: {  	s17 =	sld [smem:$0x3FFB];
	_ =	sdelay $0x3  }
0x98: {  	_ =	strace s17  }
0x99: {  	s3 =	sld [smem:$0x3FFC];
	_ =	sdelay $0x3  }
0x9a: {  	_ =	strace s3  }
0x9b: {  	s3 =	sld [smem:$0x3FFD];
	_ =	sdelay $0x3  }
0x9c: {  	_ =	strace s3  }
0x9d: {  	_ =	strace $0x8FFFFFFF  }
0x9e: {  	s18 =	sld [smem:$0x3FDB];
	_ =	sdelay $0x1  }
0x9f: {  	s19 =	simm.s32 $_scs_section_size  }
0xa0: {  	s5 =	simm.s32 $_size__tile_overlayer_lowered;
	s6 =	simm.s32 $_tile_overlayer_lowered  }
0xa1: {  	s22 =	simm.s32 $0x1BFF;
	s21 =	sshll.u32 s6, $0x1;
	s3 =	sadd.s32 s19, s18  }
0xa2: {  	s7 =	simm.s32 $0x0;
	s20 =	sshll.u32 s5, $0x1;
	s5 =	sadd.s32 s21, s3  }
0xa3: {  	[timem:s7], [sflag:s22] =	dma.local [hbm:s5], s20  }
0xa4: {  	_ =	swait.ge [sflag:s22], s20  }
0xa5: {  	s4 =	ssub.s32 $0x0, s20;
	[sflag:s22] =	ssyncset.done $0x0  }
0xa6: {  	[sflag:s22] =	ssyncadd.s32 s4;
	_ =	sdelay $0x1  }
0xa7: {  	s23 =	simm.s32 $0x1B8B  }
0xa8: {  	_ =	swait.ge [sflag:s23], $0x1  }
0xa9: {  	[sflag:s23] =	ssyncset.done $0x0  }
0xaa: {  	s25 =	simm.s32 $0x1B8E;
	s24 =	sld [smem:$0x3FFE];
	[sflag:s23] =	ssyncadd.s32 $0xFFFFFFFF  }
0xab: {  	s26 =	simm.s32 $execute0_lowered;
	[smem:$0x3FD2] =	sst s25  }
0xac: {  	s5 =	sshll.u32 s26, $0x1;
	_ =	strace $0x80000046;
	[dreg:$0x1] =	wrdreg $0xFFFFFFFF  }
0xad: {  	s28 =	simm.s32 $_size_execute0_lowered;
	s3 =	sadd.s32 s3, s5;
	[dreg:$0x0] =	wrdreg $0x0  }
0xae: {  	s5 =	sshll.u32 s28, $0x1;
	[dreg:$0x2] =	wrdreg s3  }
0xaf: {  	[dreg:$0x3] =	wrdreg s5  }
0xb0: {  	[dreg:$0x4] =	wrdreg $0xC0  }
0xb1: {  	_ =	task [dreg:s7], $0x5FFFF  }
0xb2: {  	[dreg:$0x1] =	wrdreg $0xFFFFFFFF  }
0xb3: {  	[dreg:$0x0] =	wrdreg $0x60  }
0xb4: {  	[dreg:$0x2] =	wrdreg s24  }
0xb5: {  	[dreg:$0x3] =	wrdreg s16  }
0xb6: {  	[dreg:$0x4] =	wrdreg $0x54800  }
0xb7: {  	[dreg:$0x5] =	wrdreg $0x9  }
0xb8: {  	_ =	task.clear_ibuf [dreg:s7], $0x6FFFF;
	_ =	strace $0x90000046  }
0xb9: {  	s29 =	simm.s32 $0x9;
	_ =	strace $0x80000048  }
0xba: {  	_ =	swait.ge [sflag:s29], $0x1  }
0xbb: {  	[sflag:s29] =	ssyncadd.s32 $0xFFFFFFFF  }
0xbc: {  	_ =	strace $0x90000048  }
0xbd: {  	_ =	sfence  }
0xbe: {  	s30 =	sld [smem:$0x0];
	_ =	sdelay $0x2  }
0xbf: {  	s31 =	sshll.u32 s1, $0xD;
	s1 =	sshrl.u32 s1, $0x2  }
0xc0: {  	s3 =	sand.u32 $0x4000, s31;
	s1 =	sadd.s32 s1, s30  }
0xc1: {  	s0 =	sor.u32 s3, s0;
	s1 =	sshll.u32 s1, $0x11  }
0xc2: {  	s0 =	sor.u32 s1, s0  }
0xc3: {  	s0 =	sadd.s32 $0x8F2B, s0  }
0xc4: {  	[sflag:s0] =	ssyncadd.remote.s32 $0x1  }
0xc5: {  	_ =	sfence.sel $0xFFFF  }
0xc6: {  	[dreg:$0x0] =	wrdreg $0xFFFFFFFF;
	(pc) =	sbr.abs _section_cstart, $3  }
0xc7: {  	[dreg:$0x1] =	wrdreg $0xFFFFFFFF  }
0xc8: {  	_ =	task.clear_ibuf [dreg:s7], $0x2FFFF;
	_ =	strace $0x9FFFFFFF  }
0xc9: {  	(tm) =	ssettm $0x7FFFFFFF  }
tec
execute0_lowered:
.L_overlay_start_1:
0x0: {  	(tag) =	ssettag $0x1  }
0x1: {  	s0 =	rddreg [dreg:$0x0]  }
0x2: {  	s21 =	rddreg [dreg:$0x1]  }
0x3: {  	s5 =	rddreg [dreg:$0x2]  }
0x4: {  	s2 =	simm.s32 $0x0;
	s3 =	srdreg.scid;
	s1 =	stileid.u32  }
0x5: {  	s28 =	simm.s32 $0x5200;
	s29 =	simm.s32 $0x4F80;
	s30 =	simm.s32 $0x0  }
0x6: {  	[smem:$0x7FF] =	sst s2;
	s14 =	sand.u32 $0x1, s3;
	s24 =	smul.u32 $0x5000, s1  }
0x7: {  	s20 =	sshrl.u32 s1, $0x2;
	s4 =	sshll.u32 s1, $0x8;
	s31 =	smul.u32 $0x280, s1  }
0x8: {  	s23 =	sshrl.u32 s1, $0x3;
	s25 =	sshll.u32 s1, $0x7;
	s3 =	smul.u32 $0x13C00, s20  }
0x9: {  	s6 =	sshll.u32 s14, $0x7;
	s4 =	sand.u32 $0x300, s4;
	_ =	strace $0x80000047  }
0xa: {  	s22 =	ssub.s32 $0x2, s14;
	s19 =	smul.u32 $0x2800, s14;
	s4 =	sor.u32 s6, s4  }
0xb: {  	s7 =	sshrl.u32 s22, $0x1;
	s6 =	smul.u32 $0x50000, s23;
	s26 =	sshrl.u32 s24, $0x2  }
0xc: {  	s23 =	simm.s32 $0x80;
	s24 =	simm.s32 $0x400;
	s3 =	sor.u32 s3, s4  }
0xd: {  	s22 =	ssub.s32 s22, s7;
	s3 =	sshrl.u32 s3, $0x3;
	s6 =	sshrl.u32 s6, $0x2  }
0xe: {  	s22 =	smax.u32 s22, $0x1;
	s0 =	sadd.s32 s3, s0;
	s6 =	sadd.s32 s6, s5  }
0xf: {  	s5 =	sadd.s32 s26, s5;
	s26 =	simm.s32 $0x2780;
	s3 =	sadd.s32 $0x4A00, s0  }
0x10: {  	s0 =	sand.u32 $0x380, s25;
	s7 =	sadd.s32 $0x100, s5;
	s8 =	sadd.s32 $0x180, s5  }
0x11: {  	s9 =	sadd.s32 $0x200, s5;
	s10 =	sadd.s32 $0x280, s5;
	s11 =	sadd.s32 $0x300, s5  }
0x12: {  	s12 =	sadd.s32 $0x380, s5;
	s13 =	sadd.s32 $0x14000, s5;
	s14 =	sadd.s32 $0x14080, s5  }
0x13: {  	s15 =	sadd.s32 $0x14100, s5;
	s16 =	sadd.s32 $0x14180, s5;
	s17 =	sadd.s32 $0x14200, s5  }
0x14: {  	s18 =	sadd.s32 $0x14280, s5;
	s4 =	sadd.s32 s0, s6;
	s0 =	sadd.s32 s31, s19  }
0x15: {  	s20 =	sadd.s32 $0x14380, s5;
	s25 =	simm.s32 $0x1;
	s0 =	sshrl.u32 s0, $0x3  }
0x16: {  	v0 =	vimm.f32 $0.0e+00;
	v1 =	vimm.f32 $1.000000000e+00;
	s6 =	sadd.s32 $0x80, s5;
	s19 =	sadd.s32 $0x14300, s5;
	s21 =	sadd.s32 s21, s0  }
.LBB2_1:
0x17: {  	s0 =	simm.s32 $0x40;
	s31 =	simm.s32 $0x0  }
.LBB2_2:
0x18: {  	p0 =	sne.s32 s0, $0x9FC0;
	[tilespmem:s31+$0x2780] =	vst v0;
	s31 =	smov.u32 s0;
	s0 =	sadd.s32 $0x40, s0  }
.Ltmp0:
0x19: {  	(pc) =	sbr.rel @p0 .LBB2_2-.Ltmp0, $2  }
0x1a: {  	_ =	sdelay $0x2  }
0x1b: {  	s31 =	sshra.s32 s31, $0x2  }
0x1c: {  	[tilespmem:s31+$0x2780] =	vst v0;
	s0 =	simm.s32 $0x0  }
0x1d: {  	[tilespmem:s0], [sflag:$0x1] =	stream.strided.gather [hbm4b:s3+s23], $0x2780, s24, s23, $0x38;
	[tilespmem:$0x7C80] =	vst v63  }
0x1e: {  	_ =	swait.ge [sflag:s25], $0x2780  }
0x1f: {  	[sflag:s25] =	ssyncset.done $0x0  }
0x20: {  	s31 =	simm.s32 $0x0;
	s0 =	simm.s32 $0x40;
	[sflag:s25] =	ssyncadd.s32 $0xFFFFD880  }
.LBB2_4:
0x21: {  	p0 =	sne.s32 s0, $0x9DC0;
	v2 =	vld [tilespmem:s31+$0x0];
	_ =	sdelay $0x3  }
.Ltmp1:
0x22: {  	(pc) =	sbr.rel @p0 .LBB2_4-.Ltmp1, $2  }
0x23: {  	_ =	sdelay $0x2  }
0x24: {  	s31 =	sshra.s32 s0, $0x2;
	s0 =	sadd.s32 $0x40, s0;
	[tilespmem:v2+s26+$0x0] =	vst.idx.add.f32.msk $0xffff, v1  }
0x25: {  	v2 =	vld [tilespmem:s31+$0x0];
	_ =	sdelay $0x7  }
0x26: {  	[tilespmem:v2+s26+$0x0] =	vst.idx.add.f32.msk $0xffff, v1  }
0x27: {  	[spmem:s4] =	stream.strided.scatter [tilespmem:s26], [sflag:$0x1], $0x2800, s24, s23, $0x38;
	[tilespmem:$0x7C80] =	vst v63  }
0x28: {  	_ =	swait.ge [sflag:s25], $0x2800  }
0x29: {  	[sflag:s25] =	ssyncset.done $0x0  }
0x2a: {  	[sflag:s25] =	ssyncadd.s32 $0xFFFFD800  }
0x2b: {  	[bflag:$0x0] =	sbarrier.arrive $0xFFFF  }
0x2c: {  	[tilespmem:$0x4F80] =	vst v0  }
0x2d: {  	[tilespmem:$0x4F90] =	vst v0  }
0x2e: {  	[tilespmem:$0x4FA0] =	vst v0  }
0x2f: {  	[tilespmem:$0x4FB0] =	vst v0  }
0x30: {  	[tilespmem:$0x4FC0] =	vst v0  }
0x31: {  	[tilespmem:$0x4FD0] =	vst v0  }
0x32: {  	[tilespmem:$0x4FE0] =	vst v0  }
0x33: {  	[tilespmem:$0x4FF0] =	vst v0  }
0x34: {  	[tilespmem:$0x5000] =	vst v0  }
0x35: {  	[tilespmem:$0x5010] =	vst v0  }
0x36: {  	[tilespmem:$0x5020] =	vst v0  }
0x37: {  	[tilespmem:$0x5030] =	vst v0  }
0x38: {  	[tilespmem:$0x5040] =	vst v0  }
0x39: {  	[tilespmem:$0x5050] =	vst v0  }
0x3a: {  	[tilespmem:$0x5060] =	vst v0  }
0x3b: {  	[tilespmem:$0x5070] =	vst v0  }
0x3c: {  	[tilespmem:$0x5080] =	vst v0  }
0x3d: {  	[tilespmem:$0x5090] =	vst v0  }
0x3e: {  	[tilespmem:$0x50A0] =	vst v0  }
0x3f: {  	[tilespmem:$0x50B0] =	vst v0  }
0x40: {  	[tilespmem:$0x50C0] =	vst v0  }
0x41: {  	[tilespmem:$0x50D0] =	vst v0  }
0x42: {  	[tilespmem:$0x50E0] =	vst v0  }
0x43: {  	[tilespmem:$0x50F0] =	vst v0  }
0x44: {  	[tilespmem:$0x5100] =	vst v0  }
0x45: {  	[tilespmem:$0x5110] =	vst v0  }
0x46: {  	[tilespmem:$0x5120] =	vst v0  }
0x47: {  	[tilespmem:$0x5130] =	vst v0  }
0x48: {  	[tilespmem:$0x5140] =	vst v0  }
0x49: {  	[tilespmem:$0x5150] =	vst v0  }
0x4a: {  	[tilespmem:$0x5160] =	vst v0  }
0x4b: {  	[tilespmem:$0x5170] =	vst v0  }
0x4c: {  	[tilespmem:$0x5180] =	vst v0  }
0x4d: {  	[tilespmem:$0x5190] =	vst v0  }
0x4e: {  	[tilespmem:$0x51A0] =	vst v0  }
0x4f: {  	[tilespmem:$0x51B0] =	vst v0  }
0x50: {  	[tilespmem:$0x51C0] =	vst v0  }
0x51: {  	[tilespmem:$0x51D0] =	vst v0  }
0x52: {  	[tilespmem:$0x51E0] =	vst v0  }
0x53: {  	[tilespmem:$0x51F0] =	vst v0  }
0x54: {  	[tilespmem:s28], [sflag:$0x1] =	stream.strided.gather [spmem:s5], $0x280, s24, s23, $0x38;
	[tilespmem:$0x7C80] =	vst v63  }
0x55: {  	_ =	swait.ge [sflag:s25], $0x280  }
0x56: {  	[sflag:s25] =	ssyncset.done $0x0  }
0x57: {  	s31 =	simm.s32 $0x0;
	[sflag:s25] =	ssyncadd.s32 $0xFFFFFD80  }
0x58: {  	s0 =	simm.s32 $0x40;
	v2 =	vld [tilespmem:s31+$0x5200]  }
.LBB2_6:
0x59: {  	p0 =	sne.s32 s0, $0x9C0;
	v3 =	vld [tilespmem:s31+$0x4F80];
	_ =	sdelay $0x2  }
.Ltmp2:
0x5a: {  	(pc) =	sbr.rel @p0 .LBB2_6-.Ltmp2, $4  }
0x5b: {  	_ = 	snop  }
0x5c: {  	v3 =	vadd.f32 v2, v3  }
0x5d: {  	s1 =	sshra.s32 s0, $0x2  }
0x5e: {  	s0 =	sadd.s32 $0x40, s0;
	v2 =	vld [tilespmem:s1+$0x5200];
	[tilespmem:s31+$0x4F80] =	vst v3;
	s31 =	smov.u32 s1  }
0x5f: {  	v3 =	vld [tilespmem:s31+$0x4F80];
	_ =	sdelay $0x4  }
0x60: {  	v2 =	vadd.f32 v2, v3;
	_ =	sdelay $0x1  }
0x61: {  	[tilespmem:s31+$0x4F80] =	vst v2  }
0x62: {  	[tilespmem:s28], [sflag:$0x1] =	stream.strided.gather [spmem:s6], $0x280, s24, s23, $0x38;
	[tilespmem:$0x7C80] =	vst v63  }
0x63: {  	_ =	swait.ge [sflag:s25], $0x280  }
0x64: {  	[sflag:s25] =	ssyncset.done $0x0  }
0x65: {  	s31 =	simm.s32 $0x0;
	[sflag:s25] =	ssyncadd.s32 $0xFFFFFD80  }
0x66: {  	s0 =	simm.s32 $0x40;
	v2 =	vld [tilespmem:s31+$0x5200]  }
.LBB2_8:
0x67: {  	p0 =	sne.s32 s0, $0x9C0;
	v3 =	vld [tilespmem:s31+$0x4F80];
	_ =	sdelay $0x2  }
.Ltmp3:
0x68: {  	(pc) =	sbr.rel @p0 .LBB2_8-.Ltmp3, $4  }
0x69: {  	_ = 	snop  }
0x6a: {  	v3 =	vadd.f32 v2, v3  }
0x6b: {  	s1 =	sshra.s32 s0, $0x2  }
0x6c: {  	s0 =	sadd.s32 $0x40, s0;
	v2 =	vld [tilespmem:s1+$0x5200];
	[tilespmem:s31+$0x4F80] =	vst v3;
	s31 =	smov.u32 s1  }
0x6d: {  	v3 =	vld [tilespmem:s31+$0x4F80];
	_ =	sdelay $0x4  }
0x6e: {  	v2 =	vadd.f32 v2, v3;
	_ =	sdelay $0x1  }
0x6f: {  	[tilespmem:s31+$0x4F80] =	vst v2  }
0x70: {  	[tilespmem:s28], [sflag:$0x1] =	stream.strided.gather [spmem:s7], $0x280, s24, s23, $0x38;
	[tilespmem:$0x7C80] =	vst v63  }
0x71: {  	_ =	swait.ge [sflag:s25], $0x280  }
0x72: {  	[sflag:s25] =	ssyncset.done $0x0  }
0x73: {  	s31 =	simm.s32 $0x0;
	[sflag:s25] =	ssyncadd.s32 $0xFFFFFD80  }
0x74: {  	s0 =	simm.s32 $0x40;
	v2 =	vld [tilespmem:s31+$0x5200]  }
.LBB2_10:
0x75: {  	p0 =	sne.s32 s0, $0x9C0;
	v3 =	vld [tilespmem:s31+$0x4F80];
	_ =	sdelay $0x2  }
.Ltmp4:
0x76: {  	(pc) =	sbr.rel @p0 .LBB2_10-.Ltmp4, $4  }
0x77: {  	_ = 	snop  }
0x78: {  	v3 =	vadd.f32 v2, v3  }
0x79: {  	s1 =	sshra.s32 s0, $0x2  }
0x7a: {  	s0 =	sadd.s32 $0x40, s0;
	v2 =	vld [tilespmem:s1+$0x5200];
	[tilespmem:s31+$0x4F80] =	vst v3;
	s31 =	smov.u32 s1  }
0x7b: {  	v3 =	vld [tilespmem:s31+$0x4F80];
	_ =	sdelay $0x4  }
0x7c: {  	v2 =	vadd.f32 v2, v3;
	_ =	sdelay $0x1  }
0x7d: {  	[tilespmem:s31+$0x4F80] =	vst v2  }
0x7e: {  	[tilespmem:s28], [sflag:$0x1] =	stream.strided.gather [spmem:s8], $0x280, s24, s23, $0x38;
	[tilespmem:$0x7C80] =	vst v63  }
0x7f: {  	_ =	swait.ge [sflag:s25], $0x280  }
0x80: {  	[sflag:s25] =	ssyncset.done $0x0  }
0x81: {  	s31 =	simm.s32 $0x0;
	[sflag:s25] =	ssyncadd.s32 $0xFFFFFD80  }
0x82: {  	s0 =	simm.s32 $0x40;
	v2 =	vld [tilespmem:s31+$0x5200]  }
.LBB2_12:
0x83: {  	p0 =	sne.s32 s0, $0x9C0;
	v3 =	vld [tilespmem:s31+$0x4F80];
	_ =	sdelay $0x2  }
.Ltmp5:
0x84: {  	(pc) =	sbr.rel @p0 .LBB2_12-.Ltmp5, $4  }
0x85: {  	_ = 	snop  }
0x86: {  	v3 =	vadd.f32 v2, v3  }
0x87: {  	s1 =	sshra.s32 s0, $0x2  }
0x88: {  	s0 =	sadd.s32 $0x40, s0;
	v2 =	vld [tilespmem:s1+$0x5200];
	[tilespmem:s31+$0x4F80] =	vst v3;
	s31 =	smov.u32 s1  }
0x89: {  	v3 =	vld [tilespmem:s31+$0x4F80];
	_ =	sdelay $0x4  }
0x8a: {  	v2 =	vadd.f32 v2, v3;
	_ =	sdelay $0x1  }
0x8b: {  	[tilespmem:s31+$0x4F80] =	vst v2  }
0x8c: {  	[tilespmem:s28], [sflag:$0x1] =	stream.strided.gather [spmem:s9], $0x280, s24, s23, $0x38;
	[tilespmem:$0x7C80] =	vst v63  }
0x8d: {  	_ =	swait.ge [sflag:s25], $0x280  }
0x8e: {  	[sflag:s25] =	ssyncset.done $0x0  }
0x8f: {  	s31 =	simm.s32 $0x0;
	[sflag:s25] =	ssyncadd.s32 $0xFFFFFD80  }
0x90: {  	s0 =	simm.s32 $0x40;
	v2 =	vld [tilespmem:s31+$0x5200]  }
.LBB2_14:
0x91: {  	p0 =	sne.s32 s0, $0x9C0;
	v3 =	vld [tilespmem:s31+$0x4F80];
	_ =	sdelay $0x2  }
.Ltmp6:
0x92: {  	(pc) =	sbr.rel @p0 .LBB2_14-.Ltmp6, $4  }
0x93: {  	_ = 	snop  }
0x94: {  	v3 =	vadd.f32 v2, v3  }
0x95: {  	s1 =	sshra.s32 s0, $0x2  }
0x96: {  	s0 =	sadd.s32 $0x40, s0;
	v2 =	vld [tilespmem:s1+$0x5200];
	[tilespmem:s31+$0x4F80] =	vst v3;
	s31 =	smov.u32 s1  }
0x97: {  	v3 =	vld [tilespmem:s31+$0x4F80];
	_ =	sdelay $0x4  }
0x98: {  	v2 =	vadd.f32 v2, v3;
	_ =	sdelay $0x1  }
0x99: {  	[tilespmem:s31+$0x4F80] =	vst v2  }
0x9a: {  	[tilespmem:s28], [sflag:$0x1] =	stream.strided.gather [spmem:s10], $0x280, s24, s23, $0x38;
	[tilespmem:$0x7C80] =	vst v63  }
0x9b: {  	_ =	swait.ge [sflag:s25], $0x280  }
0x9c: {  	[sflag:s25] =	ssyncset.done $0x0  }
0x9d: {  	s31 =	simm.s32 $0x0;
	[sflag:s25] =	ssyncadd.s32 $0xFFFFFD80  }
0x9e: {  	s0 =	simm.s32 $0x40;
	v2 =	vld [tilespmem:s31+$0x5200]  }
.LBB2_16:
0x9f: {  	p0 =	sne.s32 s0, $0x9C0;
	v3 =	vld [tilespmem:s31+$0x4F80];
	_ =	sdelay $0x2  }
.Ltmp7:
0xa0: {  	(pc) =	sbr.rel @p0 .LBB2_16-.Ltmp7, $4  }
0xa1: {  	_ = 	snop  }
0xa2: {  	v3 =	vadd.f32 v2, v3  }
0xa3: {  	s1 =	sshra.s32 s0, $0x2  }
0xa4: {  	s0 =	sadd.s32 $0x40, s0;
	v2 =	vld [tilespmem:s1+$0x5200];
	[tilespmem:s31+$0x4F80] =	vst v3;
	s31 =	smov.u32 s1  }
0xa5: {  	v3 =	vld [tilespmem:s31+$0x4F80];
	_ =	sdelay $0x4  }
0xa6: {  	v2 =	vadd.f32 v2, v3;
	_ =	sdelay $0x1  }
0xa7: {  	[tilespmem:s31+$0x4F80] =	vst v2  }
0xa8: {  	[tilespmem:s28], [sflag:$0x1] =	stream.strided.gather [spmem:s11], $0x280, s24, s23, $0x38;
	[tilespmem:$0x7C80] =	vst v63  }
0xa9: {  	_ =	swait.ge [sflag:s25], $0x280  }
0xaa: {  	[sflag:s25] =	ssyncset.done $0x0  }
0xab: {  	s31 =	simm.s32 $0x0;
	[sflag:s25] =	ssyncadd.s32 $0xFFFFFD80  }
0xac: {  	s0 =	simm.s32 $0x40;
	v2 =	vld [tilespmem:s31+$0x5200]  }
.LBB2_18:
0xad: {  	p0 =	sne.s32 s0, $0x9C0;
	v3 =	vld [tilespmem:s31+$0x4F80];
	_ =	sdelay $0x2  }
.Ltmp8:
0xae: {  	(pc) =	sbr.rel @p0 .LBB2_18-.Ltmp8, $4  }
0xaf: {  	_ = 	snop  }
0xb0: {  	v3 =	vadd.f32 v2, v3  }
0xb1: {  	s1 =	sshra.s32 s0, $0x2  }
0xb2: {  	s0 =	sadd.s32 $0x40, s0;
	v2 =	vld [tilespmem:s1+$0x5200];
	[tilespmem:s31+$0x4F80] =	vst v3;
	s31 =	smov.u32 s1  }
0xb3: {  	v3 =	vld [tilespmem:s31+$0x4F80];
	_ =	sdelay $0x4  }
0xb4: {  	v2 =	vadd.f32 v2, v3;
	_ =	sdelay $0x1  }
0xb5: {  	[tilespmem:s31+$0x4F80] =	vst v2  }
0xb6: {  	[tilespmem:s28], [sflag:$0x1] =	stream.strided.gather [spmem:s12], $0x280, s24, s23, $0x38;
	[tilespmem:$0x7C80] =	vst v63  }
0xb7: {  	_ =	swait.ge [sflag:s25], $0x280  }
0xb8: {  	[sflag:s25] =	ssyncset.done $0x0  }
0xb9: {  	s31 =	simm.s32 $0x0;
	[sflag:s25] =	ssyncadd.s32 $0xFFFFFD80  }
0xba: {  	s0 =	simm.s32 $0x40;
	v2 =	vld [tilespmem:s31+$0x5200]  }
.LBB2_20:
0xbb: {  	p0 =	sne.s32 s0, $0x9C0;
	v3 =	vld [tilespmem:s31+$0x4F80];
	_ =	sdelay $0x2  }
.Ltmp9:
0xbc: {  	(pc) =	sbr.rel @p0 .LBB2_20-.Ltmp9, $4  }
0xbd: {  	_ = 	snop  }
0xbe: {  	v3 =	vadd.f32 v2, v3  }
0xbf: {  	s1 =	sshra.s32 s0, $0x2  }
0xc0: {  	s0 =	sadd.s32 $0x40, s0;
	v2 =	vld [tilespmem:s1+$0x5200];
	[tilespmem:s31+$0x4F80] =	vst v3;
	s31 =	smov.u32 s1  }
0xc1: {  	v3 =	vld [tilespmem:s31+$0x4F80];
	_ =	sdelay $0x4  }
0xc2: {  	v2 =	vadd.f32 v2, v3;
	_ =	sdelay $0x1  }
0xc3: {  	[tilespmem:s31+$0x4F80] =	vst v2  }
0xc4: {  	[tilespmem:s28], [sflag:$0x1] =	stream.strided.gather [spmem:s13], $0x280, s24, s23, $0x38;
	[tilespmem:$0x7C80] =	vst v63  }
0xc5: {  	_ =	swait.ge [sflag:s25], $0x280  }
0xc6: {  	[sflag:s25] =	ssyncset.done $0x0  }
0xc7: {  	s31 =	simm.s32 $0x0;
	[sflag:s25] =	ssyncadd.s32 $0xFFFFFD80  }
0xc8: {  	s0 =	simm.s32 $0x40;
	v2 =	vld [tilespmem:s31+$0x5200]  }
.LBB2_22:
0xc9: {  	p0 =	sne.s32 s0, $0x9C0;
	v3 =	vld [tilespmem:s31+$0x4F80];
	_ =	sdelay $0x2  }
.Ltmp10:
0xca: {  	(pc) =	sbr.rel @p0 .LBB2_22-.Ltmp10, $4  }
0xcb: {  	_ = 	snop  }
0xcc: {  	v3 =	vadd.f32 v2, v3  }
0xcd: {  	s1 =	sshra.s32 s0, $0x2  }
0xce: {  	s0 =	sadd.s32 $0x40, s0;
	v2 =	vld [tilespmem:s1+$0x5200];
	[tilespmem:s31+$0x4F80] =	vst v3;
	s31 =	smov.u32 s1  }
0xcf: {  	v3 =	vld [tilespmem:s31+$0x4F80];
	_ =	sdelay $0x4  }
0xd0: {  	v2 =	vadd.f32 v2, v3;
	_ =	sdelay $0x1  }
0xd1: {  	[tilespmem:s31+$0x4F80] =	vst v2  }
0xd2: {  	[tilespmem:s28], [sflag:$0x1] =	stream.strided.gather [spmem:s14], $0x280, s24, s23, $0x38;
	[tilespmem:$0x7C80] =	vst v63  }
0xd3: {  	_ =	swait.ge [sflag:s25], $0x280  }
0xd4: {  	[sflag:s25] =	ssyncset.done $0x0  }
0xd5: {  	s31 =	simm.s32 $0x0;
	[sflag:s25] =	ssyncadd.s32 $0xFFFFFD80  }
0xd6: {  	s0 =	simm.s32 $0x40;
	v2 =	vld [tilespmem:s31+$0x5200]  }
.LBB2_24:
0xd7: {  	p0 =	sne.s32 s0, $0x9C0;
	v3 =	vld [tilespmem:s31+$0x4F80];
	_ =	sdelay $0x2  }
.Ltmp11:
0xd8: {  	(pc) =	sbr.rel @p0 .LBB2_24-.Ltmp11, $4  }
0xd9: {  	_ = 	snop  }
0xda: {  	v3 =	vadd.f32 v2, v3  }
0xdb: {  	s1 =	sshra.s32 s0, $0x2  }
0xdc: {  	s0 =	sadd.s32 $0x40, s0;
	v2 =	vld [tilespmem:s1+$0x5200];
	[tilespmem:s31+$0x4F80] =	vst v3;
	s31 =	smov.u32 s1  }
0xdd: {  	v3 =	vld [tilespmem:s31+$0x4F80];
	_ =	sdelay $0x4  }
0xde: {  	v2 =	vadd.f32 v2, v3;
	_ =	sdelay $0x1  }
0xdf: {  	[tilespmem:s31+$0x4F80] =	vst v2  }
0xe0: {  	[tilespmem:s28], [sflag:$0x1] =	stream.strided.gather [spmem:s15], $0x280, s24, s23, $0x38;
	[tilespmem:$0x7C80] =	vst v63  }
0xe1: {  	_ =	swait.ge [sflag:s25], $0x280  }
0xe2: {  	[sflag:s25] =	ssyncset.done $0x0  }
0xe3: {  	s31 =	simm.s32 $0x0;
	[sflag:s25] =	ssyncadd.s32 $0xFFFFFD80  }
0xe4: {  	s0 =	simm.s32 $0x40;
	v2 =	vld [tilespmem:s31+$0x5200]  }
.LBB2_26:
0xe5: {  	p0 =	sne.s32 s0, $0x9C0;
	v3 =	vld [tilespmem:s31+$0x4F80];
	_ =	sdelay $0x2  }
.Ltmp12:
0xe6: {  	(pc) =	sbr.rel @p0 .LBB2_26-.Ltmp12, $4  }
0xe7: {  	_ = 	snop  }
0xe8: {  	v3 =	vadd.f32 v2, v3  }
0xe9: {  	s1 =	sshra.s32 s0, $0x2  }
0xea: {  	s0 =	sadd.s32 $0x40, s0;
	v2 =	vld [tilespmem:s1+$0x5200];
	[tilespmem:s31+$0x4F80] =	vst v3;
	s31 =	smov.u32 s1  }
0xeb: {  	v3 =	vld [tilespmem:s31+$0x4F80];
	_ =	sdelay $0x4  }
0xec: {  	v2 =	vadd.f32 v2, v3;
	_ =	sdelay $0x1  }
0xed: {  	[tilespmem:s31+$0x4F80] =	vst v2  }
0xee: {  	[tilespmem:s28], [sflag:$0x1] =	stream.strided.gather [spmem:s16], $0x280, s24, s23, $0x38;
	[tilespmem:$0x7C80] =	vst v63  }
0xef: {  	_ =	swait.ge [sflag:s25], $0x280  }
0xf0: {  	[sflag:s25] =	ssyncset.done $0x0  }
0xf1: {  	s31 =	simm.s32 $0x0;
	[sflag:s25] =	ssyncadd.s32 $0xFFFFFD80  }
0xf2: {  	s0 =	simm.s32 $0x40;
	v2 =	vld [tilespmem:s31+$0x5200]  }
.LBB2_28:
0xf3: {  	p0 =	sne.s32 s0, $0x9C0;
	v3 =	vld [tilespmem:s31+$0x4F80];
	_ =	sdelay $0x2  }
.Ltmp13:
0xf4: {  	(pc) =	sbr.rel @p0 .LBB2_28-.Ltmp13, $4  }
0xf5: {  	_ = 	snop  }
0xf6: {  	v3 =	vadd.f32 v2, v3  }
0xf7: {  	s1 =	sshra.s32 s0, $0x2  }
0xf8: {  	s0 =	sadd.s32 $0x40, s0;
	v2 =	vld [tilespmem:s1+$0x5200];
	[tilespmem:s31+$0x4F80] =	vst v3;
	s31 =	smov.u32 s1  }
0xf9: {  	v3 =	vld [tilespmem:s31+$0x4F80];
	_ =	sdelay $0x4  }
0xfa: {  	v2 =	vadd.f32 v2, v3;
	_ =	sdelay $0x1  }
0xfb: {  	[tilespmem:s31+$0x4F80] =	vst v2  }
0xfc: {  	[tilespmem:s28], [sflag:$0x1] =	stream.strided.gather [spmem:s17], $0x280, s24, s23, $0x38;
	[tilespmem:$0x7C80] =	vst v63  }
0xfd: {  	_ =	swait.ge [sflag:s25], $0x280  }
0xfe: {  	[sflag:s25] =	ssyncset.done $0x0  }
0xff: {  	s31 =	simm.s32 $0x0;
	[sflag:s25] =	ssyncadd.s32 $0xFFFFFD80  }
0x100: {  	s0 =	simm.s32 $0x40;
	v2 =	vld [tilespmem:s31+$0x5200]  }
.LBB2_30:
0x101: {  	p0 =	sne.s32 s0, $0x9C0;
	v3 =	vld [tilespmem:s31+$0x4F80];
	_ =	sdelay $0x2  }
.Ltmp14:
0x102: {  	(pc) =	sbr.rel @p0 .LBB2_30-.Ltmp14, $4  }
0x103: {  	_ = 	snop  }
0x104: {  	v3 =	vadd.f32 v2, v3  }
0x105: {  	s1 =	sshra.s32 s0, $0x2  }
0x106: {  	s0 =	sadd.s32 $0x40, s0;
	v2 =	vld [tilespmem:s1+$0x5200];
	[tilespmem:s31+$0x4F80] =	vst v3;
	s31 =	smov.u32 s1  }
0x107: {  	v3 =	vld [tilespmem:s31+$0x4F80];
	_ =	sdelay $0x4  }
0x108: {  	v2 =	vadd.f32 v2, v3;
	_ =	sdelay $0x1  }
0x109: {  	[tilespmem:s31+$0x4F80] =	vst v2  }
0x10a: {  	[tilespmem:s28], [sflag:$0x1] =	stream.strided.gather [spmem:s18], $0x280, s24, s23, $0x38;
	[tilespmem:$0x7C80] =	vst v63  }
0x10b: {  	_ =	swait.ge [sflag:s25], $0x280  }
0x10c: {  	[sflag:s25] =	ssyncset.done $0x0  }
0x10d: {  	s31 =	simm.s32 $0x0;
	[sflag:s25] =	ssyncadd.s32 $0xFFFFFD80  }
0x10e: {  	s0 =	simm.s32 $0x40;
	v2 =	vld [tilespmem:s31+$0x5200]  }
.LBB2_32:
0x10f: {  	p0 =	sne.s32 s0, $0x9C0;
	v3 =	vld [tilespmem:s31+$0x4F80];
	_ =	sdelay $0x2  }
.Ltmp15:
0x110: {  	(pc) =	sbr.rel @p0 .LBB2_32-.Ltmp15, $4  }
0x111: {  	_ = 	snop  }
0x112: {  	v3 =	vadd.f32 v2, v3  }
0x113: {  	s1 =	sshra.s32 s0, $0x2  }
0x114: {  	s0 =	sadd.s32 $0x40, s0;
	v2 =	vld [tilespmem:s1+$0x5200];
	[tilespmem:s31+$0x4F80] =	vst v3;
	s31 =	smov.u32 s1  }
0x115: {  	v3 =	vld [tilespmem:s31+$0x4F80];
	_ =	sdelay $0x4  }
0x116: {  	v2 =	vadd.f32 v2, v3;
	_ =	sdelay $0x1  }
0x117: {  	[tilespmem:s31+$0x4F80] =	vst v2  }
0x118: {  	[tilespmem:s28], [sflag:$0x1] =	stream.strided.gather [spmem:s19], $0x280, s24, s23, $0x38;
	[tilespmem:$0x7C80] =	vst v63  }
0x119: {  	_ =	swait.ge [sflag:s25], $0x280  }
0x11a: {  	[sflag:s25] =	ssyncset.done $0x0  }
0x11b: {  	s31 =	simm.s32 $0x0;
	[sflag:s25] =	ssyncadd.s32 $0xFFFFFD80  }
0x11c: {  	s0 =	simm.s32 $0x40;
	v2 =	vld [tilespmem:s31+$0x5200]  }
.LBB2_34:
0x11d: {  	p0 =	sne.s32 s0, $0x9C0;
	v3 =	vld [tilespmem:s31+$0x4F80];
	_ =	sdelay $0x2  }
.Ltmp16:
0x11e: {  	(pc) =	sbr.rel @p0 .LBB2_34-.Ltmp16, $4  }
0x11f: {  	_ = 	snop  }
0x120: {  	v3 =	vadd.f32 v2, v3  }
0x121: {  	s1 =	sshra.s32 s0, $0x2  }
0x122: {  	s0 =	sadd.s32 $0x40, s0;
	v2 =	vld [tilespmem:s1+$0x5200];
	[tilespmem:s31+$0x4F80] =	vst v3;
	s31 =	smov.u32 s1  }
0x123: {  	v3 =	vld [tilespmem:s31+$0x4F80];
	_ =	sdelay $0x4  }
0x124: {  	v2 =	vadd.f32 v2, v3;
	_ =	sdelay $0x1  }
0x125: {  	[tilespmem:s31+$0x4F80] =	vst v2  }
0x126: {  	[tilespmem:s28], [sflag:$0x1] =	stream.strided.gather [spmem:s20], $0x280, s24, s23, $0x38;
	[tilespmem:$0x7C80] =	vst v63  }
0x127: {  	_ =	swait.ge [sflag:s25], $0x280  }
0x128: {  	[sflag:s25] =	ssyncset.done $0x0  }
0x129: {  	s31 =	simm.s32 $0x0;
	[sflag:s25] =	ssyncadd.s32 $0xFFFFFD80  }
0x12a: {  	s0 =	simm.s32 $0x40;
	v2 =	vld [tilespmem:s31+$0x5200]  }
.LBB2_36:
0x12b: {  	p0 =	sne.s32 s0, $0x9C0;
	v3 =	vld [tilespmem:s31+$0x4F80];
	_ =	sdelay $0x2  }
.Ltmp17:
0x12c: {  	(pc) =	sbr.rel @p0 .LBB2_36-.Ltmp17, $4  }
0x12d: {  	_ = 	snop  }
0x12e: {  	v3 =	vadd.f32 v2, v3  }
0x12f: {  	s1 =	sshra.s32 s0, $0x2  }
0x130: {  	s0 =	sadd.s32 $0x40, s0;
	v2 =	vld [tilespmem:s1+$0x5200];
	[tilespmem:s31+$0x4F80] =	vst v3;
	s31 =	smov.u32 s1  }
0x131: {  	v3 =	vld [tilespmem:s31+$0x4F80];
	_ =	sdelay $0x4  }
0x132: {  	s30 =	sadd.s32 $0x1, s30;
	v2 =	vadd.f32 v2, v3  }
0x133: {  	p0 =	sne.s32 s30, s22  }
.Ltmp18:
0x134: {  	[tilespmem:s31+$0x4F80] =	vst v2;
	(pc) =	sbr.rel @p0 .LBB2_1-.Ltmp18, $4  }
0x135: {  	[hbm4b:s21+s2] =	stream.linear.scatter [tilespmem:s29], [sflag:$0x1], $0x280, $0x38;
	[tilespmem:$0x7C80] =	vst v63  }
0x136: {  	_ =	swait.ge [sflag:s25], $0x280  }
0x137: {  	[sflag:s25] =	ssyncset.done $0x0  }
0x138: {  	[sflag:s25] =	ssyncadd.s32 $0xFFFFFD80  }
0x139: {  	_ =	sfence.sel $0x180000  }
0x13a: {  	[bflag:$0x0] =	sbarrier.arrive $0xFFFF  }
0x13b: {  	_ =	strace $0x90000047  }
0x13c: {  	s0 =	stileid.u32;
	[bflag:$0x2] =	sbarrier.arrive $0xFFFF  }
0x13d: {  	p0 =	sne.s32 s0, $0x0;
	s0 =	rddreg [dreg:$0x3]  }
0x13e: {  	s0 =	sadd.s32 @!p0 $0x100000, s0  }
0x13f: {  	[sflag:s0] =	ssyncadd.tile.s32 @!p0 $0x1;
	_ =	shalt  }
.Lfunc_end2:
_tile_overlayer_lowered:
.L_overlay_start_2:
0x140: {  	(tag) =	ssettag $0x2  }
0x141: {  	s0 =	rddreg [dreg:$0x0];
	s2 =	stileid.u32  }
0x142: {  	s1 =	rddreg [dreg:$0x1];
	p0 =	sne.s32 s2, $0x0  }
0x143: {  	s3 =	rddreg [dreg:$0x2];
	[bflag:$0x3] =	sbarrier.arrive $0xFFFF;
	s2 =	simm.s32 @!p0 $0x1C01  }
0x144: {  	[timem:s3], [sflag:s2] =	dma.local @!p0 [hbm:s0], s1  }
0x145: {  	s0 =	simm.s32 @!p0 $0x1  }
0x146: {  	_ =	swait.ge @!p0 [sflag:s0], s1  }
0x147: {  	s1 =	ssub.s32 @!p0 $0x0, s1;
	[sflag:s0] =	ssyncset.done @!p0 $0x0  }
0x148: {  	[sflag:s0] =	ssyncadd.s32 @!p0 s1  }
0x149: {  	[bflag:$0x3] =	sbarrier.arrive $0xFFFF  }
0x14a: {  	_ =	shalt  }

// kernel: _run.13.cloned.1.call-start
scs
__scs_entry_jumppad:
0x0: {  	(pc) =	sbr.rel $0x88, $3  }
0x1: {  	(tag) =	ssettag $0x0;
	lr =	simm.s32 $0x1  }
0x2: {  	[smem:$0x3F91] =	sst lr;
	_ =	strace $0xD0000000  }
0x3: {  	_ = 	snop  }
0x4: {  	_ = 	snop  }
0x5: {  	_ = 	snop  }
0x6: {  	_ = 	snop  }
0x7: {  	_ = 	snop  }
__scs_overlays_trampoline_lowered:
0x8: {  	[smem:$0x3FA0] =	sst s0  }
0x9: {  	[smem:$0x3FA1] =	sst s1  }
0xa: {  	[smem:$0x3FA2] =	sst s2  }
0xb: {  	[smem:$0x3FA3] =	sst s3  }
0xc: {  	[smem:$0x3FA4] =	sst s4  }
0xd: {  	[smem:$0x3FA5] =	sst s5  }
0xe: {  	[smem:$0x3FA6] =	sst s6  }
0xf: {  	[smem:$0x3FA7] =	sst s7  }
0x10: {  	[smem:$0x3FA8] =	sst s8  }
0x11: {  	[smem:$0x3FA9] =	sst s9;
	s0 =	simm.s32 @!p0 $0x0  }
0x12: {  	s1 =	sld [smem:$0x3F8F];
	s0 =	simm.s32 @p0 $0x1  }
0x13: {  	[smem:$0x3FAA] =	sst s0;
	s0 =	simm.s32 @!p1 $0x0  }
0x14: {  	s2 =	sld [smem:$0x3F8E];
	s0 =	simm.s32 @p1 $0x1  }
0x15: {  	[smem:$0x3FAB] =	sst s0;
	s0 =	simm.s32 @!p2 $0x0  }
0x16: {  	s3 =	sld [smem:$0x3FDB];
	s0 =	simm.s32 @p2 $0x1  }
0x17: {  	s4 =	simm.s32 $0x1BF5;
	[smem:$0x3FAD] =	sst s0  }
0x18: {  	s0 =	sld [smem:$0x3F90];
	_ =	swait.ge [sflag:s4], $0x0  }
0x19: {  	s7 =	sld [smem:$0x3F91]  }
0x1a: {  	s8 =	sadd.s32 $0xFFFFE003, lr  }
0x1b: {  	s9 =	sadd.s32 $0xFFFFFEF7, lr;
	s5 =	simm.s32 $0xFFFFFFFF;
	p2 =	slt.u32 s8, $0xFFFFF086  }
0x1c: {  	p1 =	slt.u32 s9, $0xF7A;
	s5 =	simm.s32 @!p2 $0x0  }
0x1d: {  	s5 =	simm.s32 @p1 $0x1;
	p0 =	seq.s32 s7, s2  }
0x1e: {  	s7 =	smul.u32 @!p0 $0xF7A, s2;
	p2 =	seq.s32 @!p0 s5, $0x0  }
0x1f: {  	s9 =	smul.u32 $0xF7A, s1;
	s8 =	simm.s32 @!p0 $0x1BF5;
	p2 =	por !p2, p0  }
0x20: {  	[sflag:s8] =	ssyncset.s32 @!p0 $0xFFFFF086;
	s6 =	sadd.s32 @!p0 s3, s7;
	s7 =	simm.s32 @!p0 $0x108  }
0x21: {  	s3 =	sadd.s32 s3, s9;
	s6 =	sadd.s32 @!p0 $0x88, s6;
	s7 =	simm.s32 @p2 $0x1082  }
0x22: {  	[simem:s7], [sflag:s8] =	dma.local @!p0 [hbm:s6], $0xF7A  }
0x23: {  	s9 =	sor.u32 $0xD0000000, s2;
	s6 =	simm.s32 $0x108;
	_ =	swait.ge @!p0 [sflag:s8], $0x0  }
0x24: {  	s3 =	sadd.s32 $0x88, s3;
	s6 =	simm.s32 @!p1 $0x1082;
	[sflag:s4] =	ssyncset.s32 $0xFFFFF086  }
0x25: {  	[simem:s6], [sflag:s4] =	dma.local [hbm:s3], $0xF7A  }
0x26: {  	[smem:$0x3F91] =	sst s1;
	(tag) =	ssettag s2;
	_ =	strace s9  }
0x27: {  	s1 =	sld [smem:$0x3FA1]  }
0x28: {  	s2 =	sld [smem:$0x3FA2]  }
0x29: {  	s4 =	sld [smem:$0x3FA4]  }
0x2a: {  	p0 =	seq.s32 s5, $0x0;
	s5 =	sld [smem:$0x3FA5]  }
0x2b: {  	s6 =	sld [smem:$0x3FA6]  }
0x2c: {  	s7 =	sld [smem:$0x3FA7]  }
0x2d: {  	s3 =	simm.s32 $0x108;
	s8 =	sld [smem:$0x3FA8]  }
0x2e: {  	s3 =	simm.s32 @!p0 $0x1082;
	s9 =	sld [smem:$0x3FA9]  }
0x2f: {  	lr =	sadd.s32 s0, s3;
	s0 =	sld [smem:$0x3FA0]  }
0x30: {  	s3 =	sld [smem:$0x3FA3]  }
0x31: {  	[smem:$0x3FAC] =	sst s10  }
0x32: {  	s10 =	sld [smem:$0x3FAA];
	_ =	sdelay $0x3  }
0x33: {  	p0 =	seq.s32 s10, $0x1;
	s10 =	sld [smem:$0x3FAC];
	_ =	sdelay $0x3  }
0x34: {  	[smem:$0x3FAC] =	sst s10  }
0x35: {  	s10 =	sld [smem:$0x3FAB];
	_ =	sdelay $0x3  }
0x36: {  	p1 =	seq.s32 s10, $0x1;
	s10 =	sld [smem:$0x3FAC];
	_ =	sdelay $0x3  }
0x37: {  	[smem:$0x3FAC] =	sst s10  }
0x38: {  	s10 =	sld [smem:$0x3FAD]  }
0x39: {  	_ = 	snop;
	(pc) =	sbr.ind lr, $3  }
0x3a: {  	_ = 	snop  }
0x3b: {  	_ = 	snop  }
0x3c: {  	p2 =	seq.s32 s10, $0x1;
	s10 =	sld [smem:$0x3FAC]  }
0x3d: {  	_ =	shalt  }
0x3e: {  	_ =	shalt  }
0x3f: {  	_ =	shalt  }
0x40: {  	_ =	shalt  }
0x41: {  	_ =	shalt  }
0x42: {  	_ =	shalt  }
0x43: {  	_ =	shalt  }
0x44: {  	_ =	shalt  }
0x45: {  	_ =	shalt  }
0x46: {  	_ =	shalt  }
0x47: {  	_ =	shalt  }
0x48: {  	_ =	shalt  }
0x49: {  	_ =	shalt  }
0x4a: {  	_ =	shalt  }
0x4b: {  	_ =	shalt  }
0x4c: {  	_ =	shalt  }
0x4d: {  	_ =	shalt  }
0x4e: {  	_ =	shalt  }
0x4f: {  	_ =	shalt  }
0x50: {  	_ =	shalt  }
0x51: {  	_ =	shalt  }
0x52: {  	_ =	shalt  }
0x53: {  	_ =	shalt  }
0x54: {  	_ =	shalt  }
0x55: {  	_ =	shalt  }
0x56: {  	_ =	shalt  }
0x57: {  	_ =	shalt  }
0x58: {  	_ =	shalt  }
0x59: {  	_ =	shalt  }
0x5a: {  	_ =	shalt  }
0x5b: {  	_ =	shalt  }
0x5c: {  	_ =	shalt  }
0x5d: {  	_ =	shalt  }
0x5e: {  	_ =	shalt  }
0x5f: {  	_ =	shalt  }
0x60: {  	_ =	shalt  }
0x61: {  	_ =	shalt  }
0x62: {  	_ =	shalt  }
0x63: {  	_ =	shalt  }
0x64: {  	_ =	shalt  }
0x65: {  	_ =	shalt  }
0x66: {  	_ =	shalt  }
0x67: {  	_ =	shalt  }
0x68: {  	_ =	shalt  }
0x69: {  	_ =	shalt  }
0x6a: {  	_ =	shalt  }
0x6b: {  	_ =	shalt  }
0x6c: {  	_ =	shalt  }
0x6d: {  	_ =	shalt  }
0x6e: {  	_ =	shalt  }
0x6f: {  	_ =	shalt  }
0x70: {  	_ =	shalt  }
0x71: {  	_ =	shalt  }
0x72: {  	_ =	shalt  }
0x73: {  	_ =	shalt  }
0x74: {  	_ =	shalt  }
0x75: {  	_ =	shalt  }
0x76: {  	_ =	shalt  }
0x77: {  	_ =	shalt  }
0x78: {  	_ =	shalt  }
0x79: {  	_ =	shalt  }
0x7a: {  	_ =	shalt  }
0x7b: {  	_ =	shalt  }
0x7c: {  	_ =	shalt  }
0x7d: {  	_ =	shalt  }
0x7e: {  	_ =	shalt  }
0x7f: {  	_ =	shalt  }
0x80: {  	_ =	shalt  }
0x81: {  	_ =	shalt  }
0x82: {  	_ =	shalt  }
0x83: {  	_ =	shalt  }
0x84: {  	_ =	shalt  }
0x85: {  	_ =	shalt  }
0x86: {  	_ =	shalt  }
0x87: {  	_ =	shalt  }
.Lfunc_end0:
.L_simem_size_0:
called_computation.1_lowered:
.L_overlay_start_0:
0x88: {  	s2 =	sld [smem:$0x3FD9]  }
0x89: {  	s3 =	sld [smem:$0x3FFE];
	_ =	sdelay $0x1  }
0x8a: {  	s1 =	srdreg.scid  }
0x8b: {  	s0 =	sand.u32 $0x1, s1  }
0x8c: {  	s14 =	sshll.u32 s0, $0xA;
	s2 =	sadd.s32 s3, s2  }
0x8d: {  	s2 =	sadd.s32 s2, s14  }
0x8e: {  	[smem:$0x3FB8] =	sst s2  }
0x8f: {  	_ = 	snop  }
0x90: {  	s2 =	sld [smem:$0x3FD0];
	_ =	sdelay $0x2  }
0x91: {  	s15 =	simm.s32 $0xA;
	s4 =	simm.s32 $0x10  }
0x92: {  	[smem:s4], [sflag:s15] =	dma.local [hbm:s2], $0x1  }
0x93: {  	_ =	swait.eq [sflag:s15], $0x1  }
0x94: {  	[sflag:s15] =	ssyncset.done $0x0  }
0x95: {  	[sflag:s15] =	ssyncadd.s32 $0xFFFFFFFF  }
0x96: {  	s16 =	sld [smem:$0x11];
	(tm) =	ssettm $0x1  }
0x97: {  	s17 =	sld [smem:$0x3FFB];
	_ =	sdelay $0x3  }
0x98: {  	_ =	strace s17  }
0x99: {  	s3 =	sld [smem:$0x3FFC];
	_ =	sdelay $0x3  }
0x9a: {  	_ =	strace s3  }
0x9b: {  	s3 =	sld [smem:$0x3FFD];
	_ =	sdelay $0x3  }
0x9c: {  	_ =	strace s3  }
0x9d: {  	_ =	strace $0x8FFFFFFF  }
0x9e: {  	s18 =	sld [smem:$0x3FDB];
	_ =	sdelay $0x1  }
0x9f: {  	s19 =	simm.s32 $_scs_section_size  }
0xa0: {  	s5 =	simm.s32 $_size__tile_overlayer_lowered;
	s6 =	simm.s32 $_tile_overlayer_lowered  }
0xa1: {  	s22 =	simm.s32 $0x1BFF;
	s21 =	sshll.u32 s6, $0x1;
	s3 =	sadd.s32 s19, s18  }
0xa2: {  	s7 =	simm.s32 $0x0;
	s20 =	sshll.u32 s5, $0x1;
	s5 =	sadd.s32 s21, s3  }
0xa3: {  	[timem:s7], [sflag:s22] =	dma.local [hbm:s5], s20  }
0xa4: {  	_ =	swait.ge [sflag:s22], s20  }
0xa5: {  	s4 =	ssub.s32 $0x0, s20;
	[sflag:s22] =	ssyncset.done $0x0  }
0xa6: {  	[sflag:s22] =	ssyncadd.s32 s4;
	_ =	sdelay $0x1  }
0xa7: {  	s23 =	simm.s32 $0x1B8B  }
0xa8: {  	_ =	swait.ge [sflag:s23], $0x1  }
0xa9: {  	[sflag:s23] =	ssyncset.done $0x0  }
0xaa: {  	s25 =	simm.s32 $0x1B8E;
	s24 =	sld [smem:$0x3FFE];
	[sflag:s23] =	ssyncadd.s32 $0xFFFFFFFF  }
0xab: {  	s26 =	simm.s32 $execute0_lowered;
	[smem:$0x3FD2] =	sst s25  }
0xac: {  	s5 =	sshll.u32 s26, $0x1;
	_ =	strace $0x80000049;
	[dreg:$0x1] =	wrdreg $0xFFFFFFFF  }
0xad: {  	s28 =	simm.s32 $_size_execute0_lowered;
	s3 =	sadd.s32 s3, s5;
	[dreg:$0x0] =	wrdreg $0x0  }
0xae: {  	s5 =	sshll.u32 s28, $0x1;
	[dreg:$0x2] =	wrdreg s3  }
0xaf: {  	[dreg:$0x3] =	wrdreg s5  }
0xb0: {  	[dreg:$0x4] =	wrdreg $0xC0  }
0xb1: {  	_ =	task [dreg:s7], $0x5FFFF  }
0xb2: {  	[dreg:$0x1] =	wrdreg $0xFFFFFFFF  }
0xb3: {  	[dreg:$0x0] =	wrdreg $0x60  }
0xb4: {  	[dreg:$0x2] =	wrdreg s24  }
0xb5: {  	[dreg:$0x3] =	wrdreg s16  }
0xb6: {  	[dreg:$0x4] =	wrdreg $0xA9000  }
0xb7: {  	[dreg:$0x5] =	wrdreg $0x9  }
0xb8: {  	_ =	task.clear_ibuf [dreg:s7], $0x6FFFF;
	_ =	strace $0x90000049  }
0xb9: {  	s29 =	simm.s32 $0x9;
	_ =	strace $0x8000004B  }
0xba: {  	_ =	swait.ge [sflag:s29], $0x1  }
0xbb: {  	[sflag:s29] =	ssyncadd.s32 $0xFFFFFFFF  }
0xbc: {  	_ =	strace $0x9000004B  }
0xbd: {  	_ =	sfence  }
0xbe: {  	s30 =	sld [smem:$0x0];
	_ =	sdelay $0x2  }
0xbf: {  	s31 =	sshll.u32 s1, $0xD;
	s1 =	sshrl.u32 s1, $0x2  }
0xc0: {  	s3 =	sand.u32 $0x4000, s31;
	s1 =	sadd.s32 s1, s30  }
0xc1: {  	s0 =	sor.u32 s3, s0;
	s1 =	sshll.u32 s1, $0x11  }
0xc2: {  	s0 =	sor.u32 s1, s0  }
0xc3: {  	s0 =	sadd.s32 $0x8F2B, s0  }
0xc4: {  	[sflag:s0] =	ssyncadd.remote.s32 $0x1  }
0xc5: {  	_ =	sfence.sel $0xFFFF  }
0xc6: {  	[dreg:$0x0] =	wrdreg $0xFFFFFFFF;
	(pc) =	sbr.abs _section_cstart, $3  }
0xc7: {  	[dreg:$0x1] =	wrdreg $0xFFFFFFFF  }
0xc8: {  	_ =	task.clear_ibuf [dreg:s7], $0x2FFFF;
	_ =	strace $0x9FFFFFFF  }
0xc9: {  	(tm) =	ssettm $0x7FFFFFFF  }
tec
execute0_lowered:
.L_overlay_start_1:
0x0: {  	(tag) =	ssettag $0x1  }
0x1: {  	s7 =	rddreg [dreg:$0x0]  }
0x2: {  	s1 =	srdreg.scid;
	s2 =	rddreg [dreg:$0x1]  }
0x3: {  	s0 =	stileid.u32;
	s3 =	rddreg [dreg:$0x2];
	s4 =	simm.s32 $0x0  }
0x4: {  	s18 =	simm.s32 $0x1;
	s19 =	simm.s32 $0x2800;
	s20 =	simm.s32 $0x0  }
0x5: {  	s8 =	sand.u32 $0x1, s1;
	s29 =	sshll.u32 s0, $0x1;
	s1 =	rddreg [dreg:$0x3]  }
0x6: {  	[smem:$0x7FF] =	sst s4;
	s9 =	smul.u32 $0x2800, s0;
	s6 =	sadd.s32 $0x18800, s7  }
0x7: {  	s12 =	smul.u32 $0x50000, s0;
	s31 =	sshll.u32 s0, $0x6;
	s5 =	sor.u32 s8, s29  }
0x8: {  	_ =	strace $0x8000004A;
	s10 =	smul.u32 $0x28000, s8;
	s8 =	ssub.s32 $0x2, s8  }
0x9: {  	s5 =	smul.u32 $0x2800, s5;
	s14 =	sadd.s32 s9, s7;
	s30 =	sshrl.u32 s8, $0x1  }
0xa: {  	s12 =	sshrl.u32 s12, $0x2;
	s9 =	sadd.s32 s9, s10;
	s16 =	ssub.s32 s8, s30  }
0xb: {  	s17 =	sadd.s32 s12, s3;
	s11 =	sshrl.u32 s5, $0x3;
	s15 =	sadd.s32 s9, s7  }
0xc: {  	s9 =	sor.u32 $0x1C03, s31;
	s13 =	sadd.s32 s11, s7;
	s7 =	sadd.s32 $0x68800, s14  }
0xd: {  	s8 =	sadd.s32 s2, s11;
	s12 =	sadd.s32 $0x90800, s15;
	s14 =	sshrl.u32 s17, $0x3  }
0xe: {  	s15 =	simm.s32 $0x3;
	s17 =	simm.s32 $0x2900;
	s10 =	sadd.s32 $0xE800, s13  }
0xf: {  	s11 =	sadd.s32 $0x10, s8;
	s13 =	smax.u32 s16, $0x1;
	s16 =	simm.s32 $0x80  }
.LBB2_1:
0x10: {  	[spmem:s14], [sflag:s9] =	dma.local [hbm:s7], $0x2800  }
0x11: {  	_ =	swait.ge [sflag:s15], $0x2800  }
0x12: {  	[sflag:s15] =	ssyncset.done $0x0  }
0x13: {  	s21 =	simm.s32 $0x100;
	[sflag:s15] =	ssyncadd.s32 $0xFFFFD800  }
0x14: {  	[tilespmem:s21], [sflag:$0x3] =	stream.linear.gather [hbm4b:s10+s4], $0x2780, $0x38;
	[tilespmem:$0x1E900] =	vst v63  }
0x15: {  	_ =	swait.ge [sflag:s15], $0x2780  }
0x16: {  	[sflag:s15] =	ssyncset.done $0x0  }
0x17: {  	[sflag:s15] =	ssyncadd.s32 $0xFFFFD880  }
0x18: {  	[bflag:$0x0] =	sbarrier.arrive $0xFFFF  }
0x19: {  	[tilespmem:s4], [sflag:$0x3] =	stream.linear.gather [hbm4b:s8+s4], $0x80, $0x38;
	[tilespmem:$0x1E900] =	vst v63  }
0x1a: {  	_ =	swait.ge [sflag:s15], $0x80  }
0x1b: {  	[sflag:s15] =	ssyncset.done $0x0  }
0x1c: {  	[sflag:s15] =	ssyncadd.s32 $0xFFFFFF80  }
0x1d: {  	[tilespmem:s17], [sflag:$0x1] =	stream.indirect.gather [hbm4b:s6+s16], $0x80, s4, s16, $0xb8;
	[tilespmem:$0x1E900] =	vst v63  }
0x1e: {  	_ = 	snop  }
0x1f: {  	[tilespmem:s16], [sflag:$0x3] =	stream.linear.gather [hbm4b:s11+s4], $0x80, $0x38;
	[tilespmem:$0x1E900] =	vst v63  }
0x20: {  	s22 =	simm.s32 $0x0;
	_ =	swait.ge [sflag:s15], $0x80  }
0x21: {  	s22 =	sand.u32 $0x1, s22;
	[sflag:s15] =	ssyncset.done $0x0  }
0x22: {  	s25 =	sand.u32 $0x1, s18;
	s23 =	sadd.s32 $0x1, s22;
	[sflag:s15] =	ssyncadd.s32 $0xFFFFFF80  }
0x23: {  	s26 =	sshll.u32 s25, $0xE;
	_ =	swait.ge [sflag:s23], $0x4000  }
0x24: {  	s28 =	sadd.s32 $0x1, s25;
	s25 =	sshll.u32 s25, $0x7;
	[sflag:s23] =	ssyncset.done $0x0  }
0x25: {  	s24 =	sshll.u32 s22, $0xE;
	s26 =	sor.u32 $0x2900, s26;
	[sflag:s23] =	ssyncadd.s32 $0xFFFFC000  }
0x26: {  	[tilespmem:s26], [sflag:s28] =	stream.indirect.gather [hbm4b:s6+s16], $0x80, s25, s16, $0xb8;
	[tilespmem:$0x1E900] =	vst v63  }
0x27: {  	s30 =	sand.u32 $0x7C00, s21;
	s29 =	sor.u32 $0x2900, s24  }
0x28: {  	[spmem:s3] =	stream.indirect.scatter.add.f32 [tilespmem:s29], [sflag:$0x3], $0x80, s21, s16, $0xb8;
	[tilespmem:$0x1E900] =	vst v63  }
0x29: {  	s31 =	sadd.s32 s5, s30;
	s22 =	sshll.u32 s22, $0x7;
	s21 =	sand.u32 $0x380, s21  }
0x2a: {  	s24 =	simm.s32 $0x3;
	_ =	swait.ge [sflag:s15], $0x4000;
	s21 =	sor.u32 s21, s31  }
0x2b: {  	s23 =	simm.s32 $0x2;
	[sflag:s15] =	ssyncset.done $0x0;
	s21 =	sshrl.u32 s21, $0x3  }
0x2c: {  	s25 =	simm.s32 $0x1;
	[sflag:s15] =	ssyncadd.s32 $0xFFFFC000;
	s21 =	sadd.s32 s2, s21  }
0x2d: {  	[tilespmem:s22], [sflag:$0x3] =	stream.linear.gather [hbm4b:s21+s4], $0x80, $0x38;
	[tilespmem:$0x1E900] =	vst v63  }
0x2e: {  	s21 =	simm.s32 $0x180;
	s22 =	simm.s32 $0x180;
	_ =	swait.ge [sflag:s15], $0x80  }
.LBB2_2:
0x2f: {  	s25 =	sand.u32 $0x1, s25  }
0x30: {  	[sflag:s15] =	ssyncset.done $0x0;
	s26 =	smov.u32 s24;
	s28 =	sadd.s32 $0x1, s24  }
0x31: {  	s29 =	sshll.u32 s25, $0xE;
	s30 =	sadd.s32 $0x1, s25;
	[sflag:s15] =	ssyncadd.s32 $0xFFFFFF80  }
0x32: {  	p0 =	sne.s32 s24, $0x4E;
	s23 =	sand.u32 $0x1, s23;
	_ =	swait.ge [sflag:s30], $0x4000  }
0x33: {  	s24 =	sshll.u32 s23, $0xE;
	s31 =	sadd.s32 $0x1, s23;
	[sflag:s30] =	ssyncset.done $0x0  }
0x34: {  	s23 =	sshll.u32 s23, $0x7;
	s24 =	sor.u32 $0x2900, s24;
	[sflag:s30] =	ssyncadd.s32 $0xFFFFC000  }
0x35: {  	[tilespmem:s24], [sflag:s31] =	stream.indirect.gather [hbm4b:s6+s16], $0x80, s23, s16, $0xb8;
	[tilespmem:$0x1E900] =	vst v63  }
0x36: {  	s23 =	sor.u32 $0x2900, s29;
	s24 =	sand.u32 $0x7C00, s21;
	s29 =	sand.u32 $0x380, s21  }
0x37: {  	[spmem:s3] =	stream.indirect.scatter.add.f32 [tilespmem:s23], [sflag:$0x3], $0x80, s22, s16, $0xb8;
	[tilespmem:$0x1E900] =	vst v63  }
0x38: {  	s24 =	sadd.s32 s5, s24;
	s23 =	smov.u32 s26;
	_ =	swait.ge [sflag:s15], $0x4000  }
.Ltmp0:
0x39: {  	s24 =	sor.u32 s29, s24;
	[sflag:s15] =	ssyncset.done $0x0;
	(pc) =	sbr.rel @p0 .LBB2_2-.Ltmp0, $4  }
0x3a: {  	s25 =	sshll.u32 s25, $0x7;
	s24 =	sshrl.u32 s24, $0x3;
	[sflag:s15] =	ssyncadd.s32 $0xFFFFC000  }
0x3b: {  	s21 =	sadd.s32 $0x80, s21;
	s22 =	sadd.s32 $0x80, s22;
	s24 =	sadd.s32 s2, s24  }
0x3c: {  	[tilespmem:s25], [sflag:$0x3] =	stream.linear.gather [hbm4b:s24+s4], $0x80, $0x38;
	[tilespmem:$0x1E900] =	vst v63  }
0x3d: {  	s25 =	sadd.s32 $0xFFFFFFFF, s23;
	s24 =	smov.u32 s28;
	_ =	swait.ge [sflag:s15], $0x80  }
0x3e: {  	s24 =	sand.u32 $0x1, s25;
	[sflag:s15] =	ssyncset.done $0x0  }
0x3f: {  	s23 =	sand.u32 $0x1, s23;
	s25 =	sadd.s32 $0x1, s24;
	[sflag:s15] =	ssyncadd.s32 $0xFFFFFF80  }
0x40: {  	s26 =	sshll.u32 s24, $0xE;
	s28 =	sshll.u32 s23, $0xE;
	_ =	swait.ge [sflag:s25], $0x4000  }
0x41: {  	s29 =	sadd.s32 $0x1, s23;
	s23 =	sshll.u32 s23, $0x7;
	[sflag:s25] =	ssyncset.done $0x0  }
0x42: {  	s31 =	sor.u32 $0x2900, s28;
	s28 =	sand.u32 $0x7C00, s21;
	[sflag:s25] =	ssyncadd.s32 $0xFFFFC000  }
0x43: {  	[tilespmem:s31], [sflag:s29] =	stream.indirect.gather [hbm4b:s6+s16], $0x80, s23, s16, $0xb8;
	[tilespmem:$0x1E900] =	vst v63  }
0x44: {  	s26 =	sor.u32 $0x2900, s26;
	s30 =	sadd.s32 s5, s28;
	s29 =	sand.u32 $0x380, s21  }
0x45: {  	[spmem:s3] =	stream.indirect.scatter.add.f32 [tilespmem:s26], [sflag:$0x3], $0x80, s22, s16, $0xb8;
	[tilespmem:$0x1E900] =	vst v63  }
0x46: {  	s21 =	sor.u32 s29, s30;
	_ =	swait.ge [sflag:s15], $0x4000  }
0x47: {  	s21 =	sshrl.u32 s21, $0x3;
	[sflag:s15] =	ssyncset.done $0x0  }
0x48: {  	s31 =	sshll.u32 s24, $0x7;
	s21 =	sadd.s32 s2, s21;
	[sflag:s15] =	ssyncadd.s32 $0xFFFFC000  }
0x49: {  	[tilespmem:s31], [sflag:$0x3] =	stream.linear.gather [hbm4b:s21+s4], $0x80, $0x38;
	[tilespmem:$0x1E900] =	vst v63  }
0x4a: {  	_ =	swait.ge [sflag:s15], $0x80  }
0x4b: {  	[sflag:s15] =	ssyncset.done $0x0  }
0x4c: {  	[sflag:s15] =	ssyncadd.s32 $0xFFFFFF80  }
0x4d: {  	_ =	swait.ge [sflag:s18], $0x4000  }
0x4e: {  	[sflag:s18] =	ssyncset.done $0x0  }
0x4f: {  	[sflag:s18] =	ssyncadd.s32 $0xFFFFC000  }
0x50: {  	[spmem:s3] =	stream.indirect.scatter.add.f32 [tilespmem:s17], [sflag:$0x3], $0x80, s19, s16, $0xb8;
	[tilespmem:$0x1E900] =	vst v63  }
0x51: {  	_ =	swait.ge [sflag:s15], $0x4000  }
0x52: {  	s20 =	sadd.s32 $0x1, s20;
	[sflag:s15] =	ssyncset.done $0x0  }
0x53: {  	p0 =	sne.s32 s20, s13;
	[sflag:s15] =	ssyncadd.s32 $0xFFFFC000  }
.Ltmp1:
0x54: {  	[bflag:$0x0] =	sbarrier.arrive $0xFFFF;
	(pc) =	sbr.rel @p0 .LBB2_1-.Ltmp1, $4  }
0x55: {  	[hbm:s12], [sflag:s9] =	dma.local [spmem:s14], $0x2800  }
0x56: {  	_ =	swait.ge [sflag:s15], $0x2800  }
0x57: {  	[sflag:s15] =	ssyncset.done $0x0  }
0x58: {  	[sflag:s15] =	ssyncadd.s32 $0xFFFFD800  }
0x59: {  	_ =	sfence.sel $0x180000  }
0x5a: {  	[bflag:$0x0] =	sbarrier.arrive $0xFFFF  }
0x5b: {  	p0 =	sne.s32 s0, $0x0;
	_ =	strace $0x9000004A  }
0x5c: {  	s0 =	sadd.s32 @!p0 $0x100000, s1;
	[bflag:$0x2] =	sbarrier.arrive $0xFFFF  }
0x5d: {  	[sflag:s0] =	ssyncadd.tile.s32 @!p0 $0x1;
	_ =	shalt  }
.Lfunc_end2:
_tile_overlayer_lowered:
.L_overlay_start_2:
0x5e: {  	(tag) =	ssettag $0x2  }
0x5f: {  	s0 =	rddreg [dreg:$0x0];
	s2 =	stileid.u32  }
0x60: {  	s1 =	rddreg [dreg:$0x1];
	p0 =	sne.s32 s2, $0x0  }
0x61: {  	s3 =	rddreg [dreg:$0x2];
	[bflag:$0x3] =	sbarrier.arrive $0xFFFF;
	s2 =	simm.s32 @!p0 $0x1C03  }
0x62: {  	[timem:s3], [sflag:s2] =	dma.local @!p0 [hbm:s0], s1  }
0x63: {  	s0 =	simm.s32 @!p0 $0x3  }
0x64: {  	_ =	swait.ge @!p0 [sflag:s0], s1  }
0x65: {  	s1 =	ssub.s32 @!p0 $0x0, s1;
	[sflag:s0] =	ssyncset.done @!p0 $0x0  }
0x66: {  	[sflag:s0] =	ssyncadd.s32 @!p0 s1  }
0x67: {  	[bflag:$0x3] =	sbarrier.arrive $0xFFFF  }
0x68: {  	_ =	shalt  }

// kernel: _run.16.cloned.1.call-start
scs
__scs_entry_jumppad:
0x0: {  	(pc) =	sbr.rel $0x88, $3  }
0x1: {  	(tag) =	ssettag $0x0;
	lr =	simm.s32 $0x1  }
0x2: {  	[smem:$0x3F91] =	sst lr;
	_ =	strace $0xD0000000  }
0x3: {  	_ = 	snop  }
0x4: {  	_ = 	snop  }
0x5: {  	_ = 	snop  }
0x6: {  	_ = 	snop  }
0x7: {  	_ = 	snop  }
__scs_overlays_trampoline_lowered:
0x8: {  	[smem:$0x3FA0] =	sst s0  }
0x9: {  	[smem:$0x3FA1] =	sst s1  }
0xa: {  	[smem:$0x3FA2] =	sst s2  }
0xb: {  	[smem:$0x3FA3] =	sst s3  }
0xc: {  	[smem:$0x3FA4] =	sst s4  }
0xd: {  	[smem:$0x3FA5] =	sst s5  }
0xe: {  	[smem:$0x3FA6] =	sst s6  }
0xf: {  	[smem:$0x3FA7] =	sst s7  }
0x10: {  	[smem:$0x3FA8] =	sst s8  }
0x11: {  	[smem:$0x3FA9] =	sst s9;
	s0 =	simm.s32 @!p0 $0x0  }
0x12: {  	s1 =	sld [smem:$0x3F8F];
	s0 =	simm.s32 @p0 $0x1  }
0x13: {  	[smem:$0x3FAA] =	sst s0;
	s0 =	simm.s32 @!p1 $0x0  }
0x14: {  	s2 =	sld [smem:$0x3F8E];
	s0 =	simm.s32 @p1 $0x1  }
0x15: {  	[smem:$0x3FAB] =	sst s0;
	s0 =	simm.s32 @!p2 $0x0  }
0x16: {  	s3 =	sld [smem:$0x3FDB];
	s0 =	simm.s32 @p2 $0x1  }
0x17: {  	s4 =	simm.s32 $0x1BF5;
	[smem:$0x3FAD] =	sst s0  }
0x18: {  	s0 =	sld [smem:$0x3F90];
	_ =	swait.ge [sflag:s4], $0x0  }
0x19: {  	s7 =	sld [smem:$0x3F91]  }
0x1a: {  	s8 =	sadd.s32 $0xFFFFE003, lr  }
0x1b: {  	s9 =	sadd.s32 $0xFFFFFEF7, lr;
	s5 =	simm.s32 $0xFFFFFFFF;
	p2 =	slt.u32 s8, $0xFFFFF086  }
0x1c: {  	p1 =	slt.u32 s9, $0xF7A;
	s5 =	simm.s32 @!p2 $0x0  }
0x1d: {  	s5 =	simm.s32 @p1 $0x1;
	p0 =	seq.s32 s7, s2  }
0x1e: {  	s7 =	smul.u32 @!p0 $0xF7A, s2;
	p2 =	seq.s32 @!p0 s5, $0x0  }
0x1f: {  	s9 =	smul.u32 $0xF7A, s1;
	s8 =	simm.s32 @!p0 $0x1BF5;
	p2 =	por !p2, p0  }
0x20: {  	[sflag:s8] =	ssyncset.s32 @!p0 $0xFFFFF086;
	s6 =	sadd.s32 @!p0 s3, s7;
	s7 =	simm.s32 @!p0 $0x108  }
0x21: {  	s3 =	sadd.s32 s3, s9;
	s6 =	sadd.s32 @!p0 $0x88, s6;
	s7 =	simm.s32 @p2 $0x1082  }
0x22: {  	[simem:s7], [sflag:s8] =	dma.local @!p0 [hbm:s6], $0xF7A  }
0x23: {  	s9 =	sor.u32 $0xD0000000, s2;
	s6 =	simm.s32 $0x108;
	_ =	swait.ge @!p0 [sflag:s8], $0x0  }
0x24: {  	s3 =	sadd.s32 $0x88, s3;
	s6 =	simm.s32 @!p1 $0x1082;
	[sflag:s4] =	ssyncset.s32 $0xFFFFF086  }
0x25: {  	[simem:s6], [sflag:s4] =	dma.local [hbm:s3], $0xF7A  }
0x26: {  	[smem:$0x3F91] =	sst s1;
	(tag) =	ssettag s2;
	_ =	strace s9  }
0x27: {  	s1 =	sld [smem:$0x3FA1]  }
0x28: {  	s2 =	sld [smem:$0x3FA2]  }
0x29: {  	s4 =	sld [smem:$0x3FA4]  }
0x2a: {  	p0 =	seq.s32 s5, $0x0;
	s5 =	sld [smem:$0x3FA5]  }
0x2b: {  	s6 =	sld [smem:$0x3FA6]  }
0x2c: {  	s7 =	sld [smem:$0x3FA7]  }
0x2d: {  	s3 =	simm.s32 $0x108;
	s8 =	sld [smem:$0x3FA8]  }
0x2e: {  	s3 =	simm.s32 @!p0 $0x1082;
	s9 =	sld [smem:$0x3FA9]  }
0x2f: {  	lr =	sadd.s32 s0, s3;
	s0 =	sld [smem:$0x3FA0]  }
0x30: {  	s3 =	sld [smem:$0x3FA3]  }
0x31: {  	[smem:$0x3FAC] =	sst s10  }
0x32: {  	s10 =	sld [smem:$0x3FAA];
	_ =	sdelay $0x3  }
0x33: {  	p0 =	seq.s32 s10, $0x1;
	s10 =	sld [smem:$0x3FAC];
	_ =	sdelay $0x3  }
0x34: {  	[smem:$0x3FAC] =	sst s10  }
0x35: {  	s10 =	sld [smem:$0x3FAB];
	_ =	sdelay $0x3  }
0x36: {  	p1 =	seq.s32 s10, $0x1;
	s10 =	sld [smem:$0x3FAC];
	_ =	sdelay $0x3  }
0x37: {  	[smem:$0x3FAC] =	sst s10  }
0x38: {  	s10 =	sld [smem:$0x3FAD]  }
0x39: {  	_ = 	snop;
	(pc) =	sbr.ind lr, $3  }
0x3a: {  	_ = 	snop  }
0x3b: {  	_ = 	snop  }
0x3c: {  	p2 =	seq.s32 s10, $0x1;
	s10 =	sld [smem:$0x3FAC]  }
0x3d: {  	_ =	shalt  }
0x3e: {  	_ =	shalt  }
0x3f: {  	_ =	shalt  }
0x40: {  	_ =	shalt  }
0x41: {  	_ =	shalt  }
0x42: {  	_ =	shalt  }
0x43: {  	_ =	shalt  }
0x44: {  	_ =	shalt  }
0x45: {  	_ =	shalt  }
0x46: {  	_ =	shalt  }
0x47: {  	_ =	shalt  }
0x48: {  	_ =	shalt  }
0x49: {  	_ =	shalt  }
0x4a: {  	_ =	shalt  }
0x4b: {  	_ =	shalt  }
0x4c: {  	_ =	shalt  }
0x4d: {  	_ =	shalt  }
0x4e: {  	_ =	shalt  }
0x4f: {  	_ =	shalt  }
0x50: {  	_ =	shalt  }
0x51: {  	_ =	shalt  }
0x52: {  	_ =	shalt  }
0x53: {  	_ =	shalt  }
0x54: {  	_ =	shalt  }
0x55: {  	_ =	shalt  }
0x56: {  	_ =	shalt  }
0x57: {  	_ =	shalt  }
0x58: {  	_ =	shalt  }
0x59: {  	_ =	shalt  }
0x5a: {  	_ =	shalt  }
0x5b: {  	_ =	shalt  }
0x5c: {  	_ =	shalt  }
0x5d: {  	_ =	shalt  }
0x5e: {  	_ =	shalt  }
0x5f: {  	_ =	shalt  }
0x60: {  	_ =	shalt  }
0x61: {  	_ =	shalt  }
0x62: {  	_ =	shalt  }
0x63: {  	_ =	shalt  }
0x64: {  	_ =	shalt  }
0x65: {  	_ =	shalt  }
0x66: {  	_ =	shalt  }
0x67: {  	_ =	shalt  }
0x68: {  	_ =	shalt  }
0x69: {  	_ =	shalt  }
0x6a: {  	_ =	shalt  }
0x6b: {  	_ =	shalt  }
0x6c: {  	_ =	shalt  }
0x6d: {  	_ =	shalt  }
0x6e: {  	_ =	shalt  }
0x6f: {  	_ =	shalt  }
0x70: {  	_ =	shalt  }
0x71: {  	_ =	shalt  }
0x72: {  	_ =	shalt  }
0x73: {  	_ =	shalt  }
0x74: {  	_ =	shalt  }
0x75: {  	_ =	shalt  }
0x76: {  	_ =	shalt  }
0x77: {  	_ =	shalt  }
0x78: {  	_ =	shalt  }
0x79: {  	_ =	shalt  }
0x7a: {  	_ =	shalt  }
0x7b: {  	_ =	shalt  }
0x7c: {  	_ =	shalt  }
0x7d: {  	_ =	shalt  }
0x7e: {  	_ =	shalt  }
0x7f: {  	_ =	shalt  }
0x80: {  	_ =	shalt  }
0x81: {  	_ =	shalt  }
0x82: {  	_ =	shalt  }
0x83: {  	_ =	shalt  }
0x84: {  	_ =	shalt  }
0x85: {  	_ =	shalt  }
0x86: {  	_ =	shalt  }
0x87: {  	_ =	shalt  }
.Lfunc_end0:
.L_simem_size_0:
called_computation.2_lowered:
.L_overlay_start_0:
0x88: {  	s2 =	sld [smem:$0x3FD9]  }
0x89: {  	s3 =	sld [smem:$0x3FFE];
	_ =	sdelay $0x1  }
0x8a: {  	s1 =	srdreg.scid  }
0x8b: {  	s0 =	sand.u32 $0x1, s1  }
0x8c: {  	s14 =	sshll.u32 s0, $0xA;
	s2 =	sadd.s32 s3, s2  }
0x8d: {  	s2 =	sadd.s32 s2, s14  }
0x8e: {  	[smem:$0x3FB8] =	sst s2  }
0x8f: {  	_ = 	snop  }
0x90: {  	s2 =	sld [smem:$0x3FD0];
	_ =	sdelay $0x2  }
0x91: {  	s15 =	simm.s32 $0xA;
	s4 =	simm.s32 $0x10  }
0x92: {  	[smem:s4], [sflag:s15] =	dma.local [hbm:s2], $0x1  }
0x93: {  	_ =	swait.eq [sflag:s15], $0x1  }
0x94: {  	[sflag:s15] =	ssyncset.done $0x0  }
0x95: {  	[sflag:s15] =	ssyncadd.s32 $0xFFFFFFFF  }
0x96: {  	s16 =	sld [smem:$0x11];
	(tm) =	ssettm $0x1  }
0x97: {  	s17 =	sld [smem:$0x3FFB];
	_ =	sdelay $0x3  }
0x98: {  	_ =	strace s17  }
0x99: {  	s3 =	sld [smem:$0x3FFC];
	_ =	sdelay $0x3  }
0x9a: {  	_ =	strace s3  }
0x9b: {  	s3 =	sld [smem:$0x3FFD];
	_ =	sdelay $0x3  }
0x9c: {  	_ =	strace s3  }
0x9d: {  	_ =	strace $0x8FFFFFFF  }
0x9e: {  	s18 =	sld [smem:$0x3FDB];
	_ =	sdelay $0x1  }
0x9f: {  	s19 =	simm.s32 $_scs_section_size  }
0xa0: {  	s5 =	simm.s32 $_size__tile_overlayer_lowered;
	s6 =	simm.s32 $_tile_overlayer_lowered  }
0xa1: {  	s22 =	simm.s32 $0x1BFF;
	s21 =	sshll.u32 s6, $0x1;
	s3 =	sadd.s32 s19, s18  }
0xa2: {  	s7 =	simm.s32 $0x0;
	s20 =	sshll.u32 s5, $0x1;
	s5 =	sadd.s32 s21, s3  }
0xa3: {  	[timem:s7], [sflag:s22] =	dma.local [hbm:s5], s20  }
0xa4: {  	_ =	swait.ge [sflag:s22], s20  }
0xa5: {  	s4 =	ssub.s32 $0x0, s20;
	[sflag:s22] =	ssyncset.done $0x0  }
0xa6: {  	[sflag:s22] =	ssyncadd.s32 s4;
	_ =	sdelay $0x1  }
0xa7: {  	s23 =	simm.s32 $0x1B8B  }
0xa8: {  	_ =	swait.ge [sflag:s23], $0x1  }
0xa9: {  	[sflag:s23] =	ssyncset.done $0x0  }
0xaa: {  	s25 =	simm.s32 $0x1B8E;
	s24 =	sld [smem:$0x3FFE];
	[sflag:s23] =	ssyncadd.s32 $0xFFFFFFFF  }
0xab: {  	s26 =	simm.s32 $execute0_lowered;
	[smem:$0x3FD2] =	sst s25  }
0xac: {  	s5 =	sshll.u32 s26, $0x1;
	_ =	strace $0x8000004C;
	[dreg:$0x1] =	wrdreg $0xFFFFFFFF  }
0xad: {  	s28 =	simm.s32 $_size_execute0_lowered;
	s3 =	sadd.s32 s3, s5;
	[dreg:$0x0] =	wrdreg $0x0  }
0xae: {  	s5 =	sshll.u32 s28, $0x1;
	[dreg:$0x2] =	wrdreg s3  }
0xaf: {  	[dreg:$0x3] =	wrdreg s5  }
0xb0: {  	[dreg:$0x4] =	wrdreg $0xC0  }
0xb1: {  	_ =	task [dreg:s7], $0x5FFFF  }
0xb2: {  	[dreg:$0x1] =	wrdreg $0xFFFFFFFF  }
0xb3: {  	[dreg:$0x0] =	wrdreg $0x60  }
0xb4: {  	[dreg:$0x2] =	wrdreg s24  }
0xb5: {  	[dreg:$0x3] =	wrdreg s16  }
0xb6: {  	[dreg:$0x4] =	wrdreg $0xA9000  }
0xb7: {  	[dreg:$0x5] =	wrdreg $0x9  }
0xb8: {  	_ =	task.clear_ibuf [dreg:s7], $0x6FFFF;
	_ =	strace $0x9000004C  }
0xb9: {  	s29 =	simm.s32 $0x9;
	_ =	strace $0x8000004E  }
0xba: {  	_ =	swait.ge [sflag:s29], $0x1  }
0xbb: {  	[sflag:s29] =	ssyncadd.s32 $0xFFFFFFFF  }
0xbc: {  	_ =	strace $0x9000004E  }
0xbd: {  	_ =	sfence  }
0xbe: {  	s30 =	sld [smem:$0x0];
	_ =	sdelay $0x2  }
0xbf: {  	s31 =	sshll.u32 s1, $0xD;
	s1 =	sshrl.u32 s1, $0x2  }
0xc0: {  	s3 =	sand.u32 $0x4000, s31;
	s1 =	sadd.s32 s1, s30  }
0xc1: {  	s0 =	sor.u32 s3, s0;
	s1 =	sshll.u32 s1, $0x11  }
0xc2: {  	s0 =	sor.u32 s1, s0  }
0xc3: {  	s0 =	sadd.s32 $0x8F2B, s0  }
0xc4: {  	[sflag:s0] =	ssyncadd.remote.s32 $0x1  }
0xc5: {  	_ =	sfence.sel $0xFFFF  }
0xc6: {  	[dreg:$0x0] =	wrdreg $0xFFFFFFFF;
	(pc) =	sbr.abs _section_cstart, $3  }
0xc7: {  	[dreg:$0x1] =	wrdreg $0xFFFFFFFF  }
0xc8: {  	_ =	task.clear_ibuf [dreg:s7], $0x2FFFF;
	_ =	strace $0x9FFFFFFF  }
0xc9: {  	(tm) =	ssettm $0x7FFFFFFF  }
tec
execute0_lowered:
.L_overlay_start_1:
0x0: {  	(tag) =	ssettag $0x1  }
0x1: {  	s7 =	rddreg [dreg:$0x0]  }
0x2: {  	s1 =	srdreg.scid;
	s2 =	rddreg [dreg:$0x1]  }
0x3: {  	s0 =	stileid.u32;
	s3 =	rddreg [dreg:$0x2];
	s4 =	simm.s32 $0x0  }
0x4: {  	s18 =	simm.s32 $0x1;
	s19 =	simm.s32 $0x2800;
	s20 =	simm.s32 $0x0  }
0x5: {  	s8 =	sand.u32 $0x1, s1;
	s29 =	sshll.u32 s0, $0x1;
	s1 =	rddreg [dreg:$0x3]  }
0x6: {  	[smem:$0x7FF] =	sst s4;
	s9 =	smul.u32 $0x2800, s0;
	s6 =	sadd.s32 $0x18800, s7  }
0x7: {  	s12 =	smul.u32 $0x50000, s0;
	s31 =	sshll.u32 s0, $0x6;
	s5 =	sor.u32 s8, s29  }
0x8: {  	_ =	strace $0x8000004D;
	s10 =	smul.u32 $0x28000, s8;
	s8 =	ssub.s32 $0x2, s8  }
0x9: {  	s5 =	smul.u32 $0x2800, s5;
	s14 =	sadd.s32 s9, s7;
	s30 =	sshrl.u32 s8, $0x1  }
0xa: {  	s12 =	sshrl.u32 s12, $0x2;
	s9 =	sadd.s32 s9, s10;
	s16 =	ssub.s32 s8, s30  }
0xb: {  	s17 =	sadd.s32 s12, s3;
	s11 =	sshrl.u32 s5, $0x3;
	s15 =	sadd.s32 s9, s7  }
0xc: {  	s9 =	sor.u32 $0x1C03, s31;
	s13 =	sadd.s32 s11, s7;
	s7 =	sadd.s32 $0x68800, s14  }
0xd: {  	s8 =	sadd.s32 s2, s11;
	s12 =	sadd.s32 $0x90800, s15;
	s14 =	sshrl.u32 s17, $0x3  }
0xe: {  	s15 =	simm.s32 $0x3;
	s17 =	simm.s32 $0x2900;
	s10 =	sadd.s32 $0xE800, s13  }
0xf: {  	s11 =	sadd.s32 $0x10, s8;
	s13 =	smax.u32 s16, $0x1;
	s16 =	simm.s32 $0x80  }
.LBB2_1:
0x10: {  	[spmem:s14], [sflag:s9] =	dma.local [hbm:s7], $0x2800  }
0x11: {  	_ =	swait.ge [sflag:s15], $0x2800  }
0x12: {  	[sflag:s15] =	ssyncset.done $0x0  }
0x13: {  	s21 =	simm.s32 $0x100;
	[sflag:s15] =	ssyncadd.s32 $0xFFFFD800  }
0x14: {  	[tilespmem:s21], [sflag:$0x3] =	stream.linear.gather [hbm4b:s10+s4], $0x2780, $0x38;
	[tilespmem:$0x1E900] =	vst v63  }
0x15: {  	_ =	swait.ge [sflag:s15], $0x2780  }
0x16: {  	[sflag:s15] =	ssyncset.done $0x0  }
0x17: {  	[sflag:s15] =	ssyncadd.s32 $0xFFFFD880  }
0x18: {  	[bflag:$0x0] =	sbarrier.arrive $0xFFFF  }
0x19: {  	[tilespmem:s4], [sflag:$0x3] =	stream.linear.gather [hbm4b:s8+s4], $0x80, $0x38;
	[tilespmem:$0x1E900] =	vst v63  }
0x1a: {  	_ =	swait.ge [sflag:s15], $0x80  }
0x1b: {  	[sflag:s15] =	ssyncset.done $0x0  }
0x1c: {  	[sflag:s15] =	ssyncadd.s32 $0xFFFFFF80  }
0x1d: {  	[tilespmem:s17], [sflag:$0x1] =	stream.indirect.gather [hbm4b:s6+s16], $0x80, s4, s16, $0xb8;
	[tilespmem:$0x1E900] =	vst v63  }
0x1e: {  	_ = 	snop  }
0x1f: {  	[tilespmem:s16], [sflag:$0x3] =	stream.linear.gather [hbm4b:s11+s4], $0x80, $0x38;
	[tilespmem:$0x1E900] =	vst v63  }
0x20: {  	s22 =	simm.s32 $0x0;
	_ =	swait.ge [sflag:s15], $0x80  }
0x21: {  	s22 =	sand.u32 $0x1, s22;
	[sflag:s15] =	ssyncset.done $0x0  }
0x22: {  	s25 =	sand.u32 $0x1, s18;
	s23 =	sadd.s32 $0x1, s22;
	[sflag:s15] =	ssyncadd.s32 $0xFFFFFF80  }
0x23: {  	s26 =	sshll.u32 s25, $0xE;
	_ =	swait.ge [sflag:s23], $0x4000  }
0x24: {  	s28 =	sadd.s32 $0x1, s25;
	s25 =	sshll.u32 s25, $0x7;
	[sflag:s23] =	ssyncset.done $0x0  }
0x25: {  	s24 =	sshll.u32 s22, $0xE;
	s26 =	sor.u32 $0x2900, s26;
	[sflag:s23] =	ssyncadd.s32 $0xFFFFC000  }
0x26: {  	[tilespmem:s26], [sflag:s28] =	stream.indirect.gather [hbm4b:s6+s16], $0x80, s25, s16, $0xb8;
	[tilespmem:$0x1E900] =	vst v63  }
0x27: {  	s30 =	sand.u32 $0x7C00, s21;
	s29 =	sor.u32 $0x2900, s24  }
0x28: {  	[spmem:s3] =	stream.indirect.scatter.add.f32 [tilespmem:s29], [sflag:$0x3], $0x80, s21, s16, $0xb8;
	[tilespmem:$0x1E900] =	vst v63  }
0x29: {  	s31 =	sadd.s32 s5, s30;
	s22 =	sshll.u32 s22, $0x7;
	s21 =	sand.u32 $0x380, s21  }
0x2a: {  	s24 =	simm.s32 $0x3;
	_ =	swait.ge [sflag:s15], $0x4000;
	s21 =	sor.u32 s21, s31  }
0x2b: {  	s23 =	simm.s32 $0x2;
	[sflag:s15] =	ssyncset.done $0x0;
	s21 =	sshrl.u32 s21, $0x3  }
0x2c: {  	s25 =	simm.s32 $0x1;
	[sflag:s15] =	ssyncadd.s32 $0xFFFFC000;
	s21 =	sadd.s32 s2, s21  }
0x2d: {  	[tilespmem:s22], [sflag:$0x3] =	stream.linear.gather [hbm4b:s21+s4], $0x80, $0x38;
	[tilespmem:$0x1E900] =	vst v63  }
0x2e: {  	s21 =	simm.s32 $0x180;
	s22 =	simm.s32 $0x180;
	_ =	swait.ge [sflag:s15], $0x80  }
.LBB2_2:
0x2f: {  	s25 =	sand.u32 $0x1, s25  }
0x30: {  	[sflag:s15] =	ssyncset.done $0x0;
	s26 =	smov.u32 s24;
	s28 =	sadd.s32 $0x1, s24  }
0x31: {  	s29 =	sshll.u32 s25, $0xE;
	s30 =	sadd.s32 $0x1, s25;
	[sflag:s15] =	ssyncadd.s32 $0xFFFFFF80  }
0x32: {  	p0 =	sne.s32 s24, $0x4E;
	s23 =	sand.u32 $0x1, s23;
	_ =	swait.ge [sflag:s30], $0x4000  }
0x33: {  	s24 =	sshll.u32 s23, $0xE;
	s31 =	sadd.s32 $0x1, s23;
	[sflag:s30] =	ssyncset.done $0x0  }
0x34: {  	s23 =	sshll.u32 s23, $0x7;
	s24 =	sor.u32 $0x2900, s24;
	[sflag:s30] =	ssyncadd.s32 $0xFFFFC000  }
0x35: {  	[tilespmem:s24], [sflag:s31] =	stream.indirect.gather [hbm4b:s6+s16], $0x80, s23, s16, $0xb8;
	[tilespmem:$0x1E900] =	vst v63  }
0x36: {  	s23 =	sor.u32 $0x2900, s29;
	s24 =	sand.u32 $0x7C00, s21;
	s29 =	sand.u32 $0x380, s21  }
0x37: {  	[spmem:s3] =	stream.indirect.scatter.add.f32 [tilespmem:s23], [sflag:$0x3], $0x80, s22, s16, $0xb8;
	[tilespmem:$0x1E900] =	vst v63  }
0x38: {  	s24 =	sadd.s32 s5, s24;
	s23 =	smov.u32 s26;
	_ =	swait.ge [sflag:s15], $0x4000  }
.Ltmp0:
0x39: {  	s24 =	sor.u32 s29, s24;
	[sflag:s15] =	ssyncset.done $0x0;
	(pc) =	sbr.rel @p0 .LBB2_2-.Ltmp0, $4  }
0x3a: {  	s25 =	sshll.u32 s25, $0x7;
	s24 =	sshrl.u32 s24, $0x3;
	[sflag:s15] =	ssyncadd.s32 $0xFFFFC000  }
0x3b: {  	s21 =	sadd.s32 $0x80, s21;
	s22 =	sadd.s32 $0x80, s22;
	s24 =	sadd.s32 s2, s24  }
0x3c: {  	[tilespmem:s25], [sflag:$0x3] =	stream.linear.gather [hbm4b:s24+s4], $0x80, $0x38;
	[tilespmem:$0x1E900] =	vst v63  }
0x3d: {  	s25 =	sadd.s32 $0xFFFFFFFF, s23;
	s24 =	smov.u32 s28;
	_ =	swait.ge [sflag:s15], $0x80  }
0x3e: {  	s24 =	sand.u32 $0x1, s25;
	[sflag:s15] =	ssyncset.done $0x0  }
0x3f: {  	s23 =	sand.u32 $0x1, s23;
	s25 =	sadd.s32 $0x1, s24;
	[sflag:s15] =	ssyncadd.s32 $0xFFFFFF80  }
0x40: {  	s26 =	sshll.u32 s24, $0xE;
	s28 =	sshll.u32 s23, $0xE;
	_ =	swait.ge [sflag:s25], $0x4000  }
0x41: {  	s29 =	sadd.s32 $0x1, s23;
	s23 =	sshll.u32 s23, $0x7;
	[sflag:s25] =	ssyncset.done $0x0  }
0x42: {  	s31 =	sor.u32 $0x2900, s28;
	s28 =	sand.u32 $0x7C00, s21;
	[sflag:s25] =	ssyncadd.s32 $0xFFFFC000  }
0x43: {  	[tilespmem:s31], [sflag:s29] =	stream.indirect.gather [hbm4b:s6+s16], $0x80, s23, s16, $0xb8;
	[tilespmem:$0x1E900] =	vst v63  }
0x44: {  	s26 =	sor.u32 $0x2900, s26;
	s30 =	sadd.s32 s5, s28;
	s29 =	sand.u32 $0x380, s21  }
0x45: {  	[spmem:s3] =	stream.indirect.scatter.add.f32 [tilespmem:s26], [sflag:$0x3], $0x80, s22, s16, $0xb8;
	[tilespmem:$0x1E900] =	vst v63  }
0x46: {  	s21 =	sor.u32 s29, s30;
	_ =	swait.ge [sflag:s15], $0x4000  }
0x47: {  	s21 =	sshrl.u32 s21, $0x3;
	[sflag:s15] =	ssyncset.done $0x0  }
0x48: {  	s31 =	sshll.u32 s24, $0x7;
	s21 =	sadd.s32 s2, s21;
	[sflag:s15] =	ssyncadd.s32 $0xFFFFC000  }
0x49: {  	[tilespmem:s31], [sflag:$0x3] =	stream.linear.gather [hbm4b:s21+s4], $0x80, $0x38;
	[tilespmem:$0x1E900] =	vst v63  }
0x4a: {  	_ =	swait.ge [sflag:s15], $0x80  }
0x4b: {  	[sflag:s15] =	ssyncset.done $0x0  }
0x4c: {  	[sflag:s15] =	ssyncadd.s32 $0xFFFFFF80  }
0x4d: {  	_ =	swait.ge [sflag:s18], $0x4000  }
0x4e: {  	[sflag:s18] =	ssyncset.done $0x0  }
0x4f: {  	[sflag:s18] =	ssyncadd.s32 $0xFFFFC000  }
0x50: {  	[spmem:s3] =	stream.indirect.scatter.add.f32 [tilespmem:s17], [sflag:$0x3], $0x80, s19, s16, $0xb8;
	[tilespmem:$0x1E900] =	vst v63  }
0x51: {  	_ =	swait.ge [sflag:s15], $0x4000  }
0x52: {  	s20 =	sadd.s32 $0x1, s20;
	[sflag:s15] =	ssyncset.done $0x0  }
0x53: {  	p0 =	sne.s32 s20, s13;
	[sflag:s15] =	ssyncadd.s32 $0xFFFFC000  }
.Ltmp1:
0x54: {  	[bflag:$0x0] =	sbarrier.arrive $0xFFFF;
	(pc) =	sbr.rel @p0 .LBB2_1-.Ltmp1, $4  }
0x55: {  	[hbm:s12], [sflag:s9] =	dma.local [spmem:s14], $0x2800  }
0x56: {  	_ =	swait.ge [sflag:s15], $0x2800  }
0x57: {  	[sflag:s15] =	ssyncset.done $0x0  }
0x58: {  	[sflag:s15] =	ssyncadd.s32 $0xFFFFD800  }
0x59: {  	_ =	sfence.sel $0x180000  }
0x5a: {  	[bflag:$0x0] =	sbarrier.arrive $0xFFFF  }
0x5b: {  	p0 =	sne.s32 s0, $0x0;
	_ =	strace $0x9000004D  }
0x5c: {  	s0 =	sadd.s32 @!p0 $0x100000, s1;
	[bflag:$0x2] =	sbarrier.arrive $0xFFFF  }
0x5d: {  	[sflag:s0] =	ssyncadd.tile.s32 @!p0 $0x1;
	_ =	shalt  }
.Lfunc_end2:
_tile_overlayer_lowered:
.L_overlay_start_2:
0x5e: {  	(tag) =	ssettag $0x2  }
0x5f: {  	s0 =	rddreg [dreg:$0x0];
	s2 =	stileid.u32  }
0x60: {  	s1 =	rddreg [dreg:$0x1];
	p0 =	sne.s32 s2, $0x0  }
0x61: {  	s3 =	rddreg [dreg:$0x2];
	[bflag:$0x3] =	sbarrier.arrive $0xFFFF;
	s2 =	simm.s32 @!p0 $0x1C03  }
0x62: {  	[timem:s3], [sflag:s2] =	dma.local @!p0 [hbm:s0], s1  }
0x63: {  	s0 =	simm.s32 @!p0 $0x3  }
0x64: {  	_ =	swait.ge @!p0 [sflag:s0], s1  }
0x65: {  	s1 =	ssub.s32 @!p0 $0x0, s1;
	[sflag:s0] =	ssyncset.done @!p0 $0x0  }
0x66: {  	[sflag:s0] =	ssyncadd.s32 @!p0 s1  }
0x67: {  	[bflag:$0x3] =	sbarrier.arrive $0xFFFF  }
0x68: {  	_ =	shalt  }

</sc_bundles>
